<compile_context>
chip_gen: v7x
topology: tpu7x:2x2x1
jax: 0.10.2.dev20260603
libtpu: 0.0.44.dev20260713+nightly
codegen_flags: <defaults>
</compile_context>

<pallas_src>
import functools

import jax
import jax.numpy as jnp
from jax import lax
from jax.experimental import pallas as pl
from jax.experimental.pallas import tpu as pltpu
from jax.experimental.pallas import tpu_sc as plsc

N_N = 10000
N_E = 320000
D = 128
NC, NS = 2, 16
NW = NC * NS
EPW = N_E // NW
CHUNK = 80
NCH = EPW // CHUNK
RPS = 624
ZB = 48
DB = 208
REM = N_N - NS * RPS

_mesh = plsc.VectorSubcoreMesh(
    core_axis_name="c", subcore_axis_name="s", num_cores=NC, num_subcores=NS
)


@functools.partial(
    pl.kernel,
    out_type=jax.ShapeDtypeStruct((NC, N_N, D), jnp.float32),
    mesh=_mesh,
    scratch_types=[
        pltpu.VMEM((CHUNK,), jnp.int32),
        pltpu.VMEM((NCH, CHUNK), jnp.int32),
        pltpu.VMEM((CHUNK,), jnp.float32),
        pltpu.VMEM((CHUNK, D), jnp.float32),
        pltpu.VMEM_SHARED((N_N, D), jnp.float32),
    ],
)
def _sc_gather_scatter(src_hbm, dst_hbm, norm_hbm, x_hbm, out_hbm,
                       src_v, dst_v, norm_v, msg_v, h_sh):
    c = lax.axis_index("c")
    s = lax.axis_index("s")
    wid = s * NC + c
    r0 = pl.multiple_of(s * RPS, 8)

    pltpu.sync_copy(dst_hbm.at[wid], dst_v)

    zero = jnp.zeros((16,), jnp.float32)

    def _zrow(i, _):
        for j in range(D // 16):
            msg_v[i, pl.ds(16 * j, 16)] = zero
        return 0

    lax.fori_loop(0, ZB, _zrow, 0)
    for t in range(RPS // ZB):
        pltpu.sync_copy(msg_v.at[pl.ds(0, ZB), :],
                        h_sh.at[pl.ds(r0 + t * ZB, ZB), :])

    @pl.when(s == NS - 1)
    def _zero_tail():
        pltpu.sync_copy(msg_v.at[pl.ds(0, REM), :],
                        h_sh.at[pl.ds(NS * RPS, REM), :])

    plsc.subcore_barrier()

    e0 = wid * EPW

    def _chunk(k, _):
        pltpu.sync_copy(src_hbm.at[pl.ds(e0 + k * CHUNK, CHUNK)], src_v)
        pltpu.sync_copy(norm_hbm.at[pl.ds(e0 + k * CHUNK, CHUNK)], norm_v)
        pltpu.sync_copy(x_hbm.at[src_v], msg_v)

        def _scale(g, _):
            nv16 = norm_v[pl.ds(g * 16, 16)]
            for i in range(16):
                nvec = lax.gather(
                    nv16, jnp.full((16, 1), i, jnp.int32),
                    lax.GatherDimensionNumbers(
                        offset_dims=(), collapsed_slice_dims=(0,),
                        start_index_map=(0,)),
                    slice_sizes=(1,),
                    mode=lax.GatherScatterMode.PROMISE_IN_BOUNDS)
                e = g * 16 + i
                for j in range(D // 16):
                    msg_v[e, pl.ds(16 * j, 16)] = (
                        msg_v[e, pl.ds(16 * j, 16)] * nvec)
            return 0

        lax.fori_loop(0, CHUNK // 16, _scale, 0)
        pltpu.sync_copy(msg_v, h_sh.at[dst_v.at[k]], add=True)
        return 0

    lax.fori_loop(0, NCH, _chunk, 0)
    plsc.subcore_barrier()

    for t in range(RPS // DB):
        pltpu.sync_copy(h_sh.at[pl.ds(r0 + t * DB, DB), :],
                        out_hbm.at[c, pl.ds(r0 + t * DB, DB), :])

    @pl.when(s == NS - 1)
    def _drain_tail():
        pltpu.sync_copy(h_sh.at[pl.ds(NS * RPS, REM), :],
                        out_hbm.at[c, pl.ds(NS * RPS, REM), :])


def _finalize_body(p_ref, o_ref):
    a = p_ref[0] + p_ref[1]
    l2 = jnp.sqrt(jnp.sum(a * a, axis=1, keepdims=True))
    o_ref[...] = a / jnp.maximum(l2, 1e-12)


_R = 1000


def _finalize(partials):
    return pl.pallas_call(
        _finalize_body,
        grid=(N_N // _R,),
        in_specs=[pl.BlockSpec((NC, _R, D), lambda i: (0, i, 0))],
        out_specs=pl.BlockSpec((_R, D), lambda i: (i, 0)),
        out_shape=jax.ShapeDtypeStruct((N_N, D), jnp.float32),
    )(partials)


@jax.jit
def kernel(x, edge_index, norm):
    src = edge_index[0]
    dst = edge_index[1].reshape(NW, NCH, CHUNK)
    nrm = norm.reshape(N_E)
    partials = _sc_gather_scatter(src, dst, nrm, x)
    return _finalize(partials)

# --- scband reference (transcript-rebuilt; emitter-appended) ---
"""Pipeline reference for scband-gcnlayer-83751862272172 (READ-ONLY COPY).

The authoritative reference and input builder live on the scoring server;
editing this copy changes nothing except your own understanding.
"""

import jax, jax.numpy as jnp
import numpy as np

N_NODES = 10000
N_EDGES = 320000
D_FEAT = 128


def setup_inputs(seed: int = 0) -> dict:
    key = jax.random.key(seed)
    k1, k2, k3 = jax.random.split(key, 3)
    x = jax.random.normal(k1, (N_NODES, D_FEAT), dtype=jnp.float32)
    edge_index = jax.random.randint(k2, (2, N_EDGES), 0, N_NODES, dtype=jnp.int32)
    norm = jax.random.uniform(k3, (N_EDGES, 1), dtype=jnp.float32)
    return {"x": x, "edge_index": edge_index, "norm": norm}


def reference(x, edge_index, norm):
    # Flattened heterograph with a single canonical etype.
    src = edge_index[0]
    dst = edge_index[1]
    # message = norm * feat[src]   (copy_e + sum aggregation)
    messages = norm * jnp.take(x, src, axis=0)
    h = jax.ops.segment_sum(messages, dst, num_segments=N_NODES)
    # F.normalize(h, dim=1, p=2)
    l2 = jnp.sqrt(jnp.sum(h * h, axis=1, keepdims=True))
    out = h / jnp.maximum(l2, 1e-12)
    return out

if __name__ == "__main__":
    import jax
    _d = setup_inputs()
    print(jax.jit(kernel)(*tuple(_d.values())))

</pallas_src>

<mosaic_0001>
#map = affine_map<(d0, d1) -> (0)>
#map1 = affine_map<(d0, d1) -> (0, 0, 0)>
#map2 = affine_map<(d0, d1) -> (0, 0)>
module attributes {stable_mosaic.version = 14 : i64} {
  func.func @_sc_gather_scatter(%arg0: i32, %arg1: i32, %arg2: memref<320000xi32, #tpu.memory_space<hbm>>, %arg3: memref<32x125x80xi32, #tpu.memory_space<hbm>>, %arg4: memref<320000xf32, #tpu.memory_space<hbm>>, %arg5: memref<10000x128xf32, #tpu.memory_space<hbm>>, %arg6: memref<2x10000x128xf32, #tpu.memory_space<hbm>>, %arg7: memref<80xi32, #tpu.memory_space<vmem>>, %arg8: memref<125x80xi32, #tpu.memory_space<vmem>>, %arg9: memref<80xf32, #tpu.memory_space<vmem>>, %arg10: memref<80x128xf32, #tpu.memory_space<vmem>>, %arg11: memref<10000x128xf32, #tpu.memory_space<vmem_shared>>) attributes {dimension_semantics = [#tpu.dimension_semantics<core_parallel>, #tpu.dimension_semantics<subcore_parallel>], iteration_bounds = array<i64: 2, 16>, scalar_prefetch = 0 : i64, scratch_operands = 5 : i64, tpu.core_type = #tpu.core_type<sc_vector_subcore>, window_params = [{transform_indices = #map}, {transform_indices = #map1}, {transform_indices = #map}, {transform_indices = #map2}, {transform_indices = #map1}]} {
    %mul3A = arith.constant 2 : i32
    %mul3A_0 = arith.muli %arg1, %mul3A : i32
    %add3A = arith.addi %mul3A_0, %arg0 : i32
    %mul3A_1 = arith.constant 624 : i32
    %mul3A_2 = arith.muli %arg1, %mul3A_1 : i32
    %multiple_of3A = tpu.assume_multiple %mul3A_2, 8 : i32
    "tpu.region"() ({
      %run_scoped3A = tpu.sem_alloc : memref<!tpu.dma_semaphore, #tpu.memory_space<semaphore_mem>>
      %dma_start3A = arith.constant 0 : i32
      %dma_start3A_65 = arith.constant 0 : i32
      %dma_start3A_66 = tpu.memref_slice %arg3[%add3A, %dma_start3A, %dma_start3A_65] : memref<32x125x80xi32, #tpu.memory_space<hbm>> -> memref<1x125x80xi32, #tpu.memory_space<hbm>>
      %dma_start3A_67 = tpu.memref_squeeze %dma_start3A_66 : memref<1x125x80xi32, #tpu.memory_space<hbm>> -> memref<125x80xi32, #tpu.memory_space<hbm>>
      %dma_start3A_68 = arith.constant 0 : i32
      %dma_start3A_69 = arith.constant 0 : i32
      %dma_start3A_70 = tpu.memref_slice %arg3[%add3A, %dma_start3A_68, %dma_start3A_69] : memref<32x125x80xi32, #tpu.memory_space<hbm>> -> memref<1x125x80xi32, #tpu.memory_space<hbm>>
      %dma_start3A_71 = tpu.memref_squeeze %dma_start3A_70 : memref<1x125x80xi32, #tpu.memory_space<hbm>> -> memref<125x80xi32, #tpu.memory_space<hbm>>
      tpu.enqueue_dma source(%dma_start3A_71 : memref<125x80xi32, #tpu.memory_space<hbm>>) target(%arg8 : memref<125x80xi32, #tpu.memory_space<vmem>>) target_semaphore(%run_scoped3A : memref<!tpu.dma_semaphore, #tpu.memory_space<semaphore_mem>>)
      %dma_wait3A = arith.constant 0 : i32
      %dma_wait3A_72 = arith.constant 0 : i32
      %dma_wait3A_73 = tpu.memref_slice %arg3[%add3A, %dma_wait3A, %dma_wait3A_72] : memref<32x125x80xi32, #tpu.memory_space<hbm>> -> memref<1x125x80xi32, #tpu.memory_space<hbm>>
      %dma_wait3A_74 = tpu.memref_squeeze %dma_wait3A_73 : memref<1x125x80xi32, #tpu.memory_space<hbm>> -> memref<125x80xi32, #tpu.memory_space<hbm>>
      %dma_wait3A_75 = arith.constant 0 : i32
      %dma_wait3A_76 = arith.constant 0 : i32
      %dma_wait3A_77 = tpu.memref_slice %arg3[%add3A, %dma_wait3A_75, %dma_wait3A_76] : memref<32x125x80xi32, #tpu.memory_space<hbm>> -> memref<1x125x80xi32, #tpu.memory_space<hbm>>
      %dma_wait3A_78 = tpu.memref_squeeze %dma_wait3A_77 : memref<1x125x80xi32, #tpu.memory_space<hbm>> -> memref<125x80xi32, #tpu.memory_space<hbm>>
      tpu.wait_dma2 semaphore(%run_scoped3A : memref<!tpu.dma_semaphore, #tpu.memory_space<semaphore_mem>>) src(%dma_wait3A_78 : memref<125x80xi32, #tpu.memory_space<hbm>>) dst(%arg8 : memref<125x80xi32, #tpu.memory_space<vmem>>)
      tpu.yield
    }) : () -> ()
    %broadcast_in_dim3A = arith.constant 0.000000e+00 : f32
    %broadcast_in_dim3A_3 = vector.broadcast %broadcast_in_dim3A : f32 to vector<16xf32>
    %scan3A = arith.constant 0 : i32
    %scan3A_4 = arith.constant 0 : i32
    %scan3A_5 = arith.constant 48 : i32
    %scan3A_6 = arith.addi %scan3A_4, %scan3A_5 : i32
    %scan3A_7 = arith.constant 1 : i32
    %scan3A_8 = scf.for %scan3A_65 = %scan3A_4 to %scan3A_6 step %scan3A_7 iter_args(%scan3A_66 = %scan3A) -> (i32)  : i32 {
      %swap3A = arith.index_cast %scan3A_65 : i32 to index
      %swap3A_67 = arith.constant 0 : index
      %swap3A_68 = tpu.vector_load %arg10[%swap3A, %swap3A_67] {strides = array<i32>} : memref<80x128xf32, #tpu.memory_space<vmem>>, vector<1x16xf32>,
      %swap3A_69 = vector.shape_cast %swap3A_68 : vector<1x16xf32> to vector<16xf32>
      %swap3A_70 = vector.shape_cast %broadcast_in_dim3A_3 : vector<16xf32> to vector<1x16xf32>
      tpu.vector_store %arg10[%swap3A, %swap3A_67], %swap3A_70 {strides = array<i32>} : memref<80x128xf32, #tpu.memory_space<vmem>>, vector<1x16xf32>,
      %swap3A_71 = arith.index_cast %scan3A_65 : i32 to index
      %swap3A_72 = arith.constant 16 : index
      %swap3A_73 = tpu.vector_load %arg10[%swap3A_71, %swap3A_72] {strides = array<i32>} : memref<80x128xf32, #tpu.memory_space<vmem>>, vector<1x16xf32>,
      %swap3A_74 = vector.shape_cast %swap3A_73 : vector<1x16xf32> to vector<16xf32>
      %swap3A_75 = vector.shape_cast %broadcast_in_dim3A_3 : vector<16xf32> to vector<1x16xf32>
      tpu.vector_store %arg10[%swap3A_71, %swap3A_72], %swap3A_75 {strides = array<i32>} : memref<80x128xf32, #tpu.memory_space<vmem>>, vector<1x16xf32>,
      %swap3A_76 = arith.index_cast %scan3A_65 : i32 to index
      %swap3A_77 = arith.constant 32 : index
      %swap3A_78 = tpu.vector_load %arg10[%swap3A_76, %swap3A_77] {strides = array<i32>} : memref<80x128xf32, #tpu.memory_space<vmem>>, vector<1x16xf32>,
      %swap3A_79 = vector.shape_cast %swap3A_78 : vector<1x16xf32> to vector<16xf32>
      %swap3A_80 = vector.shape_cast %broadcast_in_dim3A_3 : vector<16xf32> to vector<1x16xf32>
      tpu.vector_store %arg10[%swap3A_76, %swap3A_77], %swap3A_80 {strides = array<i32>} : memref<80x128xf32, #tpu.memory_space<vmem>>, vector<1x16xf32>,
      %swap3A_81 = arith.index_cast %scan3A_65 : i32 to index
      %swap3A_82 = arith.constant 48 : index
      %swap3A_83 = tpu.vector_load %arg10[%swap3A_81, %swap3A_82] {strides = array<i32>} : memref<80x128xf32, #tpu.memory_space<vmem>>, vector<1x16xf32>,
      %swap3A_84 = vector.shape_cast %swap3A_83 : vector<1x16xf32> to vector<16xf32>
      %swap3A_85 = vector.shape_cast %broadcast_in_dim3A_3 : vector<16xf32> to vector<1x16xf32>
      tpu.vector_store %arg10[%swap3A_81, %swap3A_82], %swap3A_85 {strides = array<i32>} : memref<80x128xf32, #tpu.memory_space<vmem>>, vector<1x16xf32>,
      %swap3A_86 = arith.index_cast %scan3A_65 : i32 to index
      %swap3A_87 = arith.constant 64 : index
      %swap3A_88 = tpu.vector_load %arg10[%swap3A_86, %swap3A_87] {strides = array<i32>} : memref<80x128xf32, #tpu.memory_space<vmem>>, vector<1x16xf32>,
      %swap3A_89 = vector.shape_cast %swap3A_88 : vector<1x16xf32> to vector<16xf32>
      %swap3A_90 = vector.shape_cast %broadcast_in_dim3A_3 : vector<16xf32> to vector<1x16xf32>
      tpu.vector_store %arg10[%swap3A_86, %swap3A_87], %swap3A_90 {strides = array<i32>} : memref<80x128xf32, #tpu.memory_space<vmem>>, vector<1x16xf32>,
      %swap3A_91 = arith.index_cast %scan3A_65 : i32 to index
      %swap3A_92 = arith.constant 80 : index
      %swap3A_93 = tpu.vector_load %arg10[%swap3A_91, %swap3A_92] {strides = array<i32>} : memref<80x128xf32, #tpu.memory_space<vmem>>, vector<1x16xf32>,
      %swap3A_94 = vector.shape_cast %swap3A_93 : vector<1x16xf32> to vector<16xf32>
      %swap3A_95 = vector.shape_cast %broadcast_in_dim3A_3 : vector<16xf32> to vector<1x16xf32>
      tpu.vector_store %arg10[%swap3A_91, %swap3A_92], %swap3A_95 {strides = array<i32>} : memref<80x128xf32, #tpu.memory_space<vmem>>, vector<1x16xf32>,
      %swap3A_96 = arith.index_cast %scan3A_65 : i32 to index
      %swap3A_97 = arith.constant 96 : index
      %swap3A_98 = tpu.vector_load %arg10[%swap3A_96, %swap3A_97] {strides = array<i32>} : memref<80x128xf32, #tpu.memory_space<vmem>>, vector<1x16xf32>,
      %swap3A_99 = vector.shape_cast %swap3A_98 : vector<1x16xf32> to vector<16xf32>
      %swap3A_100 = vector.shape_cast %broadcast_in_dim3A_3 : vector<16xf32> to vector<1x16xf32>
      tpu.vector_store %arg10[%swap3A_96, %swap3A_97], %swap3A_100 {strides = array<i32>} : memref<80x128xf32, #tpu.memory_space<vmem>>, vector<1x16xf32>,
      %swap3A_101 = arith.index_cast %scan3A_65 : i32 to index
      %swap3A_102 = arith.constant 112 : index
      %swap3A_103 = tpu.vector_load %arg10[%swap3A_101, %swap3A_102] {strides = array<i32>} : memref<80x128xf32, #tpu.memory_space<vmem>>, vector<1x16xf32>,
      %swap3A_104 = vector.shape_cast %swap3A_103 : vector<1x16xf32> to vector<16xf32>
      %swap3A_105 = vector.shape_cast %broadcast_in_dim3A_3 : vector<16xf32> to vector<1x16xf32>
      tpu.vector_store %arg10[%swap3A_101, %swap3A_102], %swap3A_105 {strides = array<i32>} : memref<80x128xf32, #tpu.memory_space<vmem>>, vector<1x16xf32>,
      %scan3A_106 = arith.constant 0 : i32
      scf.yield %scan3A_106 : i32
    }
    %scan3A_9 = arith.constant 48 : i32
    %add3A_10 = arith.constant 0 : i32
    %add3A_11 = arith.addi %multiple_of3A, %add3A_10 : i32
    "tpu.region"() ({
      %run_scoped3A = tpu.sem_alloc : memref<!tpu.dma_semaphore, #tpu.memory_space<semaphore_mem>>
      %dma_start3A = arith.constant 0 : i32
      %dma_start3A_65 = arith.constant 0 : i32
      %dma_start3A_66 = tpu.memref_slice %arg10[%dma_start3A, %dma_start3A_65] : memref<80x128xf32, #tpu.memory_space<vmem>> -> memref<48x128xf32, #tpu.memory_space<vmem>>
      %dma_start3A_67 = arith.constant 0 : i32
      %dma_start3A_68 = tpu.memref_slice %arg11[%add3A_11, %dma_start3A_67] : memref<10000x128xf32, #tpu.memory_space<vmem_shared>> -> memref<48x128xf32, #tpu.memory_space<vmem_shared>>
      %dma_start3A_69 = arith.constant 0 : i32
      %dma_start3A_70 = tpu.memref_slice %arg11[%add3A_11, %dma_start3A_69] : memref<10000x128xf32, #tpu.memory_space<vmem_shared>> -> memref<48x128xf32, #tpu.memory_space<vmem_shared>>
      %dma_start3A_71 = arith.constant 0 : i32
      %dma_start3A_72 = arith.constant 0 : i32
      %dma_start3A_73 = tpu.memref_slice %arg10[%dma_start3A_71, %dma_start3A_72] : memref<80x128xf32, #tpu.memory_space<vmem>> -> memref<48x128xf32, #tpu.memory_space<vmem>>
      tpu.enqueue_dma source(%dma_start3A_73 : memref<48x128xf32, #tpu.memory_space<vmem>>) target(%dma_start3A_70 : memref<48x128xf32, #tpu.memory_space<vmem_shared>>) target_semaphore(%run_scoped3A : memref<!tpu.dma_semaphore, #tpu.memory_space<semaphore_mem>>)
      %dma_wait3A = arith.constant 0 : i32
      %dma_wait3A_74 = arith.constant 0 : i32
      %dma_wait3A_75 = tpu.memref_slice %arg10[%dma_wait3A, %dma_wait3A_74] : memref<80x128xf32, #tpu.memory_space<vmem>> -> memref<48x128xf32, #tpu.memory_space<vmem>>
      %dma_wait3A_76 = arith.constant 0 : i32
      %dma_wait3A_77 = tpu.memref_slice %arg11[%add3A_11, %dma_wait3A_76] : memref<10000x128xf32, #tpu.memory_space<vmem_shared>> -> memref<48x128xf32, #tpu.memory_space<vmem_shared>>
      %dma_wait3A_78 = arith.constant 0 : i32
      %dma_wait3A_79 = tpu.memref_slice %arg11[%add3A_11, %dma_wait3A_78] : memref<10000x128xf32, #tpu.memory_space<vmem_shared>> -> memref<48x128xf32, #tpu.memory_space<vmem_shared>>
      %dma_wait3A_80 = arith.constant 0 : i32
      %dma_wait3A_81 = arith.constant 0 : i32
      %dma_wait3A_82 = tpu.memref_slice %arg10[%dma_wait3A_80, %dma_wait3A_81] : memref<80x128xf32, #tpu.memory_space<vmem>> -> memref<48x128xf32, #tpu.memory_space<vmem>>
      tpu.wait_dma2 semaphore(%run_scoped3A : memref<!tpu.dma_semaphore, #tpu.memory_space<semaphore_mem>>) src(%dma_wait3A_82 : memref<48x128xf32, #tpu.memory_space<vmem>>) dst(%dma_wait3A_79 : memref<48x128xf32, #tpu.memory_space<vmem_shared>>)
      tpu.yield
    }) : () -> ()
    %add3A_12 = arith.constant 48 : i32
    %add3A_13 = arith.addi %multiple_of3A, %add3A_12 : i32
    "tpu.region"() ({
      %run_scoped3A = tpu.sem_alloc : memref<!tpu.dma_semaphore, #tpu.memory_space<semaphore_mem>>
      %dma_start3A = arith.constant 0 : i32
      %dma_start3A_65 = arith.constant 0 : i32
      %dma_start3A_66 = tpu.memref_slice %arg10[%dma_start3A, %dma_start3A_65] : memref<80x128xf32, #tpu.memory_space<vmem>> -> memref<48x128xf32, #tpu.memory_space<vmem>>
      %dma_start3A_67 = arith.constant 0 : i32
      %dma_start3A_68 = tpu.memref_slice %arg11[%add3A_13, %dma_start3A_67] : memref<10000x128xf32, #tpu.memory_space<vmem_shared>> -> memref<48x128xf32, #tpu.memory_space<vmem_shared>>
      %dma_start3A_69 = arith.constant 0 : i32
      %dma_start3A_70 = tpu.memref_slice %arg11[%add3A_13, %dma_start3A_69] : memref<10000x128xf32, #tpu.memory_space<vmem_shared>> -> memref<48x128xf32, #tpu.memory_space<vmem_shared>>
      %dma_start3A_71 = arith.constant 0 : i32
      %dma_start3A_72 = arith.constant 0 : i32
      %dma_start3A_73 = tpu.memref_slice %arg10[%dma_start3A_71, %dma_start3A_72] : memref<80x128xf32, #tpu.memory_space<vmem>> -> memref<48x128xf32, #tpu.memory_space<vmem>>
      tpu.enqueue_dma source(%dma_start3A_73 : memref<48x128xf32, #tpu.memory_space<vmem>>) target(%dma_start3A_70 : memref<48x128xf32, #tpu.memory_space<vmem_shared>>) target_semaphore(%run_scoped3A : memref<!tpu.dma_semaphore, #tpu.memory_space<semaphore_mem>>)
      %dma_wait3A = arith.constant 0 : i32
      %dma_wait3A_74 = arith.constant 0 : i32
      %dma_wait3A_75 = tpu.memref_slice %arg10[%dma_wait3A, %dma_wait3A_74] : memref<80x128xf32, #tpu.memory_space<vmem>> -> memref<48x128xf32, #tpu.memory_space<vmem>>
      %dma_wait3A_76 = arith.constant 0 : i32
      %dma_wait3A_77 = tpu.memref_slice %arg11[%add3A_13, %dma_wait3A_76] : memref<10000x128xf32, #tpu.memory_space<vmem_shared>> -> memref<48x128xf32, #tpu.memory_space<vmem_shared>>
      %dma_wait3A_78 = arith.constant 0 : i32
      %dma_wait3A_79 = tpu.memref_slice %arg11[%add3A_13, %dma_wait3A_78] : memref<10000x128xf32, #tpu.memory_space<vmem_shared>> -> memref<48x128xf32, #tpu.memory_space<vmem_shared>>
      %dma_wait3A_80 = arith.constant 0 : i32
      %dma_wait3A_81 = arith.constant 0 : i32
      %dma_wait3A_82 = tpu.memref_slice %arg10[%dma_wait3A_80, %dma_wait3A_81] : memref<80x128xf32, #tpu.memory_space<vmem>> -> memref<48x128xf32, #tpu.memory_space<vmem>>
      tpu.wait_dma2 semaphore(%run_scoped3A : memref<!tpu.dma_semaphore, #tpu.memory_space<semaphore_mem>>) src(%dma_wait3A_82 : memref<48x128xf32, #tpu.memory_space<vmem>>) dst(%dma_wait3A_79 : memref<48x128xf32, #tpu.memory_space<vmem_shared>>)
      tpu.yield
    }) : () -> ()
    %add3A_14 = arith.constant 96 : i32
    %add3A_15 = arith.addi %multiple_of3A, %add3A_14 : i32
    "tpu.region"() ({
      %run_scoped3A = tpu.sem_alloc : memref<!tpu.dma_semaphore, #tpu.memory_space<semaphore_mem>>
      %dma_start3A = arith.constant 0 : i32
      %dma_start3A_65 = arith.constant 0 : i32
      %dma_start3A_66 = tpu.memref_slice %arg10[%dma_start3A, %dma_start3A_65] : memref<80x128xf32, #tpu.memory_space<vmem>> -> memref<48x128xf32, #tpu.memory_space<vmem>>
      %dma_start3A_67 = arith.constant 0 : i32
      %dma_start3A_68 = tpu.memref_slice %arg11[%add3A_15, %dma_start3A_67] : memref<10000x128xf32, #tpu.memory_space<vmem_shared>> -> memref<48x128xf32, #tpu.memory_space<vmem_shared>>
      %dma_start3A_69 = arith.constant 0 : i32
      %dma_start3A_70 = tpu.memref_slice %arg11[%add3A_15, %dma_start3A_69] : memref<10000x128xf32, #tpu.memory_space<vmem_shared>> -> memref<48x128xf32, #tpu.memory_space<vmem_shared>>
      %dma_start3A_71 = arith.constant 0 : i32
      %dma_start3A_72 = arith.constant 0 : i32
      %dma_start3A_73 = tpu.memref_slice %arg10[%dma_start3A_71, %dma_start3A_72] : memref<80x128xf32, #tpu.memory_space<vmem>> -> memref<48x128xf32, #tpu.memory_space<vmem>>
      tpu.enqueue_dma source(%dma_start3A_73 : memref<48x128xf32, #tpu.memory_space<vmem>>) target(%dma_start3A_70 : memref<48x128xf32, #tpu.memory_space<vmem_shared>>) target_semaphore(%run_scoped3A : memref<!tpu.dma_semaphore, #tpu.memory_space<semaphore_mem>>)
      %dma_wait3A = arith.constant 0 : i32
      %dma_wait3A_74 = arith.constant 0 : i32
      %dma_wait3A_75 = tpu.memref_slice %arg10[%dma_wait3A, %dma_wait3A_74] : memref<80x128xf32, #tpu.memory_space<vmem>> -> memref<48x128xf32, #tpu.memory_space<vmem>>
      %dma_wait3A_76 = arith.constant 0 : i32
      %dma_wait3A_77 = tpu.memref_slice %arg11[%add3A_15, %dma_wait3A_76] : memref<10000x128xf32, #tpu.memory_space<vmem_shared>> -> memref<48x128xf32, #tpu.memory_space<vmem_shared>>
      %dma_wait3A_78 = arith.constant 0 : i32
      %dma_wait3A_79 = tpu.memref_slice %arg11[%add3A_15, %dma_wait3A_78] : memref<10000x128xf32, #tpu.memory_space<vmem_shared>> -> memref<48x128xf32, #tpu.memory_space<vmem_shared>>
      %dma_wait3A_80 = arith.constant 0 : i32
      %dma_wait3A_81 = arith.constant 0 : i32
      %dma_wait3A_82 = tpu.memref_slice %arg10[%dma_wait3A_80, %dma_wait3A_81] : memref<80x128xf32, #tpu.memory_space<vmem>> -> memref<48x128xf32, #tpu.memory_space<vmem>>
      tpu.wait_dma2 semaphore(%run_scoped3A : memref<!tpu.dma_semaphore, #tpu.memory_space<semaphore_mem>>) src(%dma_wait3A_82 : memref<48x128xf32, #tpu.memory_space<vmem>>) dst(%dma_wait3A_79 : memref<48x128xf32, #tpu.memory_space<vmem_shared>>)
      tpu.yield
    }) : () -> ()
    %add3A_16 = arith.constant 144 : i32
    %add3A_17 = arith.addi %multiple_of3A, %add3A_16 : i32
    "tpu.region"() ({
      %run_scoped3A = tpu.sem_alloc : memref<!tpu.dma_semaphore, #tpu.memory_space<semaphore_mem>>
      %dma_start3A = arith.constant 0 : i32
      %dma_start3A_65 = arith.constant 0 : i32
      %dma_start3A_66 = tpu.memref_slice %arg10[%dma_start3A, %dma_start3A_65] : memref<80x128xf32, #tpu.memory_space<vmem>> -> memref<48x128xf32, #tpu.memory_space<vmem>>
      %dma_start3A_67 = arith.constant 0 : i32
      %dma_start3A_68 = tpu.memref_slice %arg11[%add3A_17, %dma_start3A_67] : memref<10000x128xf32, #tpu.memory_space<vmem_shared>> -> memref<48x128xf32, #tpu.memory_space<vmem_shared>>
      %dma_start3A_69 = arith.constant 0 : i32
      %dma_start3A_70 = tpu.memref_slice %arg11[%add3A_17, %dma_start3A_69] : memref<10000x128xf32, #tpu.memory_space<vmem_shared>> -> memref<48x128xf32, #tpu.memory_space<vmem_shared>>
      %dma_start3A_71 = arith.constant 0 : i32
      %dma_start3A_72 = arith.constant 0 : i32
      %dma_start3A_73 = tpu.memref_slice %arg10[%dma_start3A_71, %dma_start3A_72] : memref<80x128xf32, #tpu.memory_space<vmem>> -> memref<48x128xf32, #tpu.memory_space<vmem>>
      tpu.enqueue_dma source(%dma_start3A_73 : memref<48x128xf32, #tpu.memory_space<vmem>>) target(%dma_start3A_70 : memref<48x128xf32, #tpu.memory_space<vmem_shared>>) target_semaphore(%run_scoped3A : memref<!tpu.dma_semaphore, #tpu.memory_space<semaphore_mem>>)
      %dma_wait3A = arith.constant 0 : i32
      %dma_wait3A_74 = arith.constant 0 : i32
      %dma_wait3A_75 = tpu.memref_slice %arg10[%dma_wait3A, %dma_wait3A_74] : memref<80x128xf32, #tpu.memory_space<vmem>> -> memref<48x128xf32, #tpu.memory_space<vmem>>
      %dma_wait3A_76 = arith.constant 0 : i32
      %dma_wait3A_77 = tpu.memref_slice %arg11[%add3A_17, %dma_wait3A_76] : memref<10000x128xf32, #tpu.memory_space<vmem_shared>> -> memref<48x128xf32, #tpu.memory_space<vmem_shared>>
      %dma_wait3A_78 = arith.constant 0 : i32
      %dma_wait3A_79 = tpu.memref_slice %arg11[%add3A_17, %dma_wait3A_78] : memref<10000x128xf32, #tpu.memory_space<vmem_shared>> -> memref<48x128xf32, #tpu.memory_space<vmem_shared>>
      %dma_wait3A_80 = arith.constant 0 : i32
      %dma_wait3A_81 = arith.constant 0 : i32
      %dma_wait3A_82 = tpu.memref_slice %arg10[%dma_wait3A_80, %dma_wait3A_81] : memref<80x128xf32, #tpu.memory_space<vmem>> -> memref<48x128xf32, #tpu.memory_space<vmem>>
      tpu.wait_dma2 semaphore(%run_scoped3A : memref<!tpu.dma_semaphore, #tpu.memory_space<semaphore_mem>>) src(%dma_wait3A_82 : memref<48x128xf32, #tpu.memory_space<vmem>>) dst(%dma_wait3A_79 : memref<48x128xf32, #tpu.memory_space<vmem_shared>>)
      tpu.yield
    }) : () -> ()
    %add3A_18 = arith.constant 192 : i32
    %add3A_19 = arith.addi %multiple_of3A, %add3A_18 : i32
    "tpu.region"() ({
      %run_scoped3A = tpu.sem_alloc : memref<!tpu.dma_semaphore, #tpu.memory_space<semaphore_mem>>
      %dma_start3A = arith.constant 0 : i32
      %dma_start3A_65 = arith.constant 0 : i32
      %dma_start3A_66 = tpu.memref_slice %arg10[%dma_start3A, %dma_start3A_65] : memref<80x128xf32, #tpu.memory_space<vmem>> -> memref<48x128xf32, #tpu.memory_space<vmem>>
      %dma_start3A_67 = arith.constant 0 : i32
      %dma_start3A_68 = tpu.memref_slice %arg11[%add3A_19, %dma_start3A_67] : memref<10000x128xf32, #tpu.memory_space<vmem_shared>> -> memref<48x128xf32, #tpu.memory_space<vmem_shared>>
      %dma_start3A_69 = arith.constant 0 : i32
      %dma_start3A_70 = tpu.memref_slice %arg11[%add3A_19, %dma_start3A_69] : memref<10000x128xf32, #tpu.memory_space<vmem_shared>> -> memref<48x128xf32, #tpu.memory_space<vmem_shared>>
      %dma_start3A_71 = arith.constant 0 : i32
      %dma_start3A_72 = arith.constant 0 : i32
      %dma_start3A_73 = tpu.memref_slice %arg10[%dma_start3A_71, %dma_start3A_72] : memref<80x128xf32, #tpu.memory_space<vmem>> -> memref<48x128xf32, #tpu.memory_space<vmem>>
      tpu.enqueue_dma source(%dma_start3A_73 : memref<48x128xf32, #tpu.memory_space<vmem>>) target(%dma_start3A_70 : memref<48x128xf32, #tpu.memory_space<vmem_shared>>) target_semaphore(%run_scoped3A : memref<!tpu.dma_semaphore, #tpu.memory_space<semaphore_mem>>)
      %dma_wait3A = arith.constant 0 : i32
      %dma_wait3A_74 = arith.constant 0 : i32
      %dma_wait3A_75 = tpu.memref_slice %arg10[%dma_wait3A, %dma_wait3A_74] : memref<80x128xf32, #tpu.memory_space<vmem>> -> memref<48x128xf32, #tpu.memory_space<vmem>>
      %dma_wait3A_76 = arith.constant 0 : i32
      %dma_wait3A_77 = tpu.memref_slice %arg11[%add3A_19, %dma_wait3A_76] : memref<10000x128xf32, #tpu.memory_space<vmem_shared>> -> memref<48x128xf32, #tpu.memory_space<vmem_shared>>
      %dma_wait3A_78 = arith.constant 0 : i32
      %dma_wait3A_79 = tpu.memref_slice %arg11[%add3A_19, %dma_wait3A_78] : memref<10000x128xf32, #tpu.memory_space<vmem_shared>> -> memref<48x128xf32, #tpu.memory_space<vmem_shared>>
      %dma_wait3A_80 = arith.constant 0 : i32
      %dma_wait3A_81 = arith.constant 0 : i32
      %dma_wait3A_82 = tpu.memref_slice %arg10[%dma_wait3A_80, %dma_wait3A_81] : memref<80x128xf32, #tpu.memory_space<vmem>> -> memref<48x128xf32, #tpu.memory_space<vmem>>
      tpu.wait_dma2 semaphore(%run_scoped3A : memref<!tpu.dma_semaphore, #tpu.memory_space<semaphore_mem>>) src(%dma_wait3A_82 : memref<48x128xf32, #tpu.memory_space<vmem>>) dst(%dma_wait3A_79 : memref<48x128xf32, #tpu.memory_space<vmem_shared>>)
      tpu.yield
    }) : () -> ()
    %add3A_20 = arith.constant 240 : i32
    %add3A_21 = arith.addi %multiple_of3A, %add3A_20 : i32
    "tpu.region"() ({
      %run_scoped3A = tpu.sem_alloc : memref<!tpu.dma_semaphore, #tpu.memory_space<semaphore_mem>>
      %dma_start3A = arith.constant 0 : i32
      %dma_start3A_65 = arith.constant 0 : i32
      %dma_start3A_66 = tpu.memref_slice %arg10[%dma_start3A, %dma_start3A_65] : memref<80x128xf32, #tpu.memory_space<vmem>> -> memref<48x128xf32, #tpu.memory_space<vmem>>
      %dma_start3A_67 = arith.constant 0 : i32
      %dma_start3A_68 = tpu.memref_slice %arg11[%add3A_21, %dma_start3A_67] : memref<10000x128xf32, #tpu.memory_space<vmem_shared>> -> memref<48x128xf32, #tpu.memory_space<vmem_shared>>
      %dma_start3A_69 = arith.constant 0 : i32
      %dma_start3A_70 = tpu.memref_slice %arg11[%add3A_21, %dma_start3A_69] : memref<10000x128xf32, #tpu.memory_space<vmem_shared>> -> memref<48x128xf32, #tpu.memory_space<vmem_shared>>
      %dma_start3A_71 = arith.constant 0 : i32
      %dma_start3A_72 = arith.constant 0 : i32
      %dma_start3A_73 = tpu.memref_slice %arg10[%dma_start3A_71, %dma_start3A_72] : memref<80x128xf32, #tpu.memory_space<vmem>> -> memref<48x128xf32, #tpu.memory_space<vmem>>
      tpu.enqueue_dma source(%dma_start3A_73 : memref<48x128xf32, #tpu.memory_space<vmem>>) target(%dma_start3A_70 : memref<48x128xf32, #tpu.memory_space<vmem_shared>>) target_semaphore(%run_scoped3A : memref<!tpu.dma_semaphore, #tpu.memory_space<semaphore_mem>>)
      %dma_wait3A = arith.constant 0 : i32
      %dma_wait3A_74 = arith.constant 0 : i32
      %dma_wait3A_75 = tpu.memref_slice %arg10[%dma_wait3A, %dma_wait3A_74] : memref<80x128xf32, #tpu.memory_space<vmem>> -> memref<48x128xf32, #tpu.memory_space<vmem>>
      %dma_wait3A_76 = arith.constant 0 : i32
      %dma_wait3A_77 = tpu.memref_slice %arg11[%add3A_21, %dma_wait3A_76] : memref<10000x128xf32, #tpu.memory_space<vmem_shared>> -> memref<48x128xf32, #tpu.memory_space<vmem_shared>>
      %dma_wait3A_78 = arith.constant 0 : i32
      %dma_wait3A_79 = tpu.memref_slice %arg11[%add3A_21, %dma_wait3A_78] : memref<10000x128xf32, #tpu.memory_space<vmem_shared>> -> memref<48x128xf32, #tpu.memory_space<vmem_shared>>
      %dma_wait3A_80 = arith.constant 0 : i32
      %dma_wait3A_81 = arith.constant 0 : i32
      %dma_wait3A_82 = tpu.memref_slice %arg10[%dma_wait3A_80, %dma_wait3A_81] : memref<80x128xf32, #tpu.memory_space<vmem>> -> memref<48x128xf32, #tpu.memory_space<vmem>>
      tpu.wait_dma2 semaphore(%run_scoped3A : memref<!tpu.dma_semaphore, #tpu.memory_space<semaphore_mem>>) src(%dma_wait3A_82 : memref<48x128xf32, #tpu.memory_space<vmem>>) dst(%dma_wait3A_79 : memref<48x128xf32, #tpu.memory_space<vmem_shared>>)
      tpu.yield
    }) : () -> ()
    %add3A_22 = arith.constant 288 : i32
    %add3A_23 = arith.addi %multiple_of3A, %add3A_22 : i32
    "tpu.region"() ({
      %run_scoped3A = tpu.sem_alloc : memref<!tpu.dma_semaphore, #tpu.memory_space<semaphore_mem>>
      %dma_start3A = arith.constant 0 : i32
      %dma_start3A_65 = arith.constant 0 : i32
      %dma_start3A_66 = tpu.memref_slice %arg10[%dma_start3A, %dma_start3A_65] : memref<80x128xf32, #tpu.memory_space<vmem>> -> memref<48x128xf32, #tpu.memory_space<vmem>>
      %dma_start3A_67 = arith.constant 0 : i32
      %dma_start3A_68 = tpu.memref_slice %arg11[%add3A_23, %dma_start3A_67] : memref<10000x128xf32, #tpu.memory_space<vmem_shared>> -> memref<48x128xf32, #tpu.memory_space<vmem_shared>>
      %dma_start3A_69 = arith.constant 0 : i32
      %dma_start3A_70 = tpu.memref_slice %arg11[%add3A_23, %dma_start3A_69] : memref<10000x128xf32, #tpu.memory_space<vmem_shared>> -> memref<48x128xf32, #tpu.memory_space<vmem_shared>>
      %dma_start3A_71 = arith.constant 0 : i32
      %dma_start3A_72 = arith.constant 0 : i32
      %dma_start3A_73 = tpu.memref_slice %arg10[%dma_start3A_71, %dma_start3A_72] : memref<80x128xf32, #tpu.memory_space<vmem>> -> memref<48x128xf32, #tpu.memory_space<vmem>>
      tpu.enqueue_dma source(%dma_start3A_73 : memref<48x128xf32, #tpu.memory_space<vmem>>) target(%dma_start3A_70 : memref<48x128xf32, #tpu.memory_space<vmem_shared>>) target_semaphore(%run_scoped3A : memref<!tpu.dma_semaphore, #tpu.memory_space<semaphore_mem>>)
      %dma_wait3A = arith.constant 0 : i32
      %dma_wait3A_74 = arith.constant 0 : i32
      %dma_wait3A_75 = tpu.memref_slice %arg10[%dma_wait3A, %dma_wait3A_74] : memref<80x128xf32, #tpu.memory_space<vmem>> -> memref<48x128xf32, #tpu.memory_space<vmem>>
      %dma_wait3A_76 = arith.constant 0 : i32
      %dma_wait3A_77 = tpu.memref_slice %arg11[%add3A_23, %dma_wait3A_76] : memref<10000x128xf32, #tpu.memory_space<vmem_shared>> -> memref<48x128xf32, #tpu.memory_space<vmem_shared>>
      %dma_wait3A_78 = arith.constant 0 : i32
      %dma_wait3A_79 = tpu.memref_slice %arg11[%add3A_23, %dma_wait3A_78] : memref<10000x128xf32, #tpu.memory_space<vmem_shared>> -> memref<48x128xf32, #tpu.memory_space<vmem_shared>>
      %dma_wait3A_80 = arith.constant 0 : i32
      %dma_wait3A_81 = arith.constant 0 : i32
      %dma_wait3A_82 = tpu.memref_slice %arg10[%dma_wait3A_80, %dma_wait3A_81] : memref<80x128xf32, #tpu.memory_space<vmem>> -> memref<48x128xf32, #tpu.memory_space<vmem>>
      tpu.wait_dma2 semaphore(%run_scoped3A : memref<!tpu.dma_semaphore, #tpu.memory_space<semaphore_mem>>) src(%dma_wait3A_82 : memref<48x128xf32, #tpu.memory_space<vmem>>) dst(%dma_wait3A_79 : memref<48x128xf32, #tpu.memory_space<vmem_shared>>)
      tpu.yield
    }) : () -> ()
    %add3A_24 = arith.constant 336 : i32
    %add3A_25 = arith.addi %multiple_of3A, %add3A_24 : i32
    "tpu.region"() ({
      %run_scoped3A = tpu.sem_alloc : memref<!tpu.dma_semaphore, #tpu.memory_space<semaphore_mem>>
      %dma_start3A = arith.constant 0 : i32
      %dma_start3A_65 = arith.constant 0 : i32
      %dma_start3A_66 = tpu.memref_slice %arg10[%dma_start3A, %dma_start3A_65] : memref<80x128xf32, #tpu.memory_space<vmem>> -> memref<48x128xf32, #tpu.memory_space<vmem>>
      %dma_start3A_67 = arith.constant 0 : i32
      %dma_start3A_68 = tpu.memref_slice %arg11[%add3A_25, %dma_start3A_67] : memref<10000x128xf32, #tpu.memory_space<vmem_shared>> -> memref<48x128xf32, #tpu.memory_space<vmem_shared>>
      %dma_start3A_69 = arith.constant 0 : i32
      %dma_start3A_70 = tpu.memref_slice %arg11[%add3A_25, %dma_start3A_69] : memref<10000x128xf32, #tpu.memory_space<vmem_shared>> -> memref<48x128xf32, #tpu.memory_space<vmem_shared>>
      %dma_start3A_71 = arith.constant 0 : i32
      %dma_start3A_72 = arith.constant 0 : i32
      %dma_start3A_73 = tpu.memref_slice %arg10[%dma_start3A_71, %dma_start3A_72] : memref<80x128xf32, #tpu.memory_space<vmem>> -> memref<48x128xf32, #tpu.memory_space<vmem>>
      tpu.enqueue_dma source(%dma_start3A_73 : memref<48x128xf32, #tpu.memory_space<vmem>>) target(%dma_start3A_70 : memref<48x128xf32, #tpu.memory_space<vmem_shared>>) target_semaphore(%run_scoped3A : memref<!tpu.dma_semaphore, #tpu.memory_space<semaphore_mem>>)
      %dma_wait3A = arith.constant 0 : i32
      %dma_wait3A_74 = arith.constant 0 : i32
      %dma_wait3A_75 = tpu.memref_slice %arg10[%dma_wait3A, %dma_wait3A_74] : memref<80x128xf32, #tpu.memory_space<vmem>> -> memref<48x128xf32, #tpu.memory_space<vmem>>
      %dma_wait3A_76 = arith.constant 0 : i32
      %dma_wait3A_77 = tpu.memref_slice %arg11[%add3A_25, %dma_wait3A_76] : memref<10000x128xf32, #tpu.memory_space<vmem_shared>> -> memref<48x128xf32, #tpu.memory_space<vmem_shared>>
      %dma_wait3A_78 = arith.constant 0 : i32
      %dma_wait3A_79 = tpu.memref_slice %arg11[%add3A_25, %dma_wait3A_78] : memref<10000x128xf32, #tpu.memory_space<vmem_shared>> -> memref<48x128xf32, #tpu.memory_space<vmem_shared>>
      %dma_wait3A_80 = arith.constant 0 : i32
      %dma_wait3A_81 = arith.constant 0 : i32
      %dma_wait3A_82 = tpu.memref_slice %arg10[%dma_wait3A_80, %dma_wait3A_81] : memref<80x128xf32, #tpu.memory_space<vmem>> -> memref<48x128xf32, #tpu.memory_space<vmem>>
      tpu.wait_dma2 semaphore(%run_scoped3A : memref<!tpu.dma_semaphore, #tpu.memory_space<semaphore_mem>>) src(%dma_wait3A_82 : memref<48x128xf32, #tpu.memory_space<vmem>>) dst(%dma_wait3A_79 : memref<48x128xf32, #tpu.memory_space<vmem_shared>>)
      tpu.yield
    }) : () -> ()
    %add3A_26 = arith.constant 384 : i32
    %add3A_27 = arith.addi %multiple_of3A, %add3A_26 : i32
    "tpu.region"() ({
      %run_scoped3A = tpu.sem_alloc : memref<!tpu.dma_semaphore, #tpu.memory_space<semaphore_mem>>
      %dma_start3A = arith.constant 0 : i32
      %dma_start3A_65 = arith.constant 0 : i32
      %dma_start3A_66 = tpu.memref_slice %arg10[%dma_start3A, %dma_start3A_65] : memref<80x128xf32, #tpu.memory_space<vmem>> -> memref<48x128xf32, #tpu.memory_space<vmem>>
      %dma_start3A_67 = arith.constant 0 : i32
      %dma_start3A_68 = tpu.memref_slice %arg11[%add3A_27, %dma_start3A_67] : memref<10000x128xf32, #tpu.memory_space<vmem_shared>> -> memref<48x128xf32, #tpu.memory_space<vmem_shared>>
      %dma_start3A_69 = arith.constant 0 : i32
      %dma_start3A_70 = tpu.memref_slice %arg11[%add3A_27, %dma_start3A_69] : memref<10000x128xf32, #tpu.memory_space<vmem_shared>> -> memref<48x128xf32, #tpu.memory_space<vmem_shared>>
      %dma_start3A_71 = arith.constant 0 : i32
      %dma_start3A_72 = arith.constant 0 : i32
      %dma_start3A_73 = tpu.memref_slice %arg10[%dma_start3A_71, %dma_start3A_72] : memref<80x128xf32, #tpu.memory_space<vmem>> -> memref<48x128xf32, #tpu.memory_space<vmem>>
      tpu.enqueue_dma source(%dma_start3A_73 : memref<48x128xf32, #tpu.memory_space<vmem>>) target(%dma_start3A_70 : memref<48x128xf32, #tpu.memory_space<vmem_shared>>) target_semaphore(%run_scoped3A : memref<!tpu.dma_semaphore, #tpu.memory_space<semaphore_mem>>)
      %dma_wait3A = arith.constant 0 : i32
      %dma_wait3A_74 = arith.constant 0 : i32
      %dma_wait3A_75 = tpu.memref_slice %arg10[%dma_wait3A, %dma_wait3A_74] : memref<80x128xf32, #tpu.memory_space<vmem>> -> memref<48x128xf32, #tpu.memory_space<vmem>>
      %dma_wait3A_76 = arith.constant 0 : i32
      %dma_wait3A_77 = tpu.memref_slice %arg11[%add3A_27, %dma_wait3A_76] : memref<10000x128xf32, #tpu.memory_space<vmem_shared>> -> memref<48x128xf32, #tpu.memory_space<vmem_shared>>
      %dma_wait3A_78 = arith.constant 0 : i32
      %dma_wait3A_79 = tpu.memref_slice %arg11[%add3A_27, %dma_wait3A_78] : memref<10000x128xf32, #tpu.memory_space<vmem_shared>> -> memref<48x128xf32, #tpu.memory_space<vmem_shared>>
      %dma_wait3A_80 = arith.constant 0 : i32
      %dma_wait3A_81 = arith.constant 0 : i32
      %dma_wait3A_82 = tpu.memref_slice %arg10[%dma_wait3A_80, %dma_wait3A_81] : memref<80x128xf32, #tpu.memory_space<vmem>> -> memref<48x128xf32, #tpu.memory_space<vmem>>
      tpu.wait_dma2 semaphore(%run_scoped3A : memref<!tpu.dma_semaphore, #tpu.memory_space<semaphore_mem>>) src(%dma_wait3A_82 : memref<48x128xf32, #tpu.memory_space<vmem>>) dst(%dma_wait3A_79 : memref<48x128xf32, #tpu.memory_space<vmem_shared>>)
      tpu.yield
    }) : () -> ()
    %add3A_28 = arith.constant 432 : i32
    %add3A_29 = arith.addi %multiple_of3A, %add3A_28 : i32
    "tpu.region"() ({
      %run_scoped3A = tpu.sem_alloc : memref<!tpu.dma_semaphore, #tpu.memory_space<semaphore_mem>>
      %dma_start3A = arith.constant 0 : i32
      %dma_start3A_65 = arith.constant 0 : i32
      %dma_start3A_66 = tpu.memref_slice %arg10[%dma_start3A, %dma_start3A_65] : memref<80x128xf32, #tpu.memory_space<vmem>> -> memref<48x128xf32, #tpu.memory_space<vmem>>
      %dma_start3A_67 = arith.constant 0 : i32
      %dma_start3A_68 = tpu.memref_slice %arg11[%add3A_29, %dma_start3A_67] : memref<10000x128xf32, #tpu.memory_space<vmem_shared>> -> memref<48x128xf32, #tpu.memory_space<vmem_shared>>
      %dma_start3A_69 = arith.constant 0 : i32
      %dma_start3A_70 = tpu.memref_slice %arg11[%add3A_29, %dma_start3A_69] : memref<10000x128xf32, #tpu.memory_space<vmem_shared>> -> memref<48x128xf32, #tpu.memory_space<vmem_shared>>
      %dma_start3A_71 = arith.constant 0 : i32
      %dma_start3A_72 = arith.constant 0 : i32
      %dma_start3A_73 = tpu.memref_slice %arg10[%dma_start3A_71, %dma_start3A_72] : memref<80x128xf32, #tpu.memory_space<vmem>> -> memref<48x128xf32, #tpu.memory_space<vmem>>
      tpu.enqueue_dma source(%dma_start3A_73 : memref<48x128xf32, #tpu.memory_space<vmem>>) target(%dma_start3A_70 : memref<48x128xf32, #tpu.memory_space<vmem_shared>>) target_semaphore(%run_scoped3A : memref<!tpu.dma_semaphore, #tpu.memory_space<semaphore_mem>>)
      %dma_wait3A = arith.constant 0 : i32
      %dma_wait3A_74 = arith.constant 0 : i32
      %dma_wait3A_75 = tpu.memref_slice %arg10[%dma_wait3A, %dma_wait3A_74] : memref<80x128xf32, #tpu.memory_space<vmem>> -> memref<48x128xf32, #tpu.memory_space<vmem>>
      %dma_wait3A_76 = arith.constant 0 : i32
      %dma_wait3A_77 = tpu.memref_slice %arg11[%add3A_29, %dma_wait3A_76] : memref<10000x128xf32, #tpu.memory_space<vmem_shared>> -> memref<48x128xf32, #tpu.memory_space<vmem_shared>>
      %dma_wait3A_78 = arith.constant 0 : i32
      %dma_wait3A_79 = tpu.memref_slice %arg11[%add3A_29, %dma_wait3A_78] : memref<10000x128xf32, #tpu.memory_space<vmem_shared>> -> memref<48x128xf32, #tpu.memory_space<vmem_shared>>
      %dma_wait3A_80 = arith.constant 0 : i32
      %dma_wait3A_81 = arith.constant 0 : i32
      %dma_wait3A_82 = tpu.memref_slice %arg10[%dma_wait3A_80, %dma_wait3A_81] : memref<80x128xf32, #tpu.memory_space<vmem>> -> memref<48x128xf32, #tpu.memory_space<vmem>>
      tpu.wait_dma2 semaphore(%run_scoped3A : memref<!tpu.dma_semaphore, #tpu.memory_space<semaphore_mem>>) src(%dma_wait3A_82 : memref<48x128xf32, #tpu.memory_space<vmem>>) dst(%dma_wait3A_79 : memref<48x128xf32, #tpu.memory_space<vmem_shared>>)
      tpu.yield
    }) : () -> ()
    %add3A_30 = arith.constant 480 : i32
    %add3A_31 = arith.addi %multiple_of3A, %add3A_30 : i32
    "tpu.region"() ({
      %run_scoped3A = tpu.sem_alloc : memref<!tpu.dma_semaphore, #tpu.memory_space<semaphore_mem>>
      %dma_start3A = arith.constant 0 : i32
      %dma_start3A_65 = arith.constant 0 : i32
      %dma_start3A_66 = tpu.memref_slice %arg10[%dma_start3A, %dma_start3A_65] : memref<80x128xf32, #tpu.memory_space<vmem>> -> memref<48x128xf32, #tpu.memory_space<vmem>>
      %dma_start3A_67 = arith.constant 0 : i32
      %dma_start3A_68 = tpu.memref_slice %arg11[%add3A_31, %dma_start3A_67] : memref<10000x128xf32, #tpu.memory_space<vmem_shared>> -> memref<48x128xf32, #tpu.memory_space<vmem_shared>>
      %dma_start3A_69 = arith.constant 0 : i32
      %dma_start3A_70 = tpu.memref_slice %arg11[%add3A_31, %dma_start3A_69] : memref<10000x128xf32, #tpu.memory_space<vmem_shared>> -> memref<48x128xf32, #tpu.memory_space<vmem_shared>>
      %dma_start3A_71 = arith.constant 0 : i32
      %dma_start3A_72 = arith.constant 0 : i32
      %dma_start3A_73 = tpu.memref_slice %arg10[%dma_start3A_71, %dma_start3A_72] : memref<80x128xf32, #tpu.memory_space<vmem>> -> memref<48x128xf32, #tpu.memory_space<vmem>>
      tpu.enqueue_dma source(%dma_start3A_73 : memref<48x128xf32, #tpu.memory_space<vmem>>) target(%dma_start3A_70 : memref<48x128xf32, #tpu.memory_space<vmem_shared>>) target_semaphore(%run_scoped3A : memref<!tpu.dma_semaphore, #tpu.memory_space<semaphore_mem>>)
      %dma_wait3A = arith.constant 0 : i32
      %dma_wait3A_74 = arith.constant 0 : i32
      %dma_wait3A_75 = tpu.memref_slice %arg10[%dma_wait3A, %dma_wait3A_74] : memref<80x128xf32, #tpu.memory_space<vmem>> -> memref<48x128xf32, #tpu.memory_space<vmem>>
      %dma_wait3A_76 = arith.constant 0 : i32
      %dma_wait3A_77 = tpu.memref_slice %arg11[%add3A_31, %dma_wait3A_76] : memref<10000x128xf32, #tpu.memory_space<vmem_shared>> -> memref<48x128xf32, #tpu.memory_space<vmem_shared>>
      %dma_wait3A_78 = arith.constant 0 : i32
      %dma_wait3A_79 = tpu.memref_slice %arg11[%add3A_31, %dma_wait3A_78] : memref<10000x128xf32, #tpu.memory_space<vmem_shared>> -> memref<48x128xf32, #tpu.memory_space<vmem_shared>>
      %dma_wait3A_80 = arith.constant 0 : i32
      %dma_wait3A_81 = arith.constant 0 : i32
      %dma_wait3A_82 = tpu.memref_slice %arg10[%dma_wait3A_80, %dma_wait3A_81] : memref<80x128xf32, #tpu.memory_space<vmem>> -> memref<48x128xf32, #tpu.memory_space<vmem>>
      tpu.wait_dma2 semaphore(%run_scoped3A : memref<!tpu.dma_semaphore, #tpu.memory_space<semaphore_mem>>) src(%dma_wait3A_82 : memref<48x128xf32, #tpu.memory_space<vmem>>) dst(%dma_wait3A_79 : memref<48x128xf32, #tpu.memory_space<vmem_shared>>)
      tpu.yield
    }) : () -> ()
    %add3A_32 = arith.constant 528 : i32
    %add3A_33 = arith.addi %multiple_of3A, %add3A_32 : i32
    "tpu.region"() ({
      %run_scoped3A = tpu.sem_alloc : memref<!tpu.dma_semaphore, #tpu.memory_space<semaphore_mem>>
      %dma_start3A = arith.constant 0 : i32
      %dma_start3A_65 = arith.constant 0 : i32
      %dma_start3A_66 = tpu.memref_slice %arg10[%dma_start3A, %dma_start3A_65] : memref<80x128xf32, #tpu.memory_space<vmem>> -> memref<48x128xf32, #tpu.memory_space<vmem>>
      %dma_start3A_67 = arith.constant 0 : i32
      %dma_start3A_68 = tpu.memref_slice %arg11[%add3A_33, %dma_start3A_67] : memref<10000x128xf32, #tpu.memory_space<vmem_shared>> -> memref<48x128xf32, #tpu.memory_space<vmem_shared>>
      %dma_start3A_69 = arith.constant 0 : i32
      %dma_start3A_70 = tpu.memref_slice %arg11[%add3A_33, %dma_start3A_69] : memref<10000x128xf32, #tpu.memory_space<vmem_shared>> -> memref<48x128xf32, #tpu.memory_space<vmem_shared>>
      %dma_start3A_71 = arith.constant 0 : i32
      %dma_start3A_72 = arith.constant 0 : i32
      %dma_start3A_73 = tpu.memref_slice %arg10[%dma_start3A_71, %dma_start3A_72] : memref<80x128xf32, #tpu.memory_space<vmem>> -> memref<48x128xf32, #tpu.memory_space<vmem>>
      tpu.enqueue_dma source(%dma_start3A_73 : memref<48x128xf32, #tpu.memory_space<vmem>>) target(%dma_start3A_70 : memref<48x128xf32, #tpu.memory_space<vmem_shared>>) target_semaphore(%run_scoped3A : memref<!tpu.dma_semaphore, #tpu.memory_space<semaphore_mem>>)
      %dma_wait3A = arith.constant 0 : i32
      %dma_wait3A_74 = arith.constant 0 : i32
      %dma_wait3A_75 = tpu.memref_slice %arg10[%dma_wait3A, %dma_wait3A_74] : memref<80x128xf32, #tpu.memory_space<vmem>> -> memref<48x128xf32, #tpu.memory_space<vmem>>
      %dma_wait3A_76 = arith.constant 0 : i32
      %dma_wait3A_77 = tpu.memref_slice %arg11[%add3A_33, %dma_wait3A_76] : memref<10000x128xf32, #tpu.memory_space<vmem_shared>> -> memref<48x128xf32, #tpu.memory_space<vmem_shared>>
      %dma_wait3A_78 = arith.constant 0 : i32
      %dma_wait3A_79 = tpu.memref_slice %arg11[%add3A_33, %dma_wait3A_78] : memref<10000x128xf32, #tpu.memory_space<vmem_shared>> -> memref<48x128xf32, #tpu.memory_space<vmem_shared>>
      %dma_wait3A_80 = arith.constant 0 : i32
      %dma_wait3A_81 = arith.constant 0 : i32
      %dma_wait3A_82 = tpu.memref_slice %arg10[%dma_wait3A_80, %dma_wait3A_81] : memref<80x128xf32, #tpu.memory_space<vmem>> -> memref<48x128xf32, #tpu.memory_space<vmem>>
      tpu.wait_dma2 semaphore(%run_scoped3A : memref<!tpu.dma_semaphore, #tpu.memory_space<semaphore_mem>>) src(%dma_wait3A_82 : memref<48x128xf32, #tpu.memory_space<vmem>>) dst(%dma_wait3A_79 : memref<48x128xf32, #tpu.memory_space<vmem_shared>>)
      tpu.yield
    }) : () -> ()
    %add3A_34 = arith.constant 576 : i32
    %add3A_35 = arith.addi %multiple_of3A, %add3A_34 : i32
    "tpu.region"() ({
      %run_scoped3A = tpu.sem_alloc : memref<!tpu.dma_semaphore, #tpu.memory_space<semaphore_mem>>
      %dma_start3A = arith.constant 0 : i32
      %dma_start3A_65 = arith.constant 0 : i32
      %dma_start3A_66 = tpu.memref_slice %arg10[%dma_start3A, %dma_start3A_65] : memref<80x128xf32, #tpu.memory_space<vmem>> -> memref<48x128xf32, #tpu.memory_space<vmem>>
      %dma_start3A_67 = arith.constant 0 : i32
      %dma_start3A_68 = tpu.memref_slice %arg11[%add3A_35, %dma_start3A_67] : memref<10000x128xf32, #tpu.memory_space<vmem_shared>> -> memref<48x128xf32, #tpu.memory_space<vmem_shared>>
      %dma_start3A_69 = arith.constant 0 : i32
      %dma_start3A_70 = tpu.memref_slice %arg11[%add3A_35, %dma_start3A_69] : memref<10000x128xf32, #tpu.memory_space<vmem_shared>> -> memref<48x128xf32, #tpu.memory_space<vmem_shared>>
      %dma_start3A_71 = arith.constant 0 : i32
      %dma_start3A_72 = arith.constant 0 : i32
      %dma_start3A_73 = tpu.memref_slice %arg10[%dma_start3A_71, %dma_start3A_72] : memref<80x128xf32, #tpu.memory_space<vmem>> -> memref<48x128xf32, #tpu.memory_space<vmem>>
      tpu.enqueue_dma source(%dma_start3A_73 : memref<48x128xf32, #tpu.memory_space<vmem>>) target(%dma_start3A_70 : memref<48x128xf32, #tpu.memory_space<vmem_shared>>) target_semaphore(%run_scoped3A : memref<!tpu.dma_semaphore, #tpu.memory_space<semaphore_mem>>)
      %dma_wait3A = arith.constant 0 : i32
      %dma_wait3A_74 = arith.constant 0 : i32
      %dma_wait3A_75 = tpu.memref_slice %arg10[%dma_wait3A, %dma_wait3A_74] : memref<80x128xf32, #tpu.memory_space<vmem>> -> memref<48x128xf32, #tpu.memory_space<vmem>>
      %dma_wait3A_76 = arith.constant 0 : i32
      %dma_wait3A_77 = tpu.memref_slice %arg11[%add3A_35, %dma_wait3A_76] : memref<10000x128xf32, #tpu.memory_space<vmem_shared>> -> memref<48x128xf32, #tpu.memory_space<vmem_shared>>
      %dma_wait3A_78 = arith.constant 0 : i32
      %dma_wait3A_79 = tpu.memref_slice %arg11[%add3A_35, %dma_wait3A_78] : memref<10000x128xf32, #tpu.memory_space<vmem_shared>> -> memref<48x128xf32, #tpu.memory_space<vmem_shared>>
      %dma_wait3A_80 = arith.constant 0 : i32
      %dma_wait3A_81 = arith.constant 0 : i32
      %dma_wait3A_82 = tpu.memref_slice %arg10[%dma_wait3A_80, %dma_wait3A_81] : memref<80x128xf32, #tpu.memory_space<vmem>> -> memref<48x128xf32, #tpu.memory_space<vmem>>
      tpu.wait_dma2 semaphore(%run_scoped3A : memref<!tpu.dma_semaphore, #tpu.memory_space<semaphore_mem>>) src(%dma_wait3A_82 : memref<48x128xf32, #tpu.memory_space<vmem>>) dst(%dma_wait3A_79 : memref<48x128xf32, #tpu.memory_space<vmem_shared>>)
      tpu.yield
    }) : () -> ()
    %eq3A = arith.constant 15 : i32
    %eq3A_36 = arith.cmpi eq, %arg1, %eq3A : i32
    %convert_element_type3A = arith.extui %eq3A_36 : i1 to i32
    %cond3A = arith.constant 0 : i32
    %cond3A_37 = arith.cmpi ne, %convert_element_type3A, %cond3A : i32
    scf.if %cond3A_37 {
      "tpu.region"() ({
        %run_scoped3A = tpu.sem_alloc : memref<!tpu.dma_semaphore, #tpu.memory_space<semaphore_mem>>
        %dma_start3A = arith.constant 0 : i32
        %dma_start3A_65 = arith.constant 0 : i32
        %dma_start3A_66 = tpu.memref_slice %arg10[%dma_start3A, %dma_start3A_65] : memref<80x128xf32, #tpu.memory_space<vmem>> -> memref<16x128xf32, #tpu.memory_space<vmem>>
        %dma_start3A_67 = arith.constant 9984 : i32
        %dma_start3A_68 = arith.constant 0 : i32
        %dma_start3A_69 = tpu.memref_slice %arg11[%dma_start3A_67, %dma_start3A_68] : memref<10000x128xf32, #tpu.memory_space<vmem_shared>> -> memref<16x128xf32, #tpu.memory_space<vmem_shared>>
        %dma_start3A_70 = arith.constant 9984 : i32
        %dma_start3A_71 = arith.constant 0 : i32
        %dma_start3A_72 = tpu.memref_slice %arg11[%dma_start3A_70, %dma_start3A_71] : memref<10000x128xf32, #tpu.memory_space<vmem_shared>> -> memref<16x128xf32, #tpu.memory_space<vmem_shared>>
        %dma_start3A_73 = arith.constant 0 : i32
        %dma_start3A_74 = arith.constant 0 : i32
        %dma_start3A_75 = tpu.memref_slice %arg10[%dma_start3A_73, %dma_start3A_74] : memref<80x128xf32, #tpu.memory_space<vmem>> -> memref<16x128xf32, #tpu.memory_space<vmem>>
        tpu.enqueue_dma source(%dma_start3A_75 : memref<16x128xf32, #tpu.memory_space<vmem>>) target(%dma_start3A_72 : memref<16x128xf32, #tpu.memory_space<vmem_shared>>) target_semaphore(%run_scoped3A : memref<!tpu.dma_semaphore, #tpu.memory_space<semaphore_mem>>)
        %dma_wait3A = arith.constant 0 : i32
        %dma_wait3A_76 = arith.constant 0 : i32
        %dma_wait3A_77 = tpu.memref_slice %arg10[%dma_wait3A, %dma_wait3A_76] : memref<80x128xf32, #tpu.memory_space<vmem>> -> memref<16x128xf32, #tpu.memory_space<vmem>>
        %dma_wait3A_78 = arith.constant 9984 : i32
        %dma_wait3A_79 = arith.constant 0 : i32
        %dma_wait3A_80 = tpu.memref_slice %arg11[%dma_wait3A_78, %dma_wait3A_79] : memref<10000x128xf32, #tpu.memory_space<vmem_shared>> -> memref<16x128xf32, #tpu.memory_space<vmem_shared>>
        %dma_wait3A_81 = arith.constant 9984 : i32
        %dma_wait3A_82 = arith.constant 0 : i32
        %dma_wait3A_83 = tpu.memref_slice %arg11[%dma_wait3A_81, %dma_wait3A_82] : memref<10000x128xf32, #tpu.memory_space<vmem_shared>> -> memref<16x128xf32, #tpu.memory_space<vmem_shared>>
        %dma_wait3A_84 = arith.constant 0 : i32
        %dma_wait3A_85 = arith.constant 0 : i32
        %dma_wait3A_86 = tpu.memref_slice %arg10[%dma_wait3A_84, %dma_wait3A_85] : memref<80x128xf32, #tpu.memory_space<vmem>> -> memref<16x128xf32, #tpu.memory_space<vmem>>
        tpu.wait_dma2 semaphore(%run_scoped3A : memref<!tpu.dma_semaphore, #tpu.memory_space<semaphore_mem>>) src(%dma_wait3A_86 : memref<16x128xf32, #tpu.memory_space<vmem>>) dst(%dma_wait3A_83 : memref<16x128xf32, #tpu.memory_space<vmem_shared>>)
        tpu.yield
      }) : () -> ()
    } else {
    }
    %barrier3A = arith.constant 0 : index
    tpu.barrier barrier_id(%barrier3A)
    %mul3A_38 = arith.constant 10000 : i32
    %mul3A_39 = arith.muli %add3A, %mul3A_38 : i32
    %scan3A_40 = arith.constant 0 : i32
    %scan3A_41 = arith.constant 0 : i32
    %scan3A_42 = arith.constant 125 : i32
    %scan3A_43 = arith.addi %scan3A_41, %scan3A_42 : i32
    %scan3A_44 = arith.constant 1 : i32
    %scan3A_45 = scf.for %scan3A_65 = %scan3A_41 to %scan3A_43 step %scan3A_44 iter_args(%scan3A_66 = %scan3A_40) -> (i32)  : i32 {
      %mul3A_67 = arith.constant 80 : i32
      %mul3A_68 = arith.muli %scan3A_65, %mul3A_67 : i32
      %add3A_69 = arith.addi %mul3A_39, %mul3A_68 : i32
      "tpu.region"() ({
        %run_scoped3A = tpu.sem_alloc : memref<!tpu.dma_semaphore, #tpu.memory_space<semaphore_mem>>
        %dma_start3A = tpu.memref_slice %arg2[%add3A_69] : memref<320000xi32, #tpu.memory_space<hbm>> -> memref<80xi32, #tpu.memory_space<hbm>>
        %dma_start3A_81 = tpu.memref_slice %arg2[%add3A_69] : memref<320000xi32, #tpu.memory_space<hbm>> -> memref<80xi32, #tpu.memory_space<hbm>>
        tpu.enqueue_dma source(%dma_start3A_81 : memref<80xi32, #tpu.memory_space<hbm>>) target(%arg7 : memref<80xi32, #tpu.memory_space<vmem>>) target_semaphore(%run_scoped3A : memref<!tpu.dma_semaphore, #tpu.memory_space<semaphore_mem>>)
        %dma_wait3A = tpu.memref_slice %arg2[%add3A_69] : memref<320000xi32, #tpu.memory_space<hbm>> -> memref<80xi32, #tpu.memory_space<hbm>>
        %dma_wait3A_82 = tpu.memref_slice %arg2[%add3A_69] : memref<320000xi32, #tpu.memory_space<hbm>> -> memref<80xi32, #tpu.memory_space<hbm>>
        tpu.wait_dma2 semaphore(%run_scoped3A : memref<!tpu.dma_semaphore, #tpu.memory_space<semaphore_mem>>) src(%dma_wait3A_82 : memref<80xi32, #tpu.memory_space<hbm>>) dst(%arg7 : memref<80xi32, #tpu.memory_space<vmem>>)
        tpu.yield
      }) : () -> ()
      %mul3A_70 = arith.constant 80 : i32
      %mul3A_71 = arith.muli %scan3A_65, %mul3A_70 : i32
      %add3A_72 = arith.addi %mul3A_39, %mul3A_71 : i32
      "tpu.region"() ({
        %run_scoped3A = tpu.sem_alloc : memref<!tpu.dma_semaphore, #tpu.memory_space<semaphore_mem>>
        %dma_start3A = tpu.memref_slice %arg4[%add3A_72] : memref<320000xf32, #tpu.memory_space<hbm>> -> memref<80xf32, #tpu.memory_space<hbm>>
        %dma_start3A_81 = tpu.memref_slice %arg4[%add3A_72] : memref<320000xf32, #tpu.memory_space<hbm>> -> memref<80xf32, #tpu.memory_space<hbm>>
        tpu.enqueue_dma source(%dma_start3A_81 : memref<80xf32, #tpu.memory_space<hbm>>) target(%arg9 : memref<80xf32, #tpu.memory_space<vmem>>) target_semaphore(%run_scoped3A : memref<!tpu.dma_semaphore, #tpu.memory_space<semaphore_mem>>)
        %dma_wait3A = tpu.memref_slice %arg4[%add3A_72] : memref<320000xf32, #tpu.memory_space<hbm>> -> memref<80xf32, #tpu.memory_space<hbm>>
        %dma_wait3A_82 = tpu.memref_slice %arg4[%add3A_72] : memref<320000xf32, #tpu.memory_space<hbm>> -> memref<80xf32, #tpu.memory_space<hbm>>
        tpu.wait_dma2 semaphore(%run_scoped3A : memref<!tpu.dma_semaphore, #tpu.memory_space<semaphore_mem>>) src(%dma_wait3A_82 : memref<80xf32, #tpu.memory_space<hbm>>) dst(%arg9 : memref<80xf32, #tpu.memory_space<vmem>>)
        tpu.yield
      }) : () -> ()
      "tpu.region"() ({
        %run_scoped3A = tpu.sem_alloc : memref<!tpu.dma_semaphore, #tpu.memory_space<semaphore_mem>>
        %dma_start3A = arith.constant 0 : i32
        %dma_start3A_81 = arith.constant 0 : i32
        %dma_start3A_82 = tpu.memref_slice %arg5[%dma_start3A, %dma_start3A_81] : memref<10000x128xf32, #tpu.memory_space<hbm>> -> memref<10000x128xf32, #tpu.memory_space<hbm>>
        tpu.enqueue_indirect_dma source(%dma_start3A_82 : memref<10000x128xf32, #tpu.memory_space<hbm>>) target(%arg10 : memref<80x128xf32, #tpu.memory_space<vmem>>) offsets(%arg7 : memref<80xi32, #tpu.memory_space<vmem>>) semaphore(%run_scoped3A : memref<!tpu.dma_semaphore, #tpu.memory_space<semaphore_mem>>)
        %dma_wait3A = arith.constant 0 : i32
        %dma_wait3A_83 = arith.constant 0 : i32
        %dma_wait3A_84 = tpu.memref_slice %arg5[%dma_wait3A, %dma_wait3A_83] : memref<10000x128xf32, #tpu.memory_space<hbm>> -> memref<10000x128xf32, #tpu.memory_space<hbm>>
        tpu.wait_indirect_dma semaphore(%run_scoped3A : memref<!tpu.dma_semaphore, #tpu.memory_space<semaphore_mem>>) src(%dma_wait3A_84 : memref<10000x128xf32, #tpu.memory_space<hbm>>) dst(%arg10 : memref<80x128xf32, #tpu.memory_space<vmem>>)
        tpu.yield
      }) : () -> ()
      %scan3A_73 = arith.constant 0 : i32
      %scan3A_74 = arith.constant 0 : i32
      %scan3A_75 = arith.constant 5 : i32
      %scan3A_76 = arith.addi %scan3A_74, %scan3A_75 : i32
      %scan3A_77 = arith.constant 1 : i32
      %scan3A_78 = scf.for %scan3A_81 = %scan3A_74 to %scan3A_76 step %scan3A_77 iter_args(%scan3A_82 = %scan3A_73) -> (i32)  : i32 {
        %mul3A_83 = arith.constant 16 : i32
        %mul3A_84 = arith.muli %scan3A_81, %mul3A_83 : i32
        %get3A = arith.index_cast %mul3A_84 : i32 to index
        %get3A_85 = tpu.vector_load %arg9[%get3A] {strides = array<i32>} : memref<80xf32, #tpu.memory_space<vmem>>, vector<16xf32>,
        %get3A_86 = vector.shape_cast %get3A_85 : vector<16xf32> to vector<16xf32>
        %broadcast_in_dim3A_87 = arith.constant 0 : i32
        %broadcast_in_dim3A_88 = vector.broadcast %broadcast_in_dim3A_87 : i32 to vector<16x1xi32>
        %gather3A = vector.shape_cast %broadcast_in_dim3A_88 : vector<16x1xi32> to vector<16xi32>
        %gather3A_89 = tpu.dynamic_gather %get3A_86[%gather3A] in [0] : vector<16xf32>, vector<16xi32> -> vector<16xf32>
        %mul3A_90 = arith.constant 16 : i32
        %mul3A_91 = arith.muli %scan3A_81, %mul3A_90 : i32
        %add3A_92 = arith.constant 0 : i32
        %add3A_93 = arith.addi %mul3A_91, %add3A_92 : i32
        %get3A_94 = arith.index_cast %add3A_93 : i32 to index
        %get3A_95 = arith.constant 0 : index
        %get3A_96 = tpu.vector_load %arg10[%get3A_94, %get3A_95] {strides = array<i32>} : memref<80x128xf32, #tpu.memory_space<vmem>>, vector<1x16xf32>,
        %get3A_97 = vector.shape_cast %get3A_96 : vector<1x16xf32> to vector<16xf32>
        %mul3A_98 = arith.mulf %get3A_97, %gather3A_89 : vector<16xf32>
        %swap3A = arith.index_cast %add3A_93 : i32 to index
        %swap3A_99 = arith.constant 0 : index
        %swap3A_100 = tpu.vector_load %arg10[%swap3A, %swap3A_99] {strides = array<i32>} : memref<80x128xf32, #tpu.memory_space<vmem>>, vector<1x16xf32>,
        %swap3A_101 = vector.shape_cast %swap3A_100 : vector<1x16xf32> to vector<16xf32>
        %swap3A_102 = vector.shape_cast %mul3A_98 : vector<16xf32> to vector<1x16xf32>
        tpu.vector_store %arg10[%swap3A, %swap3A_99], %swap3A_102 {strides = array<i32>} : memref<80x128xf32, #tpu.memory_space<vmem>>, vector<1x16xf32>,
        %get3A_103 = arith.index_cast %add3A_93 : i32 to index
        %get3A_104 = arith.constant 16 : index
        %get3A_105 = tpu.vector_load %arg10[%get3A_103, %get3A_104] {strides = array<i32>} : memref<80x128xf32, #tpu.memory_space<vmem>>, vector<1x16xf32>,
        %get3A_106 = vector.shape_cast %get3A_105 : vector<1x16xf32> to vector<16xf32>
        %mul3A_107 = arith.mulf %get3A_106, %gather3A_89 : vector<16xf32>
        %swap3A_108 = arith.index_cast %add3A_93 : i32 to index
        %swap3A_109 = arith.constant 16 : index
        %swap3A_110 = tpu.vector_load %arg10[%swap3A_108, %swap3A_109] {strides = array<i32>} : memref<80x128xf32, #tpu.memory_space<vmem>>, vector<1x16xf32>,
        %swap3A_111 = vector.shape_cast %swap3A_110 : vector<1x16xf32> to vector<16xf32>
        %swap3A_112 = vector.shape_cast %mul3A_107 : vector<16xf32> to vector<1x16xf32>
        tpu.vector_store %arg10[%swap3A_108, %swap3A_109], %swap3A_112 {strides = array<i32>} : memref<80x128xf32, #tpu.memory_space<vmem>>, vector<1x16xf32>,
        %get3A_113 = arith.index_cast %add3A_93 : i32 to index
        %get3A_114 = arith.constant 32 : index
        %get3A_115 = tpu.vector_load %arg10[%get3A_113, %get3A_114] {strides = array<i32>} : memref<80x128xf32, #tpu.memory_space<vmem>>, vector<1x16xf32>,
        %get3A_116 = vector.shape_cast %get3A_115 : vector<1x16xf32> to vector<16xf32>
        %mul3A_117 = arith.mulf %get3A_116, %gather3A_89 : vector<16xf32>
        %swap3A_118 = arith.index_cast %add3A_93 : i32 to index
        %swap3A_119 = arith.constant 32 : index
        %swap3A_120 = tpu.vector_load %arg10[%swap3A_118, %swap3A_119] {strides = array<i32>} : memref<80x128xf32, #tpu.memory_space<vmem>>, vector<1x16xf32>,
        %swap3A_121 = vector.shape_cast %swap3A_120 : vector<1x16xf32> to vector<16xf32>
        %swap3A_122 = vector.shape_cast %mul3A_117 : vector<16xf32> to vector<1x16xf32>
        tpu.vector_store %arg10[%swap3A_118, %swap3A_119], %swap3A_122 {strides = array<i32>} : memref<80x128xf32, #tpu.memory_space<vmem>>, vector<1x16xf32>,
        %get3A_123 = arith.index_cast %add3A_93 : i32 to index
        %get3A_124 = arith.constant 48 : index
        %get3A_125 = tpu.vector_load %arg10[%get3A_123, %get3A_124] {strides = array<i32>} : memref<80x128xf32, #tpu.memory_space<vmem>>, vector<1x16xf32>,
        %get3A_126 = vector.shape_cast %get3A_125 : vector<1x16xf32> to vector<16xf32>
        %mul3A_127 = arith.mulf %get3A_126, %gather3A_89 : vector<16xf32>
        %swap3A_128 = arith.index_cast %add3A_93 : i32 to index
        %swap3A_129 = arith.constant 48 : index
        %swap3A_130 = tpu.vector_load %arg10[%swap3A_128, %swap3A_129] {strides = array<i32>} : memref<80x128xf32, #tpu.memory_space<vmem>>, vector<1x16xf32>,
        %swap3A_131 = vector.shape_cast %swap3A_130 : vector<1x16xf32> to vector<16xf32>
        %swap3A_132 = vector.shape_cast %mul3A_127 : vector<16xf32> to vector<1x16xf32>
        tpu.vector_store %arg10[%swap3A_128, %swap3A_129], %swap3A_132 {strides = array<i32>} : memref<80x128xf32, #tpu.memory_space<vmem>>, vector<1x16xf32>,
        %get3A_133 = arith.index_cast %add3A_93 : i32 to index
        %get3A_134 = arith.constant 64 : index
        %get3A_135 = tpu.vector_load %arg10[%get3A_133, %get3A_134] {strides = array<i32>} : memref<80x128xf32, #tpu.memory_space<vmem>>, vector<1x16xf32>,
        %get3A_136 = vector.shape_cast %get3A_135 : vector<1x16xf32> to vector<16xf32>
        %mul3A_137 = arith.mulf %get3A_136, %gather3A_89 : vector<16xf32>
        %swap3A_138 = arith.index_cast %add3A_93 : i32 to index
        %swap3A_139 = arith.constant 64 : index
        %swap3A_140 = tpu.vector_load %arg10[%swap3A_138, %swap3A_139] {strides = array<i32>} : memref<80x128xf32, #tpu.memory_space<vmem>>, vector<1x16xf32>,
        %swap3A_141 = vector.shape_cast %swap3A_140 : vector<1x16xf32> to vector<16xf32>
        %swap3A_142 = vector.shape_cast %mul3A_137 : vector<16xf32> to vector<1x16xf32>
        tpu.vector_store %arg10[%swap3A_138, %swap3A_139], %swap3A_142 {strides = array<i32>} : memref<80x128xf32, #tpu.memory_space<vmem>>, vector<1x16xf32>,
        %get3A_143 = arith.index_cast %add3A_93 : i32 to index
        %get3A_144 = arith.constant 80 : index
        %get3A_145 = tpu.vector_load %arg10[%get3A_143, %get3A_144] {strides = array<i32>} : memref<80x128xf32, #tpu.memory_space<vmem>>, vector<1x16xf32>,
        %get3A_146 = vector.shape_cast %get3A_145 : vector<1x16xf32> to vector<16xf32>
        %mul3A_147 = arith.mulf %get3A_146, %gather3A_89 : vector<16xf32>
        %swap3A_148 = arith.index_cast %add3A_93 : i32 to index
        %swap3A_149 = arith.constant 80 : index
        %swap3A_150 = tpu.vector_load %arg10[%swap3A_148, %swap3A_149] {strides = array<i32>} : memref<80x128xf32, #tpu.memory_space<vmem>>, vector<1x16xf32>,
        %swap3A_151 = vector.shape_cast %swap3A_150 : vector<1x16xf32> to vector<16xf32>
        %swap3A_152 = vector.shape_cast %mul3A_147 : vector<16xf32> to vector<1x16xf32>
        tpu.vector_store %arg10[%swap3A_148, %swap3A_149], %swap3A_152 {strides = array<i32>} : memref<80x128xf32, #tpu.memory_space<vmem>>, vector<1x16xf32>,
        %get3A_153 = arith.index_cast %add3A_93 : i32 to index
        %get3A_154 = arith.constant 96 : index
        %get3A_155 = tpu.vector_load %arg10[%get3A_153, %get3A_154] {strides = array<i32>} : memref<80x128xf32, #tpu.memory_space<vmem>>, vector<1x16xf32>,
        %get3A_156 = vector.shape_cast %get3A_155 : vector<1x16xf32> to vector<16xf32>
        %mul3A_157 = arith.mulf %get3A_156, %gather3A_89 : vector<16xf32>
        %swap3A_158 = arith.index_cast %add3A_93 : i32 to index
        %swap3A_159 = arith.constant 96 : index
        %swap3A_160 = tpu.vector_load %arg10[%swap3A_158, %swap3A_159] {strides = array<i32>} : memref<80x128xf32, #tpu.memory_space<vmem>>, vector<1x16xf32>,
        %swap3A_161 = vector.shape_cast %swap3A_160 : vector<1x16xf32> to vector<16xf32>
        %swap3A_162 = vector.shape_cast %mul3A_157 : vector<16xf32> to vector<1x16xf32>
        tpu.vector_store %arg10[%swap3A_158, %swap3A_159], %swap3A_162 {strides = array<i32>} : memref<80x128xf32, #tpu.memory_space<vmem>>, vector<1x16xf32>,
        %get3A_163 = arith.index_cast %add3A_93 : i32 to index
        %get3A_164 = arith.constant 112 : index
        %get3A_165 = tpu.vector_load %arg10[%get3A_163, %get3A_164] {strides = array<i32>} : memref<80x128xf32, #tpu.memory_space<vmem>>, vector<1x16xf32>,
        %get3A_166 = vector.shape_cast %get3A_165 : vector<1x16xf32> to vector<16xf32>
        %mul3A_167 = arith.mulf %get3A_166, %gather3A_89 : vector<16xf32>
        %swap3A_168 = arith.index_cast %add3A_93 : i32 to index
        %swap3A_169 = arith.constant 112 : index
        %swap3A_170 = tpu.vector_load %arg10[%swap3A_168, %swap3A_169] {strides = array<i32>} : memref<80x128xf32, #tpu.memory_space<vmem>>, vector<1x16xf32>,
        %swap3A_171 = vector.shape_cast %swap3A_170 : vector<1x16xf32> to vector<16xf32>
        %swap3A_172 = vector.shape_cast %mul3A_167 : vector<16xf32> to vector<1x16xf32>
        tpu.vector_store %arg10[%swap3A_168, %swap3A_169], %swap3A_172 {strides = array<i32>} : memref<80x128xf32, #tpu.memory_space<vmem>>, vector<1x16xf32>,
        %broadcast_in_dim3A_173 = arith.constant 1 : i32
        %broadcast_in_dim3A_174 = vector.broadcast %broadcast_in_dim3A_173 : i32 to vector<16x1xi32>
        %gather3A_175 = vector.shape_cast %broadcast_in_dim3A_174 : vector<16x1xi32> to vector<16xi32>
        %gather3A_176 = tpu.dynamic_gather %get3A_86[%gather3A_175] in [0] : vector<16xf32>, vector<16xi32> -> vector<16xf32>
        %mul3A_177 = arith.constant 16 : i32
        %mul3A_178 = arith.muli %scan3A_81, %mul3A_177 : i32
        %add3A_179 = arith.constant 1 : i32
        %add3A_180 = arith.addi %mul3A_178, %add3A_179 : i32
        %get3A_181 = arith.index_cast %add3A_180 : i32 to index
        %get3A_182 = arith.constant 0 : index
        %get3A_183 = tpu.vector_load %arg10[%get3A_181, %get3A_182] {strides = array<i32>} : memref<80x128xf32, #tpu.memory_space<vmem>>, vector<1x16xf32>,
        %get3A_184 = vector.shape_cast %get3A_183 : vector<1x16xf32> to vector<16xf32>
        %mul3A_185 = arith.mulf %get3A_184, %gather3A_176 : vector<16xf32>
        %swap3A_186 = arith.index_cast %add3A_180 : i32 to index
        %swap3A_187 = arith.constant 0 : index
        %swap3A_188 = tpu.vector_load %arg10[%swap3A_186, %swap3A_187] {strides = array<i32>} : memref<80x128xf32, #tpu.memory_space<vmem>>, vector<1x16xf32>,
        %swap3A_189 = vector.shape_cast %swap3A_188 : vector<1x16xf32> to vector<16xf32>
        %swap3A_190 = vector.shape_cast %mul3A_185 : vector<16xf32> to vector<1x16xf32>
        tpu.vector_store %arg10[%swap3A_186, %swap3A_187], %swap3A_190 {strides = array<i32>} : memref<80x128xf32, #tpu.memory_space<vmem>>, vector<1x16xf32>,
        %get3A_191 = arith.index_cast %add3A_180 : i32 to index
        %get3A_192 = arith.constant 16 : index
        %get3A_193 = tpu.vector_load %arg10[%get3A_191, %get3A_192] {strides = array<i32>} : memref<80x128xf32, #tpu.memory_space<vmem>>, vector<1x16xf32>,
        %get3A_194 = vector.shape_cast %get3A_193 : vector<1x16xf32> to vector<16xf32>
        %mul3A_195 = arith.mulf %get3A_194, %gather3A_176 : vector<16xf32>
        %swap3A_196 = arith.index_cast %add3A_180 : i32 to index
        %swap3A_197 = arith.constant 16 : index
        %swap3A_198 = tpu.vector_load %arg10[%swap3A_196, %swap3A_197] {strides = array<i32>} : memref<80x128xf32, #tpu.memory_space<vmem>>, vector<1x16xf32>,
        %swap3A_199 = vector.shape_cast %swap3A_198 : vector<1x16xf32> to vector<16xf32>
        %swap3A_200 = vector.shape_cast %mul3A_195 : vector<16xf32> to vector<1x16xf32>
        tpu.vector_store %arg10[%swap3A_196, %swap3A_197], %swap3A_200 {strides = array<i32>} : memref<80x128xf32, #tpu.memory_space<vmem>>, vector<1x16xf32>,
        %get3A_201 = arith.index_cast %add3A_180 : i32 to index
        %get3A_202 = arith.constant 32 : index
        %get3A_203 = tpu.vector_load %arg10[%get3A_201, %get3A_202] {strides = array<i32>} : memref<80x128xf32, #tpu.memory_space<vmem>>, vector<1x16xf32>,
        %get3A_204 = vector.shape_cast %get3A_203 : vector<1x16xf32> to vector<16xf32>
        %mul3A_205 = arith.mulf %get3A_204, %gather3A_176 : vector<16xf32>
        %swap3A_206 = arith.index_cast %add3A_180 : i32 to index
        %swap3A_207 = arith.constant 32 : index
        %swap3A_208 = tpu.vector_load %arg10[%swap3A_206, %swap3A_207] {strides = array<i32>} : memref<80x128xf32, #tpu.memory_space<vmem>>, vector<1x16xf32>,
        %swap3A_209 = vector.shape_cast %swap3A_208 : vector<1x16xf32> to vector<16xf32>
        %swap3A_210 = vector.shape_cast %mul3A_205 : vector<16xf32> to vector<1x16xf32>
        tpu.vector_store %arg10[%swap3A_206, %swap3A_207], %swap3A_210 {strides = array<i32>} : memref<80x128xf32, #tpu.memory_space<vmem>>, vector<1x16xf32>,
        %get3A_211 = arith.index_cast %add3A_180 : i32 to index
        %get3A_212 = arith.constant 48 : index
        %get3A_213 = tpu.vector_load %arg10[%get3A_211, %get3A_212] {strides = array<i32>} : memref<80x128xf32, #tpu.memory_space<vmem>>, vector<1x16xf32>,
        %get3A_214 = vector.shape_cast %get3A_213 : vector<1x16xf32> to vector<16xf32>
        %mul3A_215 = arith.mulf %get3A_214, %gather3A_176 : vector<16xf32>
        %swap3A_216 = arith.index_cast %add3A_180 : i32 to index
        %swap3A_217 = arith.constant 48 : index
        %swap3A_218 = tpu.vector_load %arg10[%swap3A_216, %swap3A_217] {strides = array<i32>} : memref<80x128xf32, #tpu.memory_space<vmem>>, vector<1x16xf32>,
        %swap3A_219 = vector.shape_cast %swap3A_218 : vector<1x16xf32> to vector<16xf32>
        %swap3A_220 = vector.shape_cast %mul3A_215 : vector<16xf32> to vector<1x16xf32>
        tpu.vector_store %arg10[%swap3A_216, %swap3A_217], %swap3A_220 {strides = array<i32>} : memref<80x128xf32, #tpu.memory_space<vmem>>, vector<1x16xf32>,
        %get3A_221 = arith.index_cast %add3A_180 : i32 to index
        %get3A_222 = arith.constant 64 : index
        %get3A_223 = tpu.vector_load %arg10[%get3A_221, %get3A_222] {strides = array<i32>} : memref<80x128xf32, #tpu.memory_space<vmem>>, vector<1x16xf32>,
        %get3A_224 = vector.shape_cast %get3A_223 : vector<1x16xf32> to vector<16xf32>
        %mul3A_225 = arith.mulf %get3A_224, %gather3A_176 : vector<16xf32>
        %swap3A_226 = arith.index_cast %add3A_180 : i32 to index
        %swap3A_227 = arith.constant 64 : index
        %swap3A_228 = tpu.vector_load %arg10[%swap3A_226, %swap3A_227] {strides = array<i32>} : memref<80x128xf32, #tpu.memory_space<vmem>>, vector<1x16xf32>,
        %swap3A_229 = vector.shape_cast %swap3A_228 : vector<1x16xf32> to vector<16xf32>
        %swap3A_230 = vector.shape_cast %mul3A_225 : vector<16xf32> to vector<1x16xf32>
        tpu.vector_store %arg10[%swap3A_226, %swap3A_227], %swap3A_230 {strides = array<i32>} : memref<80x128xf32, #tpu.memory_space<vmem>>, vector<1x16xf32>,
        %get3A_231 = arith.index_cast %add3A_180 : i32 to index
        %get3A_232 = arith.constant 80 : index
        %get3A_233 = tpu.vector_load %arg10[%get3A_231, %get3A_232] {strides = array<i32>} : memref<80x128xf32, #tpu.memory_space<vmem>>, vector<1x16xf32>,
        %get3A_234 = vector.shape_cast %get3A_233 : vector<1x16xf32> to vector<16xf32>
        %mul3A_235 = arith.mulf %get3A_234, %gather3A_176 : vector<16xf32>
        %swap3A_236 = arith.index_cast %add3A_180 : i32 to index
        %swap3A_237 = arith.constant 80 : index
        %swap3A_238 = tpu.vector_load %arg10[%swap3A_236, %swap3A_237] {strides = array<i32>} : memref<80x128xf32, #tpu.memory_space<vmem>>, vector<1x16xf32>,
        %swap3A_239 = vector.shape_cast %swap3A_238 : vector<1x16xf32> to vector<16xf32>
        %swap3A_240 = vector.shape_cast %mul3A_235 : vector<16xf32> to vector<1x16xf32>
        tpu.vector_store %arg10[%swap3A_236, %swap3A_237], %swap3A_240 {strides = array<i32>} : memref<80x128xf32, #tpu.memory_space<vmem>>, vector<1x16xf32>,
        %get3A_241 = arith.index_cast %add3A_180 : i32 to index
        %get3A_242 = arith.constant 96 : index
        %get3A_243 = tpu.vector_load %arg10[%get3A_241, %get3A_242] {strides = array<i32>} : memref<80x128xf32, #tpu.memory_space<vmem>>, vector<1x16xf32>,
        %get3A_244 = vector.shape_cast %get3A_243 : vector<1x16xf32> to vector<16xf32>
        %mul3A_245 = arith.mulf %get3A_244, %gather3A_176 : vector<16xf32>
        %swap3A_246 = arith.index_cast %add3A_180 : i32 to index
        %swap3A_247 = arith.constant 96 : index
        %swap3A_248 = tpu.vector_load %arg10[%swap3A_246, %swap3A_247] {strides = array<i32>} : memref<80x128xf32, #tpu.memory_space<vmem>>, vector<1x16xf32>,
        %swap3A_249 = vector.shape_cast %swap3A_248 : vector<1x16xf32> to vector<16xf32>
        %swap3A_250 = vector.shape_cast %mul3A_245 : vector<16xf32> to vector<1x16xf32>
        tpu.vector_store %arg10[%swap3A_246, %swap3A_247], %swap3A_250 {strides = array<i32>} : memref<80x128xf32, #tpu.memory_space<vmem>>, vector<1x16xf32>,
        %get3A_251 = arith.index_cast %add3A_180 : i32 to index
        %get3A_252 = arith.constant 112 : index
        %get3A_253 = tpu.vector_load %arg10[%get3A_251, %get3A_252] {strides = array<i32>} : memref<80x128xf32, #tpu.memory_space<vmem>>, vector<1x16xf32>,
        %get3A_254 = vector.shape_cast %get3A_253 : vector<1x16xf32> to vector<16xf32>
        %mul3A_255 = arith.mulf %get3A_254, %gather3A_176 : vector<16xf32>
        %swap3A_256 = arith.index_cast %add3A_180 : i32 to index
        %swap3A_257 = arith.constant 112 : index
        %swap3A_258 = tpu.vector_load %arg10[%swap3A_256, %swap3A_257] {strides = array<i32>} : memref<80x128xf32, #tpu.memory_space<vmem>>, vector<1x16xf32>,
        %swap3A_259 = vector.shape_cast %swap3A_258 : vector<1x16xf32> to vector<16xf32>
        %swap3A_260 = vector.shape_cast %mul3A_255 : vector<16xf32> to vector<1x16xf32>
        tpu.vector_store %arg10[%swap3A_256, %swap3A_257], %swap3A_260 {strides = array<i32>} : memref<80x128xf32, #tpu.memory_space<vmem>>, vector<1x16xf32>,
        %broadcast_in_dim3A_261 = arith.constant 2 : i32
        %broadcast_in_dim3A_262 = vector.broadcast %broadcast_in_dim3A_261 : i32 to vector<16x1xi32>
        %gather3A_263 = vector.shape_cast %broadcast_in_dim3A_262 : vector<16x1xi32> to vector<16xi32>
        %gather3A_264 = tpu.dynamic_gather %get3A_86[%gather3A_263] in [0] : vector<16xf32>, vector<16xi32> -> vector<16xf32>
        %mul3A_265 = arith.constant 16 : i32
        %mul3A_266 = arith.muli %scan3A_81, %mul3A_265 : i32
        %add3A_267 = arith.constant 2 : i32
        %add3A_268 = arith.addi %mul3A_266, %add3A_267 : i32
        %get3A_269 = arith.index_cast %add3A_268 : i32 to index
        %get3A_270 = arith.constant 0 : index
        %get3A_271 = tpu.vector_load %arg10[%get3A_269, %get3A_270] {strides = array<i32>} : memref<80x128xf32, #tpu.memory_space<vmem>>, vector<1x16xf32>,
        %get3A_272 = vector.shape_cast %get3A_271 : vector<1x16xf32> to vector<16xf32>
        %mul3A_273 = arith.mulf %get3A_272, %gather3A_264 : vector<16xf32>
        %swap3A_274 = arith.index_cast %add3A_268 : i32 to index
        %swap3A_275 = arith.constant 0 : index
        %swap3A_276 = tpu.vector_load %arg10[%swap3A_274, %swap3A_275] {strides = array<i32>} : memref<80x128xf32, #tpu.memory_space<vmem>>, vector<1x16xf32>,
        %swap3A_277 = vector.shape_cast %swap3A_276 : vector<1x16xf32> to vector<16xf32>
        %swap3A_278 = vector.shape_cast %mul3A_273 : vector<16xf32> to vector<1x16xf32>
        tpu.vector_store %arg10[%swap3A_274, %swap3A_275], %swap3A_278 {strides = array<i32>} : memref<80x128xf32, #tpu.memory_space<vmem>>, vector<1x16xf32>,
        %get3A_279 = arith.index_cast %add3A_268 : i32 to index
        %get3A_280 = arith.constant 16 : index
        %get3A_281 = tpu.vector_load %arg10[%get3A_279, %get3A_280] {strides = array<i32>} : memref<80x128xf32, #tpu.memory_space<vmem>>, vector<1x16xf32>,
        %get3A_282 = vector.shape_cast %get3A_281 : vector<1x16xf32> to vector<16xf32>
        %mul3A_283 = arith.mulf %get3A_282, %gather3A_264 : vector<16xf32>
        %swap3A_284 = arith.index_cast %add3A_268 : i32 to index
        %swap3A_285 = arith.constant 16 : index
        %swap3A_286 = tpu.vector_load %arg10[%swap3A_284, %swap3A_285] {strides = array<i32>} : memref<80x128xf32, #tpu.memory_space<vmem>>, vector<1x16xf32>,
        %swap3A_287 = vector.shape_cast %swap3A_286 : vector<1x16xf32> to vector<16xf32>
        %swap3A_288 = vector.shape_cast %mul3A_283 : vector<16xf32> to vector<1x16xf32>
        tpu.vector_store %arg10[%swap3A_284, %swap3A_285], %swap3A_288 {strides = array<i32>} : memref<80x128xf32, #tpu.memory_space<vmem>>, vector<1x16xf32>,
        %get3A_289 = arith.index_cast %add3A_268 : i32 to index
        %get3A_290 = arith.constant 32 : index
        %get3A_291 = tpu.vector_load %arg10[%get3A_289, %get3A_290] {strides = array<i32>} : memref<80x128xf32, #tpu.memory_space<vmem>>, vector<1x16xf32>,
        %get3A_292 = vector.shape_cast %get3A_291 : vector<1x16xf32> to vector<16xf32>
        %mul3A_293 = arith.mulf %get3A_292, %gather3A_264 : vector<16xf32>
        %swap3A_294 = arith.index_cast %add3A_268 : i32 to index
        %swap3A_295 = arith.constant 32 : index
        %swap3A_296 = tpu.vector_load %arg10[%swap3A_294, %swap3A_295] {strides = array<i32>} : memref<80x128xf32, #tpu.memory_space<vmem>>, vector<1x16xf32>,
        %swap3A_297 = vector.shape_cast %swap3A_296 : vector<1x16xf32> to vector<16xf32>
        %swap3A_298 = vector.shape_cast %mul3A_293 : vector<16xf32> to vector<1x16xf32>
        tpu.vector_store %arg10[%swap3A_294, %swap3A_295], %swap3A_298 {strides = array<i32>} : memref<80x128xf32, #tpu.memory_space<vmem>>, vector<1x16xf32>,
        %get3A_299 = arith.index_cast %add3A_268 : i32 to index
        %get3A_300 = arith.constant 48 : index
        %get3A_301 = tpu.vector_load %arg10[%get3A_299, %get3A_300] {strides = array<i32>} : memref<80x128xf32, #tpu.memory_space<vmem>>, vector<1x16xf32>,
        %get3A_302 = vector.shape_cast %get3A_301 : vector<1x16xf32> to vector<16xf32>
        %mul3A_303 = arith.mulf %get3A_302, %gather3A_264 : vector<16xf32>
        %swap3A_304 = arith.index_cast %add3A_268 : i32 to index
        %swap3A_305 = arith.constant 48 : index
        %swap3A_306 = tpu.vector_load %arg10[%swap3A_304, %swap3A_305] {strides = array<i32>} : memref<80x128xf32, #tpu.memory_space<vmem>>, vector<1x16xf32>,
        %swap3A_307 = vector.shape_cast %swap3A_306 : vector<1x16xf32> to vector<16xf32>
        %swap3A_308 = vector.shape_cast %mul3A_303 : vector<16xf32> to vector<1x16xf32>
        tpu.vector_store %arg10[%swap3A_304, %swap3A_305], %swap3A_308 {strides = array<i32>} : memref<80x128xf32, #tpu.memory_space<vmem>>, vector<1x16xf32>,
        %get3A_309 = arith.index_cast %add3A_268 : i32 to index
        %get3A_310 = arith.constant 64 : index
        %get3A_311 = tpu.vector_load %arg10[%get3A_309, %get3A_310] {strides = array<i32>} : memref<80x128xf32, #tpu.memory_space<vmem>>, vector<1x16xf32>,
        %get3A_312 = vector.shape_cast %get3A_311 : vector<1x16xf32> to vector<16xf32>
        %mul3A_313 = arith.mulf %get3A_312, %gather3A_264 : vector<16xf32>
        %swap3A_314 = arith.index_cast %add3A_268 : i32 to index
        %swap3A_315 = arith.constant 64 : index
        %swap3A_316 = tpu.vector_load %arg10[%swap3A_314, %swap3A_315] {strides = array<i32>} : memref<80x128xf32, #tpu.memory_space<vmem>>, vector<1x16xf32>,
        %swap3A_317 = vector.shape_cast %swap3A_316 : vector<1x16xf32> to vector<16xf32>
        %swap3A_318 = vector.shape_cast %mul3A_313 : vector<16xf32> to vector<1x16xf32>
        tpu.vector_store %arg10[%swap3A_314, %swap3A_315], %swap3A_318 {strides = array<i32>} : memref<80x128xf32, #tpu.memory_space<vmem>>, vector<1x16xf32>,
        %get3A_319 = arith.index_cast %add3A_268 : i32 to index
        %get3A_320 = arith.constant 80 : index
        %get3A_321 = tpu.vector_load %arg10[%get3A_319, %get3A_320] {strides = array<i32>} : memref<80x128xf32, #tpu.memory_space<vmem>>, vector<1x16xf32>,
        %get3A_322 = vector.shape_cast %get3A_321 : vector<1x16xf32> to vector<16xf32>
        %mul3A_323 = arith.mulf %get3A_322, %gather3A_264 : vector<16xf32>
        %swap3A_324 = arith.index_cast %add3A_268 : i32 to index
        %swap3A_325 = arith.constant 80 : index
        %swap3A_326 = tpu.vector_load %arg10[%swap3A_324, %swap3A_325] {strides = array<i32>} : memref<80x128xf32, #tpu.memory_space<vmem>>, vector<1x16xf32>,
        %swap3A_327 = vector.shape_cast %swap3A_326 : vector<1x16xf32> to vector<16xf32>
        %swap3A_328 = vector.shape_cast %mul3A_323 : vector<16xf32> to vector<1x16xf32>
        tpu.vector_store %arg10[%swap3A_324, %swap3A_325], %swap3A_328 {strides = array<i32>} : memref<80x128xf32, #tpu.memory_space<vmem>>, vector<1x16xf32>,
        %get3A_329 = arith.index_cast %add3A_268 : i32 to index
        %get3A_330 = arith.constant 96 : index
        %get3A_331 = tpu.vector_load %arg10[%get3A_329, %get3A_330] {strides = array<i32>} : memref<80x128xf32, #tpu.memory_space<vmem>>, vector<1x16xf32>,
        %get3A_332 = vector.shape_cast %get3A_331 : vector<1x16xf32> to vector<16xf32>
        %mul3A_333 = arith.mulf %get3A_332, %gather3A_264 : vector<16xf32>
        %swap3A_334 = arith.index_cast %add3A_268 : i32 to index
        %swap3A_335 = arith.constant 96 : index
        %swap3A_336 = tpu.vector_load %arg10[%swap3A_334, %swap3A_335] {strides = array<i32>} : memref<80x128xf32, #tpu.memory_space<vmem>>, vector<1x16xf32>,
        %swap3A_337 = vector.shape_cast %swap3A_336 : vector<1x16xf32> to vector<16xf32>
        %swap3A_338 = vector.shape_cast %mul3A_333 : vector<16xf32> to vector<1x16xf32>
        tpu.vector_store %arg10[%swap3A_334, %swap3A_335], %swap3A_338 {strides = array<i32>} : memref<80x128xf32, #tpu.memory_space<vmem>>, vector<1x16xf32>,
        %get3A_339 = arith.index_cast %add3A_268 : i32 to index
        %get3A_340 = arith.constant 112 : index
        %get3A_341 = tpu.vector_load %arg10[%get3A_339, %get3A_340] {strides = array<i32>} : memref<80x128xf32, #tpu.memory_space<vmem>>, vector<1x16xf32>,
        %get3A_342 = vector.shape_cast %get3A_341 : vector<1x16xf32> to vector<16xf32>
        %mul3A_343 = arith.mulf %get3A_342, %gather3A_264 : vector<16xf32>
        %swap3A_344 = arith.index_cast %add3A_268 : i32 to index
        %swap3A_345 = arith.constant 112 : index
        %swap3A_346 = tpu.vector_load %arg10[%swap3A_344, %swap3A_345] {strides = array<i32>} : memref<80x128xf32, #tpu.memory_space<vmem>>, vector<1x16xf32>,
        %swap3A_347 = vector.shape_cast %swap3A_346 : vector<1x16xf32> to vector<16xf32>
        %swap3A_348 = vector.shape_cast %mul3A_343 : vector<16xf32> to vector<1x16xf32>
        tpu.vector_store %arg10[%swap3A_344, %swap3A_345], %swap3A_348 {strides = array<i32>} : memref<80x128xf32, #tpu.memory_space<vmem>>, vector<1x16xf32>,
        %broadcast_in_dim3A_349 = arith.constant 3 : i32
        %broadcast_in_dim3A_350 = vector.broadcast %broadcast_in_dim3A_349 : i32 to vector<16x1xi32>
        %gather3A_351 = vector.shape_cast %broadcast_in_dim3A_350 : vector<16x1xi32> to vector<16xi32>
        %gather3A_352 = tpu.dynamic_gather %get3A_86[%gather3A_351] in [0] : vector<16xf32>, vector<16xi32> -> vector<16xf32>
        %mul3A_353 = arith.constant 16 : i32
        %mul3A_354 = arith.muli %scan3A_81, %mul3A_353 : i32
        %add3A_355 = arith.constant 3 : i32
        %add3A_356 = arith.addi %mul3A_354, %add3A_355 : i32
        %get3A_357 = arith.index_cast %add3A_356 : i32 to index
        %get3A_358 = arith.constant 0 : index
        %get3A_359 = tpu.vector_load %arg10[%get3A_357, %get3A_358] {strides = array<i32>} : memref<80x128xf32, #tpu.memory_space<vmem>>, vector<1x16xf32>,
        %get3A_360 = vector.shape_cast %get3A_359 : vector<1x16xf32> to vector<16xf32>
        %mul3A_361 = arith.mulf %get3A_360, %gather3A_352 : vector<16xf32>
        %swap3A_362 = arith.index_cast %add3A_356 : i32 to index
        %swap3A_363 = arith.constant 0 : index
        %swap3A_364 = tpu.vector_load %arg10[%swap3A_362, %swap3A_363] {strides = array<i32>} : memref<80x128xf32, #tpu.memory_space<vmem>>, vector<1x16xf32>,
        %swap3A_365 = vector.shape_cast %swap3A_364 : vector<1x16xf32> to vector<16xf32>
        %swap3A_366 = vector.shape_cast %mul3A_361 : vector<16xf32> to vector<1x16xf32>
        tpu.vector_store %arg10[%swap3A_362, %swap3A_363], %swap3A_366 {strides = array<i32>} : memref<80x128xf32, #tpu.memory_space<vmem>>, vector<1x16xf32>,
        %get3A_367 = arith.index_cast %add3A_356 : i32 to index
        %get3A_368 = arith.constant 16 : index
        %get3A_369 = tpu.vector_load %arg10[%get3A_367, %get3A_368] {strides = array<i32>} : memref<80x128xf32, #tpu.memory_space<vmem>>, vector<1x16xf32>,
        %get3A_370 = vector.shape_cast %get3A_369 : vector<1x16xf32> to vector<16xf32>
        %mul3A_371 = arith.mulf %get3A_370, %gather3A_352 : vector<16xf32>
        %swap3A_372 = arith.index_cast %add3A_356 : i32 to index
        %swap3A_373 = arith.constant 16 : index
        %swap3A_374 = tpu.vector_load %arg10[%swap3A_372, %swap3A_373] {strides = array<i32>} : memref<80x128xf32, #tpu.memory_space<vmem>>, vector<1x16xf32>,
        %swap3A_375 = vector.shape_cast %swap3A_374 : vector<1x16xf32> to vector<16xf32>
        %swap3A_376 = vector.shape_cast %mul3A_371 : vector<16xf32> to vector<1x16xf32>
        tpu.vector_store %arg10[%swap3A_372, %swap3A_373], %swap3A_376 {strides = array<i32>} : memref<80x128xf32, #tpu.memory_space<vmem>>, vector<1x16xf32>,
        %get3A_377 = arith.index_cast %add3A_356 : i32 to index
        %get3A_378 = arith.constant 32 : index
        %get3A_379 = tpu.vector_load %arg10[%get3A_377, %get3A_378] {strides = array<i32>} : memref<80x128xf32, #tpu.memory_space<vmem>>, vector<1x16xf32>,
        %get3A_380 = vector.shape_cast %get3A_379 : vector<1x16xf32> to vector<16xf32>
        %mul3A_381 = arith.mulf %get3A_380, %gather3A_352 : vector<16xf32>
        %swap3A_382 = arith.index_cast %add3A_356 : i32 to index
        %swap3A_383 = arith.constant 32 : index
        %swap3A_384 = tpu.vector_load %arg10[%swap3A_382, %swap3A_383] {strides = array<i32>} : memref<80x128xf32, #tpu.memory_space<vmem>>, vector<1x16xf32>,
        %swap3A_385 = vector.shape_cast %swap3A_384 : vector<1x16xf32> to vector<16xf32>
        %swap3A_386 = vector.shape_cast %mul3A_381 : vector<16xf32> to vector<1x16xf32>
        tpu.vector_store %arg10[%swap3A_382, %swap3A_383], %swap3A_386 {strides = array<i32>} : memref<80x128xf32, #tpu.memory_space<vmem>>, vector<1x16xf32>,
        %get3A_387 = arith.index_cast %add3A_356 : i32 to index
        %get3A_388 = arith.constant 48 : index
        %get3A_389 = tpu.vector_load %arg10[%get3A_387, %get3A_388] {strides = array<i32>} : memref<80x128xf32, #tpu.memory_space<vmem>>, vector<1x16xf32>,
        %get3A_390 = vector.shape_cast %get3A_389 : vector<1x16xf32> to vector<16xf32>
        %mul3A_391 = arith.mulf %get3A_390, %gather3A_352 : vector<16xf32>
        %swap3A_392 = arith.index_cast %add3A_356 : i32 to index
        %swap3A_393 = arith.constant 48 : index
        %swap3A_394 = tpu.vector_load %arg10[%swap3A_392, %swap3A_393] {strides = array<i32>} : memref<80x128xf32, #tpu.memory_space<vmem>>, vector<1x16xf32>,
        %swap3A_395 = vector.shape_cast %swap3A_394 : vector<1x16xf32> to vector<16xf32>
        %swap3A_396 = vector.shape_cast %mul3A_391 : vector<16xf32> to vector<1x16xf32>
        tpu.vector_store %arg10[%swap3A_392, %swap3A_393], %swap3A_396 {strides = array<i32>} : memref<80x128xf32, #tpu.memory_space<vmem>>, vector<1x16xf32>,
        %get3A_397 = arith.index_cast %add3A_356 : i32 to index
        %get3A_398 = arith.constant 64 : index
        %get3A_399 = tpu.vector_load %arg10[%get3A_397, %get3A_398] {strides = array<i32>} : memref<80x128xf32, #tpu.memory_space<vmem>>, vector<1x16xf32>,
        %get3A_400 = vector.shape_cast %get3A_399 : vector<1x16xf32> to vector<16xf32>
        %mul3A_401 = arith.mulf %get3A_400, %gather3A_352 : vector<16xf32>
        %swap3A_402 = arith.index_cast %add3A_356 : i32 to index
        %swap3A_403 = arith.constant 64 : index
        %swap3A_404 = tpu.vector_load %arg10[%swap3A_402, %swap3A_403] {strides = array<i32>} : memref<80x128xf32, #tpu.memory_space<vmem>>, vector<1x16xf32>,
        %swap3A_405 = vector.shape_cast %swap3A_404 : vector<1x16xf32> to vector<16xf32>
        %swap3A_406 = vector.shape_cast %mul3A_401 : vector<16xf32> to vector<1x16xf32>
        tpu.vector_store %arg10[%swap3A_402, %swap3A_403], %swap3A_406 {strides = array<i32>} : memref<80x128xf32, #tpu.memory_space<vmem>>, vector<1x16xf32>,
        %get3A_407 = arith.index_cast %add3A_356 : i32 to index
        %get3A_408 = arith.constant 80 : index
        %get3A_409 = tpu.vector_load %arg10[%get3A_407, %get3A_408] {strides = array<i32>} : memref<80x128xf32, #tpu.memory_space<vmem>>, vector<1x16xf32>,
        %get3A_410 = vector.shape_cast %get3A_409 : vector<1x16xf32> to vector<16xf32>
        %mul3A_411 = arith.mulf %get3A_410, %gather3A_352 : vector<16xf32>
        %swap3A_412 = arith.index_cast %add3A_356 : i32 to index
        %swap3A_413 = arith.constant 80 : index
        %swap3A_414 = tpu.vector_load %arg10[%swap3A_412, %swap3A_413] {strides = array<i32>} : memref<80x128xf32, #tpu.memory_space<vmem>>, vector<1x16xf32>,
        %swap3A_415 = vector.shape_cast %swap3A_414 : vector<1x16xf32> to vector<16xf32>
        %swap3A_416 = vector.shape_cast %mul3A_411 : vector<16xf32> to vector<1x16xf32>
        tpu.vector_store %arg10[%swap3A_412, %swap3A_413], %swap3A_416 {strides = array<i32>} : memref<80x128xf32, #tpu.memory_space<vmem>>, vector<1x16xf32>,
        %get3A_417 = arith.index_cast %add3A_356 : i32 to index
        %get3A_418 = arith.constant 96 : index
        %get3A_419 = tpu.vector_load %arg10[%get3A_417, %get3A_418] {strides = array<i32>} : memref<80x128xf32, #tpu.memory_space<vmem>>, vector<1x16xf32>,
        %get3A_420 = vector.shape_cast %get3A_419 : vector<1x16xf32> to vector<16xf32>
        %mul3A_421 = arith.mulf %get3A_420, %gather3A_352 : vector<16xf32>
        %swap3A_422 = arith.index_cast %add3A_356 : i32 to index
        %swap3A_423 = arith.constant 96 : index
        %swap3A_424 = tpu.vector_load %arg10[%swap3A_422, %swap3A_423] {strides = array<i32>} : memref<80x128xf32, #tpu.memory_space<vmem>>, vector<1x16xf32>,
        %swap3A_425 = vector.shape_cast %swap3A_424 : vector<1x16xf32> to vector<16xf32>
        %swap3A_426 = vector.shape_cast %mul3A_421 : vector<16xf32> to vector<1x16xf32>
        tpu.vector_store %arg10[%swap3A_422, %swap3A_423], %swap3A_426 {strides = array<i32>} : memref<80x128xf32, #tpu.memory_space<vmem>>, vector<1x16xf32>,
        %get3A_427 = arith.index_cast %add3A_356 : i32 to index
        %get3A_428 = arith.constant 112 : index
        %get3A_429 = tpu.vector_load %arg10[%get3A_427, %get3A_428] {strides = array<i32>} : memref<80x128xf32, #tpu.memory_space<vmem>>, vector<1x16xf32>,
        %get3A_430 = vector.shape_cast %get3A_429 : vector<1x16xf32> to vector<16xf32>
        %mul3A_431 = arith.mulf %get3A_430, %gather3A_352 : vector<16xf32>
        %swap3A_432 = arith.index_cast %add3A_356 : i32 to index
        %swap3A_433 = arith.constant 112 : index
        %swap3A_434 = tpu.vector_load %arg10[%swap3A_432, %swap3A_433] {strides = array<i32>} : memref<80x128xf32, #tpu.memory_space<vmem>>, vector<1x16xf32>,
        %swap3A_435 = vector.shape_cast %swap3A_434 : vector<1x16xf32> to vector<16xf32>
        %swap3A_436 = vector.shape_cast %mul3A_431 : vector<16xf32> to vector<1x16xf32>
        tpu.vector_store %arg10[%swap3A_432, %swap3A_433], %swap3A_436 {strides = array<i32>} : memref<80x128xf32, #tpu.memory_space<vmem>>, vector<1x16xf32>,
        %broadcast_in_dim3A_437 = arith.constant 4 : i32
        %broadcast_in_dim3A_438 = vector.broadcast %broadcast_in_dim3A_437 : i32 to vector<16x1xi32>
        %gather3A_439 = vector.shape_cast %broadcast_in_dim3A_438 : vector<16x1xi32> to vector<16xi32>
        %gather3A_440 = tpu.dynamic_gather %get3A_86[%gather3A_439] in [0] : vector<16xf32>, vector<16xi32> -> vector<16xf32>
        %mul3A_441 = arith.constant 16 : i32
        %mul3A_442 = arith.muli %scan3A_81, %mul3A_441 : i32
        %add3A_443 = arith.constant 4 : i32
        %add3A_444 = arith.addi %mul3A_442, %add3A_443 : i32
        %get3A_445 = arith.index_cast %add3A_444 : i32 to index
        %get3A_446 = arith.constant 0 : index
        %get3A_447 = tpu.vector_load %arg10[%get3A_445, %get3A_446] {strides = array<i32>} : memref<80x128xf32, #tpu.memory_space<vmem>>, vector<1x16xf32>,
        %get3A_448 = vector.shape_cast %get3A_447 : vector<1x16xf32> to vector<16xf32>
        %mul3A_449 = arith.mulf %get3A_448, %gather3A_440 : vector<16xf32>
        %swap3A_450 = arith.index_cast %add3A_444 : i32 to index
        %swap3A_451 = arith.constant 0 : index
        %swap3A_452 = tpu.vector_load %arg10[%swap3A_450, %swap3A_451] {strides = array<i32>} : memref<80x128xf32, #tpu.memory_space<vmem>>, vector<1x16xf32>,
        %swap3A_453 = vector.shape_cast %swap3A_452 : vector<1x16xf32> to vector<16xf32>
        %swap3A_454 = vector.shape_cast %mul3A_449 : vector<16xf32> to vector<1x16xf32>
        tpu.vector_store %arg10[%swap3A_450, %swap3A_451], %swap3A_454 {strides = array<i32>} : memref<80x128xf32, #tpu.memory_space<vmem>>, vector<1x16xf32>,
        %get3A_455 = arith.index_cast %add3A_444 : i32 to index
        %get3A_456 = arith.constant 16 : index
        %get3A_457 = tpu.vector_load %arg10[%get3A_455, %get3A_456] {strides = array<i32>} : memref<80x128xf32, #tpu.memory_space<vmem>>, vector<1x16xf32>,
        %get3A_458 = vector.shape_cast %get3A_457 : vector<1x16xf32> to vector<16xf32>
        %mul3A_459 = arith.mulf %get3A_458, %gather3A_440 : vector<16xf32>
        %swap3A_460 = arith.index_cast %add3A_444 : i32 to index
        %swap3A_461 = arith.constant 16 : index
        %swap3A_462 = tpu.vector_load %arg10[%swap3A_460, %swap3A_461] {strides = array<i32>} : memref<80x128xf32, #tpu.memory_space<vmem>>, vector<1x16xf32>,
        %swap3A_463 = vector.shape_cast %swap3A_462 : vector<1x16xf32> to vector<16xf32>
        %swap3A_464 = vector.shape_cast %mul3A_459 : vector<16xf32> to vector<1x16xf32>
        tpu.vector_store %arg10[%swap3A_460, %swap3A_461], %swap3A_464 {strides = array<i32>} : memref<80x128xf32, #tpu.memory_space<vmem>>, vector<1x16xf32>,
        %get3A_465 = arith.index_cast %add3A_444 : i32 to index
        %get3A_466 = arith.constant 32 : index
        %get3A_467 = tpu.vector_load %arg10[%get3A_465, %get3A_466] {strides = array<i32>} : memref<80x128xf32, #tpu.memory_space<vmem>>, vector<1x16xf32>,
        %get3A_468 = vector.shape_cast %get3A_467 : vector<1x16xf32> to vector<16xf32>
        %mul3A_469 = arith.mulf %get3A_468, %gather3A_440 : vector<16xf32>
        %swap3A_470 = arith.index_cast %add3A_444 : i32 to index
        %swap3A_471 = arith.constant 32 : index
        %swap3A_472 = tpu.vector_load %arg10[%swap3A_470, %swap3A_471] {strides = array<i32>} : memref<80x128xf32, #tpu.memory_space<vmem>>, vector<1x16xf32>,
        %swap3A_473 = vector.shape_cast %swap3A_472 : vector<1x16xf32> to vector<16xf32>
        %swap3A_474 = vector.shape_cast %mul3A_469 : vector<16xf32> to vector<1x16xf32>
        tpu.vector_store %arg10[%swap3A_470, %swap3A_471], %swap3A_474 {strides = array<i32>} : memref<80x128xf32, #tpu.memory_space<vmem>>, vector<1x16xf32>,
        %get3A_475 = arith.index_cast %add3A_444 : i32 to index
        %get3A_476 = arith.constant 48 : index
        %get3A_477 = tpu.vector_load %arg10[%get3A_475, %get3A_476] {strides = array<i32>} : memref<80x128xf32, #tpu.memory_space<vmem>>, vector<1x16xf32>,
        %get3A_478 = vector.shape_cast %get3A_477 : vector<1x16xf32> to vector<16xf32>
        %mul3A_479 = arith.mulf %get3A_478, %gather3A_440 : vector<16xf32>
        %swap3A_480 = arith.index_cast %add3A_444 : i32 to index
        %swap3A_481 = arith.constant 48 : index
        %swap3A_482 = tpu.vector_load %arg10[%swap3A_480, %swap3A_481] {strides = array<i32>} : memref<80x128xf32, #tpu.memory_space<vmem>>, vector<1x16xf32>,
        %swap3A_483 = vector.shape_cast %swap3A_482 : vector<1x16xf32> to vector<16xf32>
        %swap3A_484 = vector.shape_cast %mul3A_479 : vector<16xf32> to vector<1x16xf32>
        tpu.vector_store %arg10[%swap3A_480, %swap3A_481], %swap3A_484 {strides = array<i32>} : memref<80x128xf32, #tpu.memory_space<vmem>>, vector<1x16xf32>,
        %get3A_485 = arith.index_cast %add3A_444 : i32 to index
        %get3A_486 = arith.constant 64 : index
        %get3A_487 = tpu.vector_load %arg10[%get3A_485, %get3A_486] {strides = array<i32>} : memref<80x128xf32, #tpu.memory_space<vmem>>, vector<1x16xf32>,
        %get3A_488 = vector.shape_cast %get3A_487 : vector<1x16xf32> to vector<16xf32>
        %mul3A_489 = arith.mulf %get3A_488, %gather3A_440 : vector<16xf32>
        %swap3A_490 = arith.index_cast %add3A_444 : i32 to index
        %swap3A_491 = arith.constant 64 : index
        %swap3A_492 = tpu.vector_load %arg10[%swap3A_490, %swap3A_491] {strides = array<i32>} : memref<80x128xf32, #tpu.memory_space<vmem>>, vector<1x16xf32>,
        %swap3A_493 = vector.shape_cast %swap3A_492 : vector<1x16xf32> to vector<16xf32>
        %swap3A_494 = vector.shape_cast %mul3A_489 : vector<16xf32> to vector<1x16xf32>
        tpu.vector_store %arg10[%swap3A_490, %swap3A_491], %swap3A_494 {strides = array<i32>} : memref<80x128xf32, #tpu.memory_space<vmem>>, vector<1x16xf32>,
        %get3A_495 = arith.index_cast %add3A_444 : i32 to index
        %get3A_496 = arith.constant 80 : index
        %get3A_497 = tpu.vector_load %arg10[%get3A_495, %get3A_496] {strides = array<i32>} : memref<80x128xf32, #tpu.memory_space<vmem>>, vector<1x16xf32>,
        %get3A_498 = vector.shape_cast %get3A_497 : vector<1x16xf32> to vector<16xf32>
        %mul3A_499 = arith.mulf %get3A_498, %gather3A_440 : vector<16xf32>
        %swap3A_500 = arith.index_cast %add3A_444 : i32 to index
        %swap3A_501 = arith.constant 80 : index
        %swap3A_502 = tpu.vector_load %arg10[%swap3A_500, %swap3A_501] {strides = array<i32>} : memref<80x128xf32, #tpu.memory_space<vmem>>, vector<1x16xf32>,
        %swap3A_503 = vector.shape_cast %swap3A_502 : vector<1x16xf32> to vector<16xf32>
        %swap3A_504 = vector.shape_cast %mul3A_499 : vector<16xf32> to vector<1x16xf32>
        tpu.vector_store %arg10[%swap3A_500, %swap3A_501], %swap3A_504 {strides = array<i32>} : memref<80x128xf32, #tpu.memory_space<vmem>>, vector<1x16xf32>,
        %get3A_505 = arith.index_cast %add3A_444 : i32 to index
        %get3A_506 = arith.constant 96 : index
        %get3A_507 = tpu.vector_load %arg10[%get3A_505, %get3A_506] {strides = array<i32>} : memref<80x128xf32, #tpu.memory_space<vmem>>, vector<1x16xf32>,
        %get3A_508 = vector.shape_cast %get3A_507 : vector<1x16xf32> to vector<16xf32>
        %mul3A_509 = arith.mulf %get3A_508, %gather3A_440 : vector<16xf32>
        %swap3A_510 = arith.index_cast %add3A_444 : i32 to index
        %swap3A_511 = arith.constant 96 : index
        %swap3A_512 = tpu.vector_load %arg10[%swap3A_510, %swap3A_511] {strides = array<i32>} : memref<80x128xf32, #tpu.memory_space<vmem>>, vector<1x16xf32>,
        %swap3A_513 = vector.shape_cast %swap3A_512 : vector<1x16xf32> to vector<16xf32>
        %swap3A_514 = vector.shape_cast %mul3A_509 : vector<16xf32> to vector<1x16xf32>
        tpu.vector_store %arg10[%swap3A_510, %swap3A_511], %swap3A_514 {strides = array<i32>} : memref<80x128xf32, #tpu.memory_space<vmem>>, vector<1x16xf32>,
        %get3A_515 = arith.index_cast %add3A_444 : i32 to index
        %get3A_516 = arith.constant 112 : index
        %get3A_517 = tpu.vector_load %arg10[%get3A_515, %get3A_516] {strides = array<i32>} : memref<80x128xf32, #tpu.memory_space<vmem>>, vector<1x16xf32>,
        %get3A_518 = vector.shape_cast %get3A_517 : vector<1x16xf32> to vector<16xf32>
        %mul3A_519 = arith.mulf %get3A_518, %gather3A_440 : vector<16xf32>
        %swap3A_520 = arith.index_cast %add3A_444 : i32 to index
        %swap3A_521 = arith.constant 112 : index
        %swap3A_522 = tpu.vector_load %arg10[%swap3A_520, %swap3A_521] {strides = array<i32>} : memref<80x128xf32, #tpu.memory_space<vmem>>, vector<1x16xf32>,
        %swap3A_523 = vector.shape_cast %swap3A_522 : vector<1x16xf32> to vector<16xf32>
        %swap3A_524 = vector.shape_cast %mul3A_519 : vector<16xf32> to vector<1x16xf32>
        tpu.vector_store %arg10[%swap3A_520, %swap3A_521], %swap3A_524 {strides = array<i32>} : memref<80x128xf32, #tpu.memory_space<vmem>>, vector<1x16xf32>,
        %broadcast_in_dim3A_525 = arith.constant 5 : i32
        %broadcast_in_dim3A_526 = vector.broadcast %broadcast_in_dim3A_525 : i32 to vector<16x1xi32>
        %gather3A_527 = vector.shape_cast %broadcast_in_dim3A_526 : vector<16x1xi32> to vector<16xi32>
        %gather3A_528 = tpu.dynamic_gather %get3A_86[%gather3A_527] in [0] : vector<16xf32>, vector<16xi32> -> vector<16xf32>
        %mul3A_529 = arith.constant 16 : i32
        %mul3A_530 = arith.muli %scan3A_81, %mul3A_529 : i32
        %add3A_531 = arith.constant 5 : i32
        %add3A_532 = arith.addi %mul3A_530, %add3A_531 : i32
        %get3A_533 = arith.index_cast %add3A_532 : i32 to index
        %get3A_534 = arith.constant 0 : index
        %get3A_535 = tpu.vector_load %arg10[%get3A_533, %get3A_534] {strides = array<i32>} : memref<80x128xf32, #tpu.memory_space<vmem>>, vector<1x16xf32>,
        %get3A_536 = vector.shape_cast %get3A_535 : vector<1x16xf32> to vector<16xf32>
        %mul3A_537 = arith.mulf %get3A_536, %gather3A_528 : vector<16xf32>
        %swap3A_538 = arith.index_cast %add3A_532 : i32 to index
        %swap3A_539 = arith.constant 0 : index
        %swap3A_540 = tpu.vector_load %arg10[%swap3A_538, %swap3A_539] {strides = array<i32>} : memref<80x128xf32, #tpu.memory_space<vmem>>, vector<1x16xf32>,
        %swap3A_541 = vector.shape_cast %swap3A_540 : vector<1x16xf32> to vector<16xf32>
        %swap3A_542 = vector.shape_cast %mul3A_537 : vector<16xf32> to vector<1x16xf32>
        tpu.vector_store %arg10[%swap3A_538, %swap3A_539], %swap3A_542 {strides = array<i32>} : memref<80x128xf32, #tpu.memory_space<vmem>>, vector<1x16xf32>,
        %get3A_543 = arith.index_cast %add3A_532 : i32 to index
        %get3A_544 = arith.constant 16 : index
        %get3A_545 = tpu.vector_load %arg10[%get3A_543, %get3A_544] {strides = array<i32>} : memref<80x128xf32, #tpu.memory_space<vmem>>, vector<1x16xf32>,
        %get3A_546 = vector.shape_cast %get3A_545 : vector<1x16xf32> to vector<16xf32>
        %mul3A_547 = arith.mulf %get3A_546, %gather3A_528 : vector<16xf32>
        %swap3A_548 = arith.index_cast %add3A_532 : i32 to index
        %swap3A_549 = arith.constant 16 : index
        %swap3A_550 = tpu.vector_load %arg10[%swap3A_548, %swap3A_549] {strides = array<i32>} : memref<80x128xf32, #tpu.memory_space<vmem>>, vector<1x16xf32>,
        %swap3A_551 = vector.shape_cast %swap3A_550 : vector<1x16xf32> to vector<16xf32>
        %swap3A_552 = vector.shape_cast %mul3A_547 : vector<16xf32> to vector<1x16xf32>
        tpu.vector_store %arg10[%swap3A_548, %swap3A_549], %swap3A_552 {strides = array<i32>} : memref<80x128xf32, #tpu.memory_space<vmem>>, vector<1x16xf32>,
        %get3A_553 = arith.index_cast %add3A_532 : i32 to index
        %get3A_554 = arith.constant 32 : index
        %get3A_555 = tpu.vector_load %arg10[%get3A_553, %get3A_554] {strides = array<i32>} : memref<80x128xf32, #tpu.memory_space<vmem>>, vector<1x16xf32>,
        %get3A_556 = vector.shape_cast %get3A_555 : vector<1x16xf32> to vector<16xf32>
        %mul3A_557 = arith.mulf %get3A_556, %gather3A_528 : vector<16xf32>
        %swap3A_558 = arith.index_cast %add3A_532 : i32 to index
        %swap3A_559 = arith.constant 32 : index
        %swap3A_560 = tpu.vector_load %arg10[%swap3A_558, %swap3A_559] {strides = array<i32>} : memref<80x128xf32, #tpu.memory_space<vmem>>, vector<1x16xf32>,
        %swap3A_561 = vector.shape_cast %swap3A_560 : vector<1x16xf32> to vector<16xf32>
        %swap3A_562 = vector.shape_cast %mul3A_557 : vector<16xf32> to vector<1x16xf32>
        tpu.vector_store %arg10[%swap3A_558, %swap3A_559], %swap3A_562 {strides = array<i32>} : memref<80x128xf32, #tpu.memory_space<vmem>>, vector<1x16xf32>,
        %get3A_563 = arith.index_cast %add3A_532 : i32 to index
        %get3A_564 = arith.constant 48 : index
        %get3A_565 = tpu.vector_load %arg10[%get3A_563, %get3A_564] {strides = array<i32>} : memref<80x128xf32, #tpu.memory_space<vmem>>, vector<1x16xf32>,
        %get3A_566 = vector.shape_cast %get3A_565 : vector<1x16xf32> to vector<16xf32>
        %mul3A_567 = arith.mulf %get3A_566, %gather3A_528 : vector<16xf32>
        %swap3A_568 = arith.index_cast %add3A_532 : i32 to index
        %swap3A_569 = arith.constant 48 : index
        %swap3A_570 = tpu.vector_load %arg10[%swap3A_568, %swap3A_569] {strides = array<i32>} : memref<80x128xf32, #tpu.memory_space<vmem>>, vector<1x16xf32>,
        %swap3A_571 = vector.shape_cast %swap3A_570 : vector<1x16xf32> to vector<16xf32>
        %swap3A_572 = vector.shape_cast %mul3A_567 : vector<16xf32> to vector<1x16xf32>
        tpu.vector_store %arg10[%swap3A_568, %swap3A_569], %swap3A_572 {strides = array<i32>} : memref<80x128xf32, #tpu.memory_space<vmem>>, vector<1x16xf32>,
        %get3A_573 = arith.index_cast %add3A_532 : i32 to index
        %get3A_574 = arith.constant 64 : index
        %get3A_575 = tpu.vector_load %arg10[%get3A_573, %get3A_574] {strides = array<i32>} : memref<80x128xf32, #tpu.memory_space<vmem>>, vector<1x16xf32>,
        %get3A_576 = vector.shape_cast %get3A_575 : vector<1x16xf32> to vector<16xf32>
        %mul3A_577 = arith.mulf %get3A_576, %gather3A_528 : vector<16xf32>
        %swap3A_578 = arith.index_cast %add3A_532 : i32 to index
        %swap3A_579 = arith.constant 64 : index
        %swap3A_580 = tpu.vector_load %arg10[%swap3A_578, %swap3A_579] {strides = array<i32>} : memref<80x128xf32, #tpu.memory_space<vmem>>, vector<1x16xf32>,
        %swap3A_581 = vector.shape_cast %swap3A_580 : vector<1x16xf32> to vector<16xf32>
        %swap3A_582 = vector.shape_cast %mul3A_577 : vector<16xf32> to vector<1x16xf32>
        tpu.vector_store %arg10[%swap3A_578, %swap3A_579], %swap3A_582 {strides = array<i32>} : memref<80x128xf32, #tpu.memory_space<vmem>>, vector<1x16xf32>,
        %get3A_583 = arith.index_cast %add3A_532 : i32 to index
        %get3A_584 = arith.constant 80 : index
        %get3A_585 = tpu.vector_load %arg10[%get3A_583, %get3A_584] {strides = array<i32>} : memref<80x128xf32, #tpu.memory_space<vmem>>, vector<1x16xf32>,
        %get3A_586 = vector.shape_cast %get3A_585 : vector<1x16xf32> to vector<16xf32>
        %mul3A_587 = arith.mulf %get3A_586, %gather3A_528 : vector<16xf32>
        %swap3A_588 = arith.index_cast %add3A_532 : i32 to index
        %swap3A_589 = arith.constant 80 : index
        %swap3A_590 = tpu.vector_load %arg10[%swap3A_588, %swap3A_589] {strides = array<i32>} : memref<80x128xf32, #tpu.memory_space<vmem>>, vector<1x16xf32>,
        %swap3A_591 = vector.shape_cast %swap3A_590 : vector<1x16xf32> to vector<16xf32>
        %swap3A_592 = vector.shape_cast %mul3A_587 : vector<16xf32> to vector<1x16xf32>
        tpu.vector_store %arg10[%swap3A_588, %swap3A_589], %swap3A_592 {strides = array<i32>} : memref<80x128xf32, #tpu.memory_space<vmem>>, vector<1x16xf32>,
        %get3A_593 = arith.index_cast %add3A_532 : i32 to index
        %get3A_594 = arith.constant 96 : index
        %get3A_595 = tpu.vector_load %arg10[%get3A_593, %get3A_594] {strides = array<i32>} : memref<80x128xf32, #tpu.memory_space<vmem>>, vector<1x16xf32>,
        %get3A_596 = vector.shape_cast %get3A_595 : vector<1x16xf32> to vector<16xf32>
        %mul3A_597 = arith.mulf %get3A_596, %gather3A_528 : vector<16xf32>
        %swap3A_598 = arith.index_cast %add3A_532 : i32 to index
        %swap3A_599 = arith.constant 96 : index
        %swap3A_600 = tpu.vector_load %arg10[%swap3A_598, %swap3A_599] {strides = array<i32>} : memref<80x128xf32, #tpu.memory_space<vmem>>, vector<1x16xf32>,
        %swap3A_601 = vector.shape_cast %swap3A_600 : vector<1x16xf32> to vector<16xf32>
        %swap3A_602 = vector.shape_cast %mul3A_597 : vector<16xf32> to vector<1x16xf32>
        tpu.vector_store %arg10[%swap3A_598, %swap3A_599], %swap3A_602 {strides = array<i32>} : memref<80x128xf32, #tpu.memory_space<vmem>>, vector<1x16xf32>,
        %get3A_603 = arith.index_cast %add3A_532 : i32 to index
        %get3A_604 = arith.constant 112 : index
        %get3A_605 = tpu.vector_load %arg10[%get3A_603, %get3A_604] {strides = array<i32>} : memref<80x128xf32, #tpu.memory_space<vmem>>, vector<1x16xf32>,
        %get3A_606 = vector.shape_cast %get3A_605 : vector<1x16xf32> to vector<16xf32>
        %mul3A_607 = arith.mulf %get3A_606, %gather3A_528 : vector<16xf32>
        %swap3A_608 = arith.index_cast %add3A_532 : i32 to index
        %swap3A_609 = arith.constant 112 : index
        %swap3A_610 = tpu.vector_load %arg10[%swap3A_608, %swap3A_609] {strides = array<i32>} : memref<80x128xf32, #tpu.memory_space<vmem>>, vector<1x16xf32>,
        %swap3A_611 = vector.shape_cast %swap3A_610 : vector<1x16xf32> to vector<16xf32>
        %swap3A_612 = vector.shape_cast %mul3A_607 : vector<16xf32> to vector<1x16xf32>
        tpu.vector_store %arg10[%swap3A_608, %swap3A_609], %swap3A_612 {strides = array<i32>} : memref<80x128xf32, #tpu.memory_space<vmem>>, vector<1x16xf32>,
        %broadcast_in_dim3A_613 = arith.constant 6 : i32
        %broadcast_in_dim3A_614 = vector.broadcast %broadcast_in_dim3A_613 : i32 to vector<16x1xi32>
        %gather3A_615 = vector.shape_cast %broadcast_in_dim3A_614 : vector<16x1xi32> to vector<16xi32>
        %gather3A_616 = tpu.dynamic_gather %get3A_86[%gather3A_615] in [0] : vector<16xf32>, vector<16xi32> -> vector<16xf32>
        %mul3A_617 = arith.constant 16 : i32
        %mul3A_618 = arith.muli %scan3A_81, %mul3A_617 : i32
        %add3A_619 = arith.constant 6 : i32
        %add3A_620 = arith.addi %mul3A_618, %add3A_619 : i32
        %get3A_621 = arith.index_cast %add3A_620 : i32 to index
        %get3A_622 = arith.constant 0 : index
        %get3A_623 = tpu.vector_load %arg10[%get3A_621, %get3A_622] {strides = array<i32>} : memref<80x128xf32, #tpu.memory_space<vmem>>, vector<1x16xf32>,
        %get3A_624 = vector.shape_cast %get3A_623 : vector<1x16xf32> to vector<16xf32>
        %mul3A_625 = arith.mulf %get3A_624, %gather3A_616 : vector<16xf32>
        %swap3A_626 = arith.index_cast %add3A_620 : i32 to index
        %swap3A_627 = arith.constant 0 : index
        %swap3A_628 = tpu.vector_load %arg10[%swap3A_626, %swap3A_627] {strides = array<i32>} : memref<80x128xf32, #tpu.memory_space<vmem>>, vector<1x16xf32>,
        %swap3A_629 = vector.shape_cast %swap3A_628 : vector<1x16xf32> to vector<16xf32>
        %swap3A_630 = vector.shape_cast %mul3A_625 : vector<16xf32> to vector<1x16xf32>
        tpu.vector_store %arg10[%swap3A_626, %swap3A_627], %swap3A_630 {strides = array<i32>} : memref<80x128xf32, #tpu.memory_space<vmem>>, vector<1x16xf32>,
        %get3A_631 = arith.index_cast %add3A_620 : i32 to index
        %get3A_632 = arith.constant 16 : index
        %get3A_633 = tpu.vector_load %arg10[%get3A_631, %get3A_632] {strides = array<i32>} : memref<80x128xf32, #tpu.memory_space<vmem>>, vector<1x16xf32>,
        %get3A_634 = vector.shape_cast %get3A_633 : vector<1x16xf32> to vector<16xf32>
        %mul3A_635 = arith.mulf %get3A_634, %gather3A_616 : vector<16xf32>
        %swap3A_636 = arith.index_cast %add3A_620 : i32 to index
        %swap3A_637 = arith.constant 16 : index
        %swap3A_638 = tpu.vector_load %arg10[%swap3A_636, %swap3A_637] {strides = array<i32>} : memref<80x128xf32, #tpu.memory_space<vmem>>, vector<1x16xf32>,
        %swap3A_639 = vector.shape_cast %swap3A_638 : vector<1x16xf32> to vector<16xf32>
        %swap3A_640 = vector.shape_cast %mul3A_635 : vector<16xf32> to vector<1x16xf32>
        tpu.vector_store %arg10[%swap3A_636, %swap3A_637], %swap3A_640 {strides = array<i32>} : memref<80x128xf32, #tpu.memory_space<vmem>>, vector<1x16xf32>,
        %get3A_641 = arith.index_cast %add3A_620 : i32 to index
        %get3A_642 = arith.constant 32 : index
        %get3A_643 = tpu.vector_load %arg10[%get3A_641, %get3A_642] {strides = array<i32>} : memref<80x128xf32, #tpu.memory_space<vmem>>, vector<1x16xf32>,
        %get3A_644 = vector.shape_cast %get3A_643 : vector<1x16xf32> to vector<16xf32>
        %mul3A_645 = arith.mulf %get3A_644, %gather3A_616 : vector<16xf32>
        %swap3A_646 = arith.index_cast %add3A_620 : i32 to index
        %swap3A_647 = arith.constant 32 : index
        %swap3A_648 = tpu.vector_load %arg10[%swap3A_646, %swap3A_647] {strides = array<i32>} : memref<80x128xf32, #tpu.memory_space<vmem>>, vector<1x16xf32>,
        %swap3A_649 = vector.shape_cast %swap3A_648 : vector<1x16xf32> to vector<16xf32>
        %swap3A_650 = vector.shape_cast %mul3A_645 : vector<16xf32> to vector<1x16xf32>
        tpu.vector_store %arg10[%swap3A_646, %swap3A_647], %swap3A_650 {strides = array<i32>} : memref<80x128xf32, #tpu.memory_space<vmem>>, vector<1x16xf32>,
        %get3A_651 = arith.index_cast %add3A_620 : i32 to index
        %get3A_652 = arith.constant 48 : index
        %get3A_653 = tpu.vector_load %arg10[%get3A_651, %get3A_652] {strides = array<i32>} : memref<80x128xf32, #tpu.memory_space<vmem>>, vector<1x16xf32>,
        %get3A_654 = vector.shape_cast %get3A_653 : vector<1x16xf32> to vector<16xf32>
        %mul3A_655 = arith.mulf %get3A_654, %gather3A_616 : vector<16xf32>
        %swap3A_656 = arith.index_cast %add3A_620 : i32 to index
        %swap3A_657 = arith.constant 48 : index
        %swap3A_658 = tpu.vector_load %arg10[%swap3A_656, %swap3A_657] {strides = array<i32>} : memref<80x128xf32, #tpu.memory_space<vmem>>, vector<1x16xf32>,
        %swap3A_659 = vector.shape_cast %swap3A_658 : vector<1x16xf32> to vector<16xf32>
        %swap3A_660 = vector.shape_cast %mul3A_655 : vector<16xf32> to vector<1x16xf32>
        tpu.vector_store %arg10[%swap3A_656, %swap3A_657], %swap3A_660 {strides = array<i32>} : memref<80x128xf32, #tpu.memory_space<vmem>>, vector<1x16xf32>,
        %get3A_661 = arith.index_cast %add3A_620 : i32 to index
        %get3A_662 = arith.constant 64 : index
        %get3A_663 = tpu.vector_load %arg10[%get3A_661, %get3A_662] {strides = array<i32>} : memref<80x128xf32, #tpu.memory_space<vmem>>, vector<1x16xf32>,
        %get3A_664 = vector.shape_cast %get3A_663 : vector<1x16xf32> to vector<16xf32>
        %mul3A_665 = arith.mulf %get3A_664, %gather3A_616 : vector<16xf32>
        %swap3A_666 = arith.index_cast %add3A_620 : i32 to index
        %swap3A_667 = arith.constant 64 : index
        %swap3A_668 = tpu.vector_load %arg10[%swap3A_666, %swap3A_667] {strides = array<i32>} : memref<80x128xf32, #tpu.memory_space<vmem>>, vector<1x16xf32>,
        %swap3A_669 = vector.shape_cast %swap3A_668 : vector<1x16xf32> to vector<16xf32>
        %swap3A_670 = vector.shape_cast %mul3A_665 : vector<16xf32> to vector<1x16xf32>
        tpu.vector_store %arg10[%swap3A_666, %swap3A_667], %swap3A_670 {strides = array<i32>} : memref<80x128xf32, #tpu.memory_space<vmem>>, vector<1x16xf32>,
        %get3A_671 = arith.index_cast %add3A_620 : i32 to index
        %get3A_672 = arith.constant 80 : index
        %get3A_673 = tpu.vector_load %arg10[%get3A_671, %get3A_672] {strides = array<i32>} : memref<80x128xf32, #tpu.memory_space<vmem>>, vector<1x16xf32>,
        %get3A_674 = vector.shape_cast %get3A_673 : vector<1x16xf32> to vector<16xf32>
        %mul3A_675 = arith.mulf %get3A_674, %gather3A_616 : vector<16xf32>
        %swap3A_676 = arith.index_cast %add3A_620 : i32 to index
        %swap3A_677 = arith.constant 80 : index
        %swap3A_678 = tpu.vector_load %arg10[%swap3A_676, %swap3A_677] {strides = array<i32>} : memref<80x128xf32, #tpu.memory_space<vmem>>, vector<1x16xf32>,
        %swap3A_679 = vector.shape_cast %swap3A_678 : vector<1x16xf32> to vector<16xf32>
        %swap3A_680 = vector.shape_cast %mul3A_675 : vector<16xf32> to vector<1x16xf32>
        tpu.vector_store %arg10[%swap3A_676, %swap3A_677], %swap3A_680 {strides = array<i32>} : memref<80x128xf32, #tpu.memory_space<vmem>>, vector<1x16xf32>,
        %get3A_681 = arith.index_cast %add3A_620 : i32 to index
        %get3A_682 = arith.constant 96 : index
        %get3A_683 = tpu.vector_load %arg10[%get3A_681, %get3A_682] {strides = array<i32>} : memref<80x128xf32, #tpu.memory_space<vmem>>, vector<1x16xf32>,
        %get3A_684 = vector.shape_cast %get3A_683 : vector<1x16xf32> to vector<16xf32>
        %mul3A_685 = arith.mulf %get3A_684, %gather3A_616 : vector<16xf32>
        %swap3A_686 = arith.index_cast %add3A_620 : i32 to index
        %swap3A_687 = arith.constant 96 : index
        %swap3A_688 = tpu.vector_load %arg10[%swap3A_686, %swap3A_687] {strides = array<i32>} : memref<80x128xf32, #tpu.memory_space<vmem>>, vector<1x16xf32>,
        %swap3A_689 = vector.shape_cast %swap3A_688 : vector<1x16xf32> to vector<16xf32>
        %swap3A_690 = vector.shape_cast %mul3A_685 : vector<16xf32> to vector<1x16xf32>
        tpu.vector_store %arg10[%swap3A_686, %swap3A_687], %swap3A_690 {strides = array<i32>} : memref<80x128xf32, #tpu.memory_space<vmem>>, vector<1x16xf32>,
        %get3A_691 = arith.index_cast %add3A_620 : i32 to index
        %get3A_692 = arith.constant 112 : index
        %get3A_693 = tpu.vector_load %arg10[%get3A_691, %get3A_692] {strides = array<i32>} : memref<80x128xf32, #tpu.memory_space<vmem>>, vector<1x16xf32>,
        %get3A_694 = vector.shape_cast %get3A_693 : vector<1x16xf32> to vector<16xf32>
        %mul3A_695 = arith.mulf %get3A_694, %gather3A_616 : vector<16xf32>
        %swap3A_696 = arith.index_cast %add3A_620 : i32 to index
        %swap3A_697 = arith.constant 112 : index
        %swap3A_698 = tpu.vector_load %arg10[%swap3A_696, %swap3A_697] {strides = array<i32>} : memref<80x128xf32, #tpu.memory_space<vmem>>, vector<1x16xf32>,
        %swap3A_699 = vector.shape_cast %swap3A_698 : vector<1x16xf32> to vector<16xf32>
        %swap3A_700 = vector.shape_cast %mul3A_695 : vector<16xf32> to vector<1x16xf32>
        tpu.vector_store %arg10[%swap3A_696, %swap3A_697], %swap3A_700 {strides = array<i32>} : memref<80x128xf32, #tpu.memory_space<vmem>>, vector<1x16xf32>,
        %broadcast_in_dim3A_701 = arith.constant 7 : i32
        %broadcast_in_dim3A_702 = vector.broadcast %broadcast_in_dim3A_701 : i32 to vector<16x1xi32>
        %gather3A_703 = vector.shape_cast %broadcast_in_dim3A_702 : vector<16x1xi32> to vector<16xi32>
        %gather3A_704 = tpu.dynamic_gather %get3A_86[%gather3A_703] in [0] : vector<16xf32>, vector<16xi32> -> vector<16xf32>
        %mul3A_705 = arith.constant 16 : i32
        %mul3A_706 = arith.muli %scan3A_81, %mul3A_705 : i32
        %add3A_707 = arith.constant 7 : i32
        %add3A_708 = arith.addi %mul3A_706, %add3A_707 : i32
        %get3A_709 = arith.index_cast %add3A_708 : i32 to index
        %get3A_710 = arith.constant 0 : index
        %get3A_711 = tpu.vector_load %arg10[%get3A_709, %get3A_710] {strides = array<i32>} : memref<80x128xf32, #tpu.memory_space<vmem>>, vector<1x16xf32>,
        %get3A_712 = vector.shape_cast %get3A_711 : vector<1x16xf32> to vector<16xf32>
        %mul3A_713 = arith.mulf %get3A_712, %gather3A_704 : vector<16xf32>
        %swap3A_714 = arith.index_cast %add3A_708 : i32 to index
        %swap3A_715 = arith.constant 0 : index
        %swap3A_716 = tpu.vector_load %arg10[%swap3A_714, %swap3A_715] {strides = array<i32>} : memref<80x128xf32, #tpu.memory_space<vmem>>, vector<1x16xf32>,
        %swap3A_717 = vector.shape_cast %swap3A_716 : vector<1x16xf32> to vector<16xf32>
        %swap3A_718 = vector.shape_cast %mul3A_713 : vector<16xf32> to vector<1x16xf32>
        tpu.vector_store %arg10[%swap3A_714, %swap3A_715], %swap3A_718 {strides = array<i32>} : memref<80x128xf32, #tpu.memory_space<vmem>>, vector<1x16xf32>,
        %get3A_719 = arith.index_cast %add3A_708 : i32 to index
        %get3A_720 = arith.constant 16 : index
        %get3A_721 = tpu.vector_load %arg10[%get3A_719, %get3A_720] {strides = array<i32>} : memref<80x128xf32, #tpu.memory_space<vmem>>, vector<1x16xf32>,
        %get3A_722 = vector.shape_cast %get3A_721 : vector<1x16xf32> to vector<16xf32>
        %mul3A_723 = arith.mulf %get3A_722, %gather3A_704 : vector<16xf32>
        %swap3A_724 = arith.index_cast %add3A_708 : i32 to index
        %swap3A_725 = arith.constant 16 : index
        %swap3A_726 = tpu.vector_load %arg10[%swap3A_724, %swap3A_725] {strides = array<i32>} : memref<80x128xf32, #tpu.memory_space<vmem>>, vector<1x16xf32>,
        %swap3A_727 = vector.shape_cast %swap3A_726 : vector<1x16xf32> to vector<16xf32>
        %swap3A_728 = vector.shape_cast %mul3A_723 : vector<16xf32> to vector<1x16xf32>
        tpu.vector_store %arg10[%swap3A_724, %swap3A_725], %swap3A_728 {strides = array<i32>} : memref<80x128xf32, #tpu.memory_space<vmem>>, vector<1x16xf32>,
        %get3A_729 = arith.index_cast %add3A_708 : i32 to index
        %get3A_730 = arith.constant 32 : index
        %get3A_731 = tpu.vector_load %arg10[%get3A_729, %get3A_730] {strides = array<i32>} : memref<80x128xf32, #tpu.memory_space<vmem>>, vector<1x16xf32>,
        %get3A_732 = vector.shape_cast %get3A_731 : vector<1x16xf32> to vector<16xf32>
        %mul3A_733 = arith.mulf %get3A_732, %gather3A_704 : vector<16xf32>
        %swap3A_734 = arith.index_cast %add3A_708 : i32 to index
        %swap3A_735 = arith.constant 32 : index
        %swap3A_736 = tpu.vector_load %arg10[%swap3A_734, %swap3A_735] {strides = array<i32>} : memref<80x128xf32, #tpu.memory_space<vmem>>, vector<1x16xf32>,
        %swap3A_737 = vector.shape_cast %swap3A_736 : vector<1x16xf32> to vector<16xf32>
        %swap3A_738 = vector.shape_cast %mul3A_733 : vector<16xf32> to vector<1x16xf32>
        tpu.vector_store %arg10[%swap3A_734, %swap3A_735], %swap3A_738 {strides = array<i32>} : memref<80x128xf32, #tpu.memory_space<vmem>>, vector<1x16xf32>,
        %get3A_739 = arith.index_cast %add3A_708 : i32 to index
        %get3A_740 = arith.constant 48 : index
        %get3A_741 = tpu.vector_load %arg10[%get3A_739, %get3A_740] {strides = array<i32>} : memref<80x128xf32, #tpu.memory_space<vmem>>, vector<1x16xf32>,
        %get3A_742 = vector.shape_cast %get3A_741 : vector<1x16xf32> to vector<16xf32>
        %mul3A_743 = arith.mulf %get3A_742, %gather3A_704 : vector<16xf32>
        %swap3A_744 = arith.index_cast %add3A_708 : i32 to index
        %swap3A_745 = arith.constant 48 : index
        %swap3A_746 = tpu.vector_load %arg10[%swap3A_744, %swap3A_745] {strides = array<i32>} : memref<80x128xf32, #tpu.memory_space<vmem>>, vector<1x16xf32>,
        %swap3A_747 = vector.shape_cast %swap3A_746 : vector<1x16xf32> to vector<16xf32>
        %swap3A_748 = vector.shape_cast %mul3A_743 : vector<16xf32> to vector<1x16xf32>
        tpu.vector_store %arg10[%swap3A_744, %swap3A_745], %swap3A_748 {strides = array<i32>} : memref<80x128xf32, #tpu.memory_space<vmem>>, vector<1x16xf32>,
        %get3A_749 = arith.index_cast %add3A_708 : i32 to index
        %get3A_750 = arith.constant 64 : index
        %get3A_751 = tpu.vector_load %arg10[%get3A_749, %get3A_750] {strides = array<i32>} : memref<80x128xf32, #tpu.memory_space<vmem>>, vector<1x16xf32>,
        %get3A_752 = vector.shape_cast %get3A_751 : vector<1x16xf32> to vector<16xf32>
        %mul3A_753 = arith.mulf %get3A_752, %gather3A_704 : vector<16xf32>
        %swap3A_754 = arith.index_cast %add3A_708 : i32 to index
        %swap3A_755 = arith.constant 64 : index
        %swap3A_756 = tpu.vector_load %arg10[%swap3A_754, %swap3A_755] {strides = array<i32>} : memref<80x128xf32, #tpu.memory_space<vmem>>, vector<1x16xf32>,
        %swap3A_757 = vector.shape_cast %swap3A_756 : vector<1x16xf32> to vector<16xf32>
        %swap3A_758 = vector.shape_cast %mul3A_753 : vector<16xf32> to vector<1x16xf32>
        tpu.vector_store %arg10[%swap3A_754, %swap3A_755], %swap3A_758 {strides = array<i32>} : memref<80x128xf32, #tpu.memory_space<vmem>>, vector<1x16xf32>,
        %get3A_759 = arith.index_cast %add3A_708 : i32 to index
        %get3A_760 = arith.constant 80 : index
        %get3A_761 = tpu.vector_load %arg10[%get3A_759, %get3A_760] {strides = array<i32>} : memref<80x128xf32, #tpu.memory_space<vmem>>, vector<1x16xf32>,
        %get3A_762 = vector.shape_cast %get3A_761 : vector<1x16xf32> to vector<16xf32>
        %mul3A_763 = arith.mulf %get3A_762, %gather3A_704 : vector<16xf32>
        %swap3A_764 = arith.index_cast %add3A_708 : i32 to index
        %swap3A_765 = arith.constant 80 : index
        %swap3A_766 = tpu.vector_load %arg10[%swap3A_764, %swap3A_765] {strides = array<i32>} : memref<80x128xf32, #tpu.memory_space<vmem>>, vector<1x16xf32>,
        %swap3A_767 = vector.shape_cast %swap3A_766 : vector<1x16xf32> to vector<16xf32>
        %swap3A_768 = vector.shape_cast %mul3A_763 : vector<16xf32> to vector<1x16xf32>
        tpu.vector_store %arg10[%swap3A_764, %swap3A_765], %swap3A_768 {strides = array<i32>} : memref<80x128xf32, #tpu.memory_space<vmem>>, vector<1x16xf32>,
        %get3A_769 = arith.index_cast %add3A_708 : i32 to index
        %get3A_770 = arith.constant 96 : index
        %get3A_771 = tpu.vector_load %arg10[%get3A_769, %get3A_770] {strides = array<i32>} : memref<80x128xf32, #tpu.memory_space<vmem>>, vector<1x16xf32>,
        %get3A_772 = vector.shape_cast %get3A_771 : vector<1x16xf32> to vector<16xf32>
        %mul3A_773 = arith.mulf %get3A_772, %gather3A_704 : vector<16xf32>
        %swap3A_774 = arith.index_cast %add3A_708 : i32 to index
        %swap3A_775 = arith.constant 96 : index
        %swap3A_776 = tpu.vector_load %arg10[%swap3A_774, %swap3A_775] {strides = array<i32>} : memref<80x128xf32, #tpu.memory_space<vmem>>, vector<1x16xf32>,
        %swap3A_777 = vector.shape_cast %swap3A_776 : vector<1x16xf32> to vector<16xf32>
        %swap3A_778 = vector.shape_cast %mul3A_773 : vector<16xf32> to vector<1x16xf32>
        tpu.vector_store %arg10[%swap3A_774, %swap3A_775], %swap3A_778 {strides = array<i32>} : memref<80x128xf32, #tpu.memory_space<vmem>>, vector<1x16xf32>,
        %get3A_779 = arith.index_cast %add3A_708 : i32 to index
        %get3A_780 = arith.constant 112 : index
        %get3A_781 = tpu.vector_load %arg10[%get3A_779, %get3A_780] {strides = array<i32>} : memref<80x128xf32, #tpu.memory_space<vmem>>, vector<1x16xf32>,
        %get3A_782 = vector.shape_cast %get3A_781 : vector<1x16xf32> to vector<16xf32>
        %mul3A_783 = arith.mulf %get3A_782, %gather3A_704 : vector<16xf32>
        %swap3A_784 = arith.index_cast %add3A_708 : i32 to index
        %swap3A_785 = arith.constant 112 : index
        %swap3A_786 = tpu.vector_load %arg10[%swap3A_784, %swap3A_785] {strides = array<i32>} : memref<80x128xf32, #tpu.memory_space<vmem>>, vector<1x16xf32>,
        %swap3A_787 = vector.shape_cast %swap3A_786 : vector<1x16xf32> to vector<16xf32>
        %swap3A_788 = vector.shape_cast %mul3A_783 : vector<16xf32> to vector<1x16xf32>
        tpu.vector_store %arg10[%swap3A_784, %swap3A_785], %swap3A_788 {strides = array<i32>} : memref<80x128xf32, #tpu.memory_space<vmem>>, vector<1x16xf32>,
        %broadcast_in_dim3A_789 = arith.constant 8 : i32
        %broadcast_in_dim3A_790 = vector.broadcast %broadcast_in_dim3A_789 : i32 to vector<16x1xi32>
        %gather3A_791 = vector.shape_cast %broadcast_in_dim3A_790 : vector<16x1xi32> to vector<16xi32>
        %gather3A_792 = tpu.dynamic_gather %get3A_86[%gather3A_791] in [0] : vector<16xf32>, vector<16xi32> -> vector<16xf32>
        %mul3A_793 = arith.constant 16 : i32
        %mul3A_794 = arith.muli %scan3A_81, %mul3A_793 : i32
        %add3A_795 = arith.constant 8 : i32
        %add3A_796 = arith.addi %mul3A_794, %add3A_795 : i32
        %get3A_797 = arith.index_cast %add3A_796 : i32 to index
        %get3A_798 = arith.constant 0 : index
        %get3A_799 = tpu.vector_load %arg10[%get3A_797, %get3A_798] {strides = array<i32>} : memref<80x128xf32, #tpu.memory_space<vmem>>, vector<1x16xf32>,
        %get3A_800 = vector.shape_cast %get3A_799 : vector<1x16xf32> to vector<16xf32>
        %mul3A_801 = arith.mulf %get3A_800, %gather3A_792 : vector<16xf32>
        %swap3A_802 = arith.index_cast %add3A_796 : i32 to index
        %swap3A_803 = arith.constant 0 : index
        %swap3A_804 = tpu.vector_load %arg10[%swap3A_802, %swap3A_803] {strides = array<i32>} : memref<80x128xf32, #tpu.memory_space<vmem>>, vector<1x16xf32>,
        %swap3A_805 = vector.shape_cast %swap3A_804 : vector<1x16xf32> to vector<16xf32>
        %swap3A_806 = vector.shape_cast %mul3A_801 : vector<16xf32> to vector<1x16xf32>
        tpu.vector_store %arg10[%swap3A_802, %swap3A_803], %swap3A_806 {strides = array<i32>} : memref<80x128xf32, #tpu.memory_space<vmem>>, vector<1x16xf32>,
        %get3A_807 = arith.index_cast %add3A_796 : i32 to index
        %get3A_808 = arith.constant 16 : index
        %get3A_809 = tpu.vector_load %arg10[%get3A_807, %get3A_808] {strides = array<i32>} : memref<80x128xf32, #tpu.memory_space<vmem>>, vector<1x16xf32>,
        %get3A_810 = vector.shape_cast %get3A_809 : vector<1x16xf32> to vector<16xf32>
        %mul3A_811 = arith.mulf %get3A_810, %gather3A_792 : vector<16xf32>
        %swap3A_812 = arith.index_cast %add3A_796 : i32 to index
        %swap3A_813 = arith.constant 16 : index
        %swap3A_814 = tpu.vector_load %arg10[%swap3A_812, %swap3A_813] {strides = array<i32>} : memref<80x128xf32, #tpu.memory_space<vmem>>, vector<1x16xf32>,
        %swap3A_815 = vector.shape_cast %swap3A_814 : vector<1x16xf32> to vector<16xf32>
        %swap3A_816 = vector.shape_cast %mul3A_811 : vector<16xf32> to vector<1x16xf32>
        tpu.vector_store %arg10[%swap3A_812, %swap3A_813], %swap3A_816 {strides = array<i32>} : memref<80x128xf32, #tpu.memory_space<vmem>>, vector<1x16xf32>,
        %get3A_817 = arith.index_cast %add3A_796 : i32 to index
        %get3A_818 = arith.constant 32 : index
        %get3A_819 = tpu.vector_load %arg10[%get3A_817, %get3A_818] {strides = array<i32>} : memref<80x128xf32, #tpu.memory_space<vmem>>, vector<1x16xf32>,
        %get3A_820 = vector.shape_cast %get3A_819 : vector<1x16xf32> to vector<16xf32>
        %mul3A_821 = arith.mulf %get3A_820, %gather3A_792 : vector<16xf32>
        %swap3A_822 = arith.index_cast %add3A_796 : i32 to index
        %swap3A_823 = arith.constant 32 : index
        %swap3A_824 = tpu.vector_load %arg10[%swap3A_822, %swap3A_823] {strides = array<i32>} : memref<80x128xf32, #tpu.memory_space<vmem>>, vector<1x16xf32>,
        %swap3A_825 = vector.shape_cast %swap3A_824 : vector<1x16xf32> to vector<16xf32>
        %swap3A_826 = vector.shape_cast %mul3A_821 : vector<16xf32> to vector<1x16xf32>
        tpu.vector_store %arg10[%swap3A_822, %swap3A_823], %swap3A_826 {strides = array<i32>} : memref<80x128xf32, #tpu.memory_space<vmem>>, vector<1x16xf32>,
        %get3A_827 = arith.index_cast %add3A_796 : i32 to index
        %get3A_828 = arith.constant 48 : index
        %get3A_829 = tpu.vector_load %arg10[%get3A_827, %get3A_828] {strides = array<i32>} : memref<80x128xf32, #tpu.memory_space<vmem>>, vector<1x16xf32>,
        %get3A_830 = vector.shape_cast %get3A_829 : vector<1x16xf32> to vector<16xf32>
        %mul3A_831 = arith.mulf %get3A_830, %gather3A_792 : vector<16xf32>
        %swap3A_832 = arith.index_cast %add3A_796 : i32 to index
        %swap3A_833 = arith.constant 48 : index
        %swap3A_834 = tpu.vector_load %arg10[%swap3A_832, %swap3A_833] {strides = array<i32>} : memref<80x128xf32, #tpu.memory_space<vmem>>, vector<1x16xf32>,
        %swap3A_835 = vector.shape_cast %swap3A_834 : vector<1x16xf32> to vector<16xf32>
        %swap3A_836 = vector.shape_cast %mul3A_831 : vector<16xf32> to vector<1x16xf32>
        tpu.vector_store %arg10[%swap3A_832, %swap3A_833], %swap3A_836 {strides = array<i32>} : memref<80x128xf32, #tpu.memory_space<vmem>>, vector<1x16xf32>,
        %get3A_837 = arith.index_cast %add3A_796 : i32 to index
        %get3A_838 = arith.constant 64 : index
        %get3A_839 = tpu.vector_load %arg10[%get3A_837, %get3A_838] {strides = array<i32>} : memref<80x128xf32, #tpu.memory_space<vmem>>, vector<1x16xf32>,
        %get3A_840 = vector.shape_cast %get3A_839 : vector<1x16xf32> to vector<16xf32>
        %mul3A_841 = arith.mulf %get3A_840, %gather3A_792 : vector<16xf32>
        %swap3A_842 = arith.index_cast %add3A_796 : i32 to index
        %swap3A_843 = arith.constant 64 : index
        %swap3A_844 = tpu.vector_load %arg10[%swap3A_842, %swap3A_843] {strides = array<i32>} : memref<80x128xf32, #tpu.memory_space<vmem>>, vector<1x16xf32>,
        %swap3A_845 = vector.shape_cast %swap3A_844 : vector<1x16xf32> to vector<16xf32>
        %swap3A_846 = vector.shape_cast %mul3A_841 : vector<16xf32> to vector<1x16xf32>
        tpu.vector_store %arg10[%swap3A_842, %swap3A_843], %swap3A_846 {strides = array<i32>} : memref<80x128xf32, #tpu.memory_space<vmem>>, vector<1x16xf32>,
        %get3A_847 = arith.index_cast %add3A_796 : i32 to index
        %get3A_848 = arith.constant 80 : index
        %get3A_849 = tpu.vector_load %arg10[%get3A_847, %get3A_848] {strides = array<i32>} : memref<80x128xf32, #tpu.memory_space<vmem>>, vector<1x16xf32>,
        %get3A_850 = vector.shape_cast %get3A_849 : vector<1x16xf32> to vector<16xf32>
        %mul3A_851 = arith.mulf %get3A_850, %gather3A_792 : vector<16xf32>
        %swap3A_852 = arith.index_cast %add3A_796 : i32 to index
        %swap3A_853 = arith.constant 80 : index
        %swap3A_854 = tpu.vector_load %arg10[%swap3A_852, %swap3A_853] {strides = array<i32>} : memref<80x128xf32, #tpu.memory_space<vmem>>, vector<1x16xf32>,
        %swap3A_855 = vector.shape_cast %swap3A_854 : vector<1x16xf32> to vector<16xf32>
        %swap3A_856 = vector.shape_cast %mul3A_851 : vector<16xf32> to vector<1x16xf32>
        tpu.vector_store %arg10[%swap3A_852, %swap3A_853], %swap3A_856 {strides = array<i32>} : memref<80x128xf32, #tpu.memory_space<vmem>>, vector<1x16xf32>,
        %get3A_857 = arith.index_cast %add3A_796 : i32 to index
        %get3A_858 = arith.constant 96 : index
        %get3A_859 = tpu.vector_load %arg10[%get3A_857, %get3A_858] {strides = array<i32>} : memref<80x128xf32, #tpu.memory_space<vmem>>, vector<1x16xf32>,
        %get3A_860 = vector.shape_cast %get3A_859 : vector<1x16xf32> to vector<16xf32>
        %mul3A_861 = arith.mulf %get3A_860, %gather3A_792 : vector<16xf32>
        %swap3A_862 = arith.index_cast %add3A_796 : i32 to index
        %swap3A_863 = arith.constant 96 : index
        %swap3A_864 = tpu.vector_load %arg10[%swap3A_862, %swap3A_863] {strides = array<i32>} : memref<80x128xf32, #tpu.memory_space<vmem>>, vector<1x16xf32>,
        %swap3A_865 = vector.shape_cast %swap3A_864 : vector<1x16xf32> to vector<16xf32>
        %swap3A_866 = vector.shape_cast %mul3A_861 : vector<16xf32> to vector<1x16xf32>
        tpu.vector_store %arg10[%swap3A_862, %swap3A_863], %swap3A_866 {strides = array<i32>} : memref<80x128xf32, #tpu.memory_space<vmem>>, vector<1x16xf32>,
        %get3A_867 = arith.index_cast %add3A_796 : i32 to index
        %get3A_868 = arith.constant 112 : index
        %get3A_869 = tpu.vector_load %arg10[%get3A_867, %get3A_868] {strides = array<i32>} : memref<80x128xf32, #tpu.memory_space<vmem>>, vector<1x16xf32>,
        %get3A_870 = vector.shape_cast %get3A_869 : vector<1x16xf32> to vector<16xf32>
        %mul3A_871 = arith.mulf %get3A_870, %gather3A_792 : vector<16xf32>
        %swap3A_872 = arith.index_cast %add3A_796 : i32 to index
        %swap3A_873 = arith.constant 112 : index
        %swap3A_874 = tpu.vector_load %arg10[%swap3A_872, %swap3A_873] {strides = array<i32>} : memref<80x128xf32, #tpu.memory_space<vmem>>, vector<1x16xf32>,
        %swap3A_875 = vector.shape_cast %swap3A_874 : vector<1x16xf32> to vector<16xf32>
        %swap3A_876 = vector.shape_cast %mul3A_871 : vector<16xf32> to vector<1x16xf32>
        tpu.vector_store %arg10[%swap3A_872, %swap3A_873], %swap3A_876 {strides = array<i32>} : memref<80x128xf32, #tpu.memory_space<vmem>>, vector<1x16xf32>,
        %broadcast_in_dim3A_877 = arith.constant 9 : i32
        %broadcast_in_dim3A_878 = vector.broadcast %broadcast_in_dim3A_877 : i32 to vector<16x1xi32>
        %gather3A_879 = vector.shape_cast %broadcast_in_dim3A_878 : vector<16x1xi32> to vector<16xi32>
        %gather3A_880 = tpu.dynamic_gather %get3A_86[%gather3A_879] in [0] : vector<16xf32>, vector<16xi32> -> vector<16xf32>
        %mul3A_881 = arith.constant 16 : i32
        %mul3A_882 = arith.muli %scan3A_81, %mul3A_881 : i32
        %add3A_883 = arith.constant 9 : i32
        %add3A_884 = arith.addi %mul3A_882, %add3A_883 : i32
        %get3A_885 = arith.index_cast %add3A_884 : i32 to index
        %get3A_886 = arith.constant 0 : index
        %get3A_887 = tpu.vector_load %arg10[%get3A_885, %get3A_886] {strides = array<i32>} : memref<80x128xf32, #tpu.memory_space<vmem>>, vector<1x16xf32>,
        %get3A_888 = vector.shape_cast %get3A_887 : vector<1x16xf32> to vector<16xf32>
        %mul3A_889 = arith.mulf %get3A_888, %gather3A_880 : vector<16xf32>
        %swap3A_890 = arith.index_cast %add3A_884 : i32 to index
        %swap3A_891 = arith.constant 0 : index
        %swap3A_892 = tpu.vector_load %arg10[%swap3A_890, %swap3A_891] {strides = array<i32>} : memref<80x128xf32, #tpu.memory_space<vmem>>, vector<1x16xf32>,
        %swap3A_893 = vector.shape_cast %swap3A_892 : vector<1x16xf32> to vector<16xf32>
        %swap3A_894 = vector.shape_cast %mul3A_889 : vector<16xf32> to vector<1x16xf32>
        tpu.vector_store %arg10[%swap3A_890, %swap3A_891], %swap3A_894 {strides = array<i32>} : memref<80x128xf32, #tpu.memory_space<vmem>>, vector<1x16xf32>,
        %get3A_895 = arith.index_cast %add3A_884 : i32 to index
        %get3A_896 = arith.constant 16 : index
        %get3A_897 = tpu.vector_load %arg10[%get3A_895, %get3A_896] {strides = array<i32>} : memref<80x128xf32, #tpu.memory_space<vmem>>, vector<1x16xf32>,
        %get3A_898 = vector.shape_cast %get3A_897 : vector<1x16xf32> to vector<16xf32>
        %mul3A_899 = arith.mulf %get3A_898, %gather3A_880 : vector<16xf32>
        %swap3A_900 = arith.index_cast %add3A_884 : i32 to index
        %swap3A_901 = arith.constant 16 : index
        %swap3A_902 = tpu.vector_load %arg10[%swap3A_900, %swap3A_901] {strides = array<i32>} : memref<80x128xf32, #tpu.memory_space<vmem>>, vector<1x16xf32>,
        %swap3A_903 = vector.shape_cast %swap3A_902 : vector<1x16xf32> to vector<16xf32>
        %swap3A_904 = vector.shape_cast %mul3A_899 : vector<16xf32> to vector<1x16xf32>
        tpu.vector_store %arg10[%swap3A_900, %swap3A_901], %swap3A_904 {strides = array<i32>} : memref<80x128xf32, #tpu.memory_space<vmem>>, vector<1x16xf32>,
        %get3A_905 = arith.index_cast %add3A_884 : i32 to index
        %get3A_906 = arith.constant 32 : index
        %get3A_907 = tpu.vector_load %arg10[%get3A_905, %get3A_906] {strides = array<i32>} : memref<80x128xf32, #tpu.memory_space<vmem>>, vector<1x16xf32>,
        %get3A_908 = vector.shape_cast %get3A_907 : vector<1x16xf32> to vector<16xf32>
        %mul3A_909 = arith.mulf %get3A_908, %gather3A_880 : vector<16xf32>
        %swap3A_910 = arith.index_cast %add3A_884 : i32 to index
        %swap3A_911 = arith.constant 32 : index
        %swap3A_912 = tpu.vector_load %arg10[%swap3A_910, %swap3A_911] {strides = array<i32>} : memref<80x128xf32, #tpu.memory_space<vmem>>, vector<1x16xf32>,
        %swap3A_913 = vector.shape_cast %swap3A_912 : vector<1x16xf32> to vector<16xf32>
        %swap3A_914 = vector.shape_cast %mul3A_909 : vector<16xf32> to vector<1x16xf32>
        tpu.vector_store %arg10[%swap3A_910, %swap3A_911], %swap3A_914 {strides = array<i32>} : memref<80x128xf32, #tpu.memory_space<vmem>>, vector<1x16xf32>,
        %get3A_915 = arith.index_cast %add3A_884 : i32 to index
        %get3A_916 = arith.constant 48 : index
        %get3A_917 = tpu.vector_load %arg10[%get3A_915, %get3A_916] {strides = array<i32>} : memref<80x128xf32, #tpu.memory_space<vmem>>, vector<1x16xf32>,
        %get3A_918 = vector.shape_cast %get3A_917 : vector<1x16xf32> to vector<16xf32>
        %mul3A_919 = arith.mulf %get3A_918, %gather3A_880 : vector<16xf32>
        %swap3A_920 = arith.index_cast %add3A_884 : i32 to index
        %swap3A_921 = arith.constant 48 : index
        %swap3A_922 = tpu.vector_load %arg10[%swap3A_920, %swap3A_921] {strides = array<i32>} : memref<80x128xf32, #tpu.memory_space<vmem>>, vector<1x16xf32>,
        %swap3A_923 = vector.shape_cast %swap3A_922 : vector<1x16xf32> to vector<16xf32>
        %swap3A_924 = vector.shape_cast %mul3A_919 : vector<16xf32> to vector<1x16xf32>
        tpu.vector_store %arg10[%swap3A_920, %swap3A_921], %swap3A_924 {strides = array<i32>} : memref<80x128xf32, #tpu.memory_space<vmem>>, vector<1x16xf32>,
        %get3A_925 = arith.index_cast %add3A_884 : i32 to index
        %get3A_926 = arith.constant 64 : index
        %get3A_927 = tpu.vector_load %arg10[%get3A_925, %get3A_926] {strides = array<i32>} : memref<80x128xf32, #tpu.memory_space<vmem>>, vector<1x16xf32>,
        %get3A_928 = vector.shape_cast %get3A_927 : vector<1x16xf32> to vector<16xf32>
        %mul3A_929 = arith.mulf %get3A_928, %gather3A_880 : vector<16xf32>
        %swap3A_930 = arith.index_cast %add3A_884 : i32 to index
        %swap3A_931 = arith.constant 64 : index
        %swap3A_932 = tpu.vector_load %arg10[%swap3A_930, %swap3A_931] {strides = array<i32>} : memref<80x128xf32, #tpu.memory_space<vmem>>, vector<1x16xf32>,
        %swap3A_933 = vector.shape_cast %swap3A_932 : vector<1x16xf32> to vector<16xf32>
        %swap3A_934 = vector.shape_cast %mul3A_929 : vector<16xf32> to vector<1x16xf32>
        tpu.vector_store %arg10[%swap3A_930, %swap3A_931], %swap3A_934 {strides = array<i32>} : memref<80x128xf32, #tpu.memory_space<vmem>>, vector<1x16xf32>,
        %get3A_935 = arith.index_cast %add3A_884 : i32 to index
        %get3A_936 = arith.constant 80 : index
        %get3A_937 = tpu.vector_load %arg10[%get3A_935, %get3A_936] {strides = array<i32>} : memref<80x128xf32, #tpu.memory_space<vmem>>, vector<1x16xf32>,
        %get3A_938 = vector.shape_cast %get3A_937 : vector<1x16xf32> to vector<16xf32>
        %mul3A_939 = arith.mulf %get3A_938, %gather3A_880 : vector<16xf32>
        %swap3A_940 = arith.index_cast %add3A_884 : i32 to index
        %swap3A_941 = arith.constant 80 : index
        %swap3A_942 = tpu.vector_load %arg10[%swap3A_940, %swap3A_941] {strides = array<i32>} : memref<80x128xf32, #tpu.memory_space<vmem>>, vector<1x16xf32>,
        %swap3A_943 = vector.shape_cast %swap3A_942 : vector<1x16xf32> to vector<16xf32>
        %swap3A_944 = vector.shape_cast %mul3A_939 : vector<16xf32> to vector<1x16xf32>
        tpu.vector_store %arg10[%swap3A_940, %swap3A_941], %swap3A_944 {strides = array<i32>} : memref<80x128xf32, #tpu.memory_space<vmem>>, vector<1x16xf32>,
        %get3A_945 = arith.index_cast %add3A_884 : i32 to index
        %get3A_946 = arith.constant 96 : index
        %get3A_947 = tpu.vector_load %arg10[%get3A_945, %get3A_946] {strides = array<i32>} : memref<80x128xf32, #tpu.memory_space<vmem>>, vector<1x16xf32>,
        %get3A_948 = vector.shape_cast %get3A_947 : vector<1x16xf32> to vector<16xf32>
        %mul3A_949 = arith.mulf %get3A_948, %gather3A_880 : vector<16xf32>
        %swap3A_950 = arith.index_cast %add3A_884 : i32 to index
        %swap3A_951 = arith.constant 96 : index
        %swap3A_952 = tpu.vector_load %arg10[%swap3A_950, %swap3A_951] {strides = array<i32>} : memref<80x128xf32, #tpu.memory_space<vmem>>, vector<1x16xf32>,
        %swap3A_953 = vector.shape_cast %swap3A_952 : vector<1x16xf32> to vector<16xf32>
        %swap3A_954 = vector.shape_cast %mul3A_949 : vector<16xf32> to vector<1x16xf32>
        tpu.vector_store %arg10[%swap3A_950, %swap3A_951], %swap3A_954 {strides = array<i32>} : memref<80x128xf32, #tpu.memory_space<vmem>>, vector<1x16xf32>,
        %get3A_955 = arith.index_cast %add3A_884 : i32 to index
        %get3A_956 = arith.constant 112 : index
        %get3A_957 = tpu.vector_load %arg10[%get3A_955, %get3A_956] {strides = array<i32>} : memref<80x128xf32, #tpu.memory_space<vmem>>, vector<1x16xf32>,
        %get3A_958 = vector.shape_cast %get3A_957 : vector<1x16xf32> to vector<16xf32>
        %mul3A_959 = arith.mulf %get3A_958, %gather3A_880 : vector<16xf32>
        %swap3A_960 = arith.index_cast %add3A_884 : i32 to index
        %swap3A_961 = arith.constant 112 : index
        %swap3A_962 = tpu.vector_load %arg10[%swap3A_960, %swap3A_961] {strides = array<i32>} : memref<80x128xf32, #tpu.memory_space<vmem>>, vector<1x16xf32>,
        %swap3A_963 = vector.shape_cast %swap3A_962 : vector<1x16xf32> to vector<16xf32>
        %swap3A_964 = vector.shape_cast %mul3A_959 : vector<16xf32> to vector<1x16xf32>
        tpu.vector_store %arg10[%swap3A_960, %swap3A_961], %swap3A_964 {strides = array<i32>} : memref<80x128xf32, #tpu.memory_space<vmem>>, vector<1x16xf32>,
        %broadcast_in_dim3A_965 = arith.constant 10 : i32
        %broadcast_in_dim3A_966 = vector.broadcast %broadcast_in_dim3A_965 : i32 to vector<16x1xi32>
        %gather3A_967 = vector.shape_cast %broadcast_in_dim3A_966 : vector<16x1xi32> to vector<16xi32>
        %gather3A_968 = tpu.dynamic_gather %get3A_86[%gather3A_967] in [0] : vector<16xf32>, vector<16xi32> -> vector<16xf32>
        %mul3A_969 = arith.constant 16 : i32
        %mul3A_970 = arith.muli %scan3A_81, %mul3A_969 : i32
        %add3A_971 = arith.constant 10 : i32
        %add3A_972 = arith.addi %mul3A_970, %add3A_971 : i32
        %get3A_973 = arith.index_cast %add3A_972 : i32 to index
        %get3A_974 = arith.constant 0 : index
        %get3A_975 = tpu.vector_load %arg10[%get3A_973, %get3A_974] {strides = array<i32>} : memref<80x128xf32, #tpu.memory_space<vmem>>, vector<1x16xf32>,
        %get3A_976 = vector.shape_cast %get3A_975 : vector<1x16xf32> to vector<16xf32>
        %mul3A_977 = arith.mulf %get3A_976, %gather3A_968 : vector<16xf32>
        %swap3A_978 = arith.index_cast %add3A_972 : i32 to index
        %swap3A_979 = arith.constant 0 : index
        %swap3A_980 = tpu.vector_load %arg10[%swap3A_978, %swap3A_979] {strides = array<i32>} : memref<80x128xf32, #tpu.memory_space<vmem>>, vector<1x16xf32>,
        %swap3A_981 = vector.shape_cast %swap3A_980 : vector<1x16xf32> to vector<16xf32>
        %swap3A_982 = vector.shape_cast %mul3A_977 : vector<16xf32> to vector<1x16xf32>
        tpu.vector_store %arg10[%swap3A_978, %swap3A_979], %swap3A_982 {strides = array<i32>} : memref<80x128xf32, #tpu.memory_space<vmem>>, vector<1x16xf32>,
        %get3A_983 = arith.index_cast %add3A_972 : i32 to index
        %get3A_984 = arith.constant 16 : index
        %get3A_985 = tpu.vector_load %arg10[%get3A_983, %get3A_984] {strides = array<i32>} : memref<80x128xf32, #tpu.memory_space<vmem>>, vector<1x16xf32>,
        %get3A_986 = vector.shape_cast %get3A_985 : vector<1x16xf32> to vector<16xf32>
        %mul3A_987 = arith.mulf %get3A_986, %gather3A_968 : vector<16xf32>
        %swap3A_988 = arith.index_cast %add3A_972 : i32 to index
        %swap3A_989 = arith.constant 16 : index
        %swap3A_990 = tpu.vector_load %arg10[%swap3A_988, %swap3A_989] {strides = array<i32>} : memref<80x128xf32, #tpu.memory_space<vmem>>, vector<1x16xf32>,
        %swap3A_991 = vector.shape_cast %swap3A_990 : vector<1x16xf32> to vector<16xf32>
        %swap3A_992 = vector.shape_cast %mul3A_987 : vector<16xf32> to vector<1x16xf32>
        tpu.vector_store %arg10[%swap3A_988, %swap3A_989], %swap3A_992 {strides = array<i32>} : memref<80x128xf32, #tpu.memory_space<vmem>>, vector<1x16xf32>,
        %get3A_993 = arith.index_cast %add3A_972 : i32 to index
        %get3A_994 = arith.constant 32 : index
        %get3A_995 = tpu.vector_load %arg10[%get3A_993, %get3A_994] {strides = array<i32>} : memref<80x128xf32, #tpu.memory_space<vmem>>, vector<1x16xf32>,
        %get3A_996 = vector.shape_cast %get3A_995 : vector<1x16xf32> to vector<16xf32>
        %mul3A_997 = arith.mulf %get3A_996, %gather3A_968 : vector<16xf32>
        %swap3A_998 = arith.index_cast %add3A_972 : i32 to index
        %swap3A_999 = arith.constant 32 : index
        %swap3A_1000 = tpu.vector_load %arg10[%swap3A_998, %swap3A_999] {strides = array<i32>} : memref<80x128xf32, #tpu.memory_space<vmem>>, vector<1x16xf32>,
        %swap3A_1001 = vector.shape_cast %swap3A_1000 : vector<1x16xf32> to vector<16xf32>
        %swap3A_1002 = vector.shape_cast %mul3A_997 : vector<16xf32> to vector<1x16xf32>
        tpu.vector_store %arg10[%swap3A_998, %swap3A_999], %swap3A_1002 {strides = array<i32>} : memref<80x128xf32, #tpu.memory_space<vmem>>, vector<1x16xf32>,
        %get3A_1003 = arith.index_cast %add3A_972 : i32 to index
        %get3A_1004 = arith.constant 48 : index
        %get3A_1005 = tpu.vector_load %arg10[%get3A_1003, %get3A_1004] {strides = array<i32>} : memref<80x128xf32, #tpu.memory_space<vmem>>, vector<1x16xf32>,
        %get3A_1006 = vector.shape_cast %get3A_1005 : vector<1x16xf32> to vector<16xf32>
        %mul3A_1007 = arith.mulf %get3A_1006, %gather3A_968 : vector<16xf32>
        %swap3A_1008 = arith.index_cast %add3A_972 : i32 to index
        %swap3A_1009 = arith.constant 48 : index
        %swap3A_1010 = tpu.vector_load %arg10[%swap3A_1008, %swap3A_1009] {strides = array<i32>} : memref<80x128xf32, #tpu.memory_space<vmem>>, vector<1x16xf32>,
        %swap3A_1011 = vector.shape_cast %swap3A_1010 : vector<1x16xf32> to vector<16xf32>
        %swap3A_1012 = vector.shape_cast %mul3A_1007 : vector<16xf32> to vector<1x16xf32>
        tpu.vector_store %arg10[%swap3A_1008, %swap3A_1009], %swap3A_1012 {strides = array<i32>} : memref<80x128xf32, #tpu.memory_space<vmem>>, vector<1x16xf32>,
        %get3A_1013 = arith.index_cast %add3A_972 : i32 to index
        %get3A_1014 = arith.constant 64 : index
        %get3A_1015 = tpu.vector_load %arg10[%get3A_1013, %get3A_1014] {strides = array<i32>} : memref<80x128xf32, #tpu.memory_space<vmem>>, vector<1x16xf32>,
        %get3A_1016 = vector.shape_cast %get3A_1015 : vector<1x16xf32> to vector<16xf32>
        %mul3A_1017 = arith.mulf %get3A_1016, %gather3A_968 : vector<16xf32>
        %swap3A_1018 = arith.index_cast %add3A_972 : i32 to index
        %swap3A_1019 = arith.constant 64 : index
        %swap3A_1020 = tpu.vector_load %arg10[%swap3A_1018, %swap3A_1019] {strides = array<i32>} : memref<80x128xf32, #tpu.memory_space<vmem>>, vector<1x16xf32>,
        %swap3A_1021 = vector.shape_cast %swap3A_1020 : vector<1x16xf32> to vector<16xf32>
        %swap3A_1022 = vector.shape_cast %mul3A_1017 : vector<16xf32> to vector<1x16xf32>
        tpu.vector_store %arg10[%swap3A_1018, %swap3A_1019], %swap3A_1022 {strides = array<i32>} : memref<80x128xf32, #tpu.memory_space<vmem>>, vector<1x16xf32>,
        %get3A_1023 = arith.index_cast %add3A_972 : i32 to index
        %get3A_1024 = arith.constant 80 : index
        %get3A_1025 = tpu.vector_load %arg10[%get3A_1023, %get3A_1024] {strides = array<i32>} : memref<80x128xf32, #tpu.memory_space<vmem>>, vector<1x16xf32>,
        %get3A_1026 = vector.shape_cast %get3A_1025 : vector<1x16xf32> to vector<16xf32>
        %mul3A_1027 = arith.mulf %get3A_1026, %gather3A_968 : vector<16xf32>
        %swap3A_1028 = arith.index_cast %add3A_972 : i32 to index
        %swap3A_1029 = arith.constant 80 : index
        %swap3A_1030 = tpu.vector_load %arg10[%swap3A_1028, %swap3A_1029] {strides = array<i32>} : memref<80x128xf32, #tpu.memory_space<vmem>>, vector<1x16xf32>,
        %swap3A_1031 = vector.shape_cast %swap3A_1030 : vector<1x16xf32> to vector<16xf32>
        %swap3A_1032 = vector.shape_cast %mul3A_1027 : vector<16xf32> to vector<1x16xf32>
        tpu.vector_store %arg10[%swap3A_1028, %swap3A_1029], %swap3A_1032 {strides = array<i32>} : memref<80x128xf32, #tpu.memory_space<vmem>>, vector<1x16xf32>,
        %get3A_1033 = arith.index_cast %add3A_972 : i32 to index
        %get3A_1034 = arith.constant 96 : index
        %get3A_1035 = tpu.vector_load %arg10[%get3A_1033, %get3A_1034] {strides = array<i32>} : memref<80x128xf32, #tpu.memory_space<vmem>>, vector<1x16xf32>,
        %get3A_1036 = vector.shape_cast %get3A_1035 : vector<1x16xf32> to vector<16xf32>
        %mul3A_1037 = arith.mulf %get3A_1036, %gather3A_968 : vector<16xf32>
        %swap3A_1038 = arith.index_cast %add3A_972 : i32 to index
        %swap3A_1039 = arith.constant 96 : index
        %swap3A_1040 = tpu.vector_load %arg10[%swap3A_1038, %swap3A_1039] {strides = array<i32>} : memref<80x128xf32, #tpu.memory_space<vmem>>, vector<1x16xf32>,
        %swap3A_1041 = vector.shape_cast %swap3A_1040 : vector<1x16xf32> to vector<16xf32>
        %swap3A_1042 = vector.shape_cast %mul3A_1037 : vector<16xf32> to vector<1x16xf32>
        tpu.vector_store %arg10[%swap3A_1038, %swap3A_1039], %swap3A_1042 {strides = array<i32>} : memref<80x128xf32, #tpu.memory_space<vmem>>, vector<1x16xf32>,
        %get3A_1043 = arith.index_cast %add3A_972 : i32 to index
        %get3A_1044 = arith.constant 112 : index
        %get3A_1045 = tpu.vector_load %arg10[%get3A_1043, %get3A_1044] {strides = array<i32>} : memref<80x128xf32, #tpu.memory_space<vmem>>, vector<1x16xf32>,
        %get3A_1046 = vector.shape_cast %get3A_1045 : vector<1x16xf32> to vector<16xf32>
        %mul3A_1047 = arith.mulf %get3A_1046, %gather3A_968 : vector<16xf32>
        %swap3A_1048 = arith.index_cast %add3A_972 : i32 to index
        %swap3A_1049 = arith.constant 112 : index
        %swap3A_1050 = tpu.vector_load %arg10[%swap3A_1048, %swap3A_1049] {strides = array<i32>} : memref<80x128xf32, #tpu.memory_space<vmem>>, vector<1x16xf32>,
        %swap3A_1051 = vector.shape_cast %swap3A_1050 : vector<1x16xf32> to vector<16xf32>
        %swap3A_1052 = vector.shape_cast %mul3A_1047 : vector<16xf32> to vector<1x16xf32>
        tpu.vector_store %arg10[%swap3A_1048, %swap3A_1049], %swap3A_1052 {strides = array<i32>} : memref<80x128xf32, #tpu.memory_space<vmem>>, vector<1x16xf32>,
        %broadcast_in_dim3A_1053 = arith.constant 11 : i32
        %broadcast_in_dim3A_1054 = vector.broadcast %broadcast_in_dim3A_1053 : i32 to vector<16x1xi32>
        %gather3A_1055 = vector.shape_cast %broadcast_in_dim3A_1054 : vector<16x1xi32> to vector<16xi32>
        %gather3A_1056 = tpu.dynamic_gather %get3A_86[%gather3A_1055] in [0] : vector<16xf32>, vector<16xi32> -> vector<16xf32>
        %mul3A_1057 = arith.constant 16 : i32
        %mul3A_1058 = arith.muli %scan3A_81, %mul3A_1057 : i32
        %add3A_1059 = arith.constant 11 : i32
        %add3A_1060 = arith.addi %mul3A_1058, %add3A_1059 : i32
        %get3A_1061 = arith.index_cast %add3A_1060 : i32 to index
        %get3A_1062 = arith.constant 0 : index
        %get3A_1063 = tpu.vector_load %arg10[%get3A_1061, %get3A_1062] {strides = array<i32>} : memref<80x128xf32, #tpu.memory_space<vmem>>, vector<1x16xf32>,
        %get3A_1064 = vector.shape_cast %get3A_1063 : vector<1x16xf32> to vector<16xf32>
        %mul3A_1065 = arith.mulf %get3A_1064, %gather3A_1056 : vector<16xf32>
        %swap3A_1066 = arith.index_cast %add3A_1060 : i32 to index
        %swap3A_1067 = arith.constant 0 : index
        %swap3A_1068 = tpu.vector_load %arg10[%swap3A_1066, %swap3A_1067] {strides = array<i32>} : memref<80x128xf32, #tpu.memory_space<vmem>>, vector<1x16xf32>,
        %swap3A_1069 = vector.shape_cast %swap3A_1068 : vector<1x16xf32> to vector<16xf32>
        %swap3A_1070 = vector.shape_cast %mul3A_1065 : vector<16xf32> to vector<1x16xf32>
        tpu.vector_store %arg10[%swap3A_1066, %swap3A_1067], %swap3A_1070 {strides = array<i32>} : memref<80x128xf32, #tpu.memory_space<vmem>>, vector<1x16xf32>,
        %get3A_1071 = arith.index_cast %add3A_1060 : i32 to index
        %get3A_1072 = arith.constant 16 : index
        %get3A_1073 = tpu.vector_load %arg10[%get3A_1071, %get3A_1072] {strides = array<i32>} : memref<80x128xf32, #tpu.memory_space<vmem>>, vector<1x16xf32>,
        %get3A_1074 = vector.shape_cast %get3A_1073 : vector<1x16xf32> to vector<16xf32>
        %mul3A_1075 = arith.mulf %get3A_1074, %gather3A_1056 : vector<16xf32>
        %swap3A_1076 = arith.index_cast %add3A_1060 : i32 to index
        %swap3A_1077 = arith.constant 16 : index
        %swap3A_1078 = tpu.vector_load %arg10[%swap3A_1076, %swap3A_1077] {strides = array<i32>} : memref<80x128xf32, #tpu.memory_space<vmem>>, vector<1x16xf32>,
        %swap3A_1079 = vector.shape_cast %swap3A_1078 : vector<1x16xf32> to vector<16xf32>
        %swap3A_1080 = vector.shape_cast %mul3A_1075 : vector<16xf32> to vector<1x16xf32>
        tpu.vector_store %arg10[%swap3A_1076, %swap3A_1077], %swap3A_1080 {strides = array<i32>} : memref<80x128xf32, #tpu.memory_space<vmem>>, vector<1x16xf32>,
        %get3A_1081 = arith.index_cast %add3A_1060 : i32 to index
        %get3A_1082 = arith.constant 32 : index
        %get3A_1083 = tpu.vector_load %arg10[%get3A_1081, %get3A_1082] {strides = array<i32>} : memref<80x128xf32, #tpu.memory_space<vmem>>, vector<1x16xf32>,
        %get3A_1084 = vector.shape_cast %get3A_1083 : vector<1x16xf32> to vector<16xf32>
        %mul3A_1085 = arith.mulf %get3A_1084, %gather3A_1056 : vector<16xf32>
        %swap3A_1086 = arith.index_cast %add3A_1060 : i32 to index
        %swap3A_1087 = arith.constant 32 : index
        %swap3A_1088 = tpu.vector_load %arg10[%swap3A_1086, %swap3A_1087] {strides = array<i32>} : memref<80x128xf32, #tpu.memory_space<vmem>>, vector<1x16xf32>,
        %swap3A_1089 = vector.shape_cast %swap3A_1088 : vector<1x16xf32> to vector<16xf32>
        %swap3A_1090 = vector.shape_cast %mul3A_1085 : vector<16xf32> to vector<1x16xf32>
        tpu.vector_store %arg10[%swap3A_1086, %swap3A_1087], %swap3A_1090 {strides = array<i32>} : memref<80x128xf32, #tpu.memory_space<vmem>>, vector<1x16xf32>,
        %get3A_1091 = arith.index_cast %add3A_1060 : i32 to index
        %get3A_1092 = arith.constant 48 : index
        %get3A_1093 = tpu.vector_load %arg10[%get3A_1091, %get3A_1092] {strides = array<i32>} : memref<80x128xf32, #tpu.memory_space<vmem>>, vector<1x16xf32>,
        %get3A_1094 = vector.shape_cast %get3A_1093 : vector<1x16xf32> to vector<16xf32>
        %mul3A_1095 = arith.mulf %get3A_1094, %gather3A_1056 : vector<16xf32>
        %swap3A_1096 = arith.index_cast %add3A_1060 : i32 to index
        %swap3A_1097 = arith.constant 48 : index
        %swap3A_1098 = tpu.vector_load %arg10[%swap3A_1096, %swap3A_1097] {strides = array<i32>} : memref<80x128xf32, #tpu.memory_space<vmem>>, vector<1x16xf32>,
        %swap3A_1099 = vector.shape_cast %swap3A_1098 : vector<1x16xf32> to vector<16xf32>
        %swap3A_1100 = vector.shape_cast %mul3A_1095 : vector<16xf32> to vector<1x16xf32>
        tpu.vector_store %arg10[%swap3A_1096, %swap3A_1097], %swap3A_1100 {strides = array<i32>} : memref<80x128xf32, #tpu.memory_space<vmem>>, vector<1x16xf32>,
        %get3A_1101 = arith.index_cast %add3A_1060 : i32 to index
        %get3A_1102 = arith.constant 64 : index
        %get3A_1103 = tpu.vector_load %arg10[%get3A_1101, %get3A_1102] {strides = array<i32>} : memref<80x128xf32, #tpu.memory_space<vmem>>, vector<1x16xf32>,
        %get3A_1104 = vector.shape_cast %get3A_1103 : vector<1x16xf32> to vector<16xf32>
        %mul3A_1105 = arith.mulf %get3A_1104, %gather3A_1056 : vector<16xf32>
        %swap3A_1106 = arith.index_cast %add3A_1060 : i32 to index
        %swap3A_1107 = arith.constant 64 : index
        %swap3A_1108 = tpu.vector_load %arg10[%swap3A_1106, %swap3A_1107] {strides = array<i32>} : memref<80x128xf32, #tpu.memory_space<vmem>>, vector<1x16xf32>,
        %swap3A_1109 = vector.shape_cast %swap3A_1108 : vector<1x16xf32> to vector<16xf32>
        %swap3A_1110 = vector.shape_cast %mul3A_1105 : vector<16xf32> to vector<1x16xf32>
        tpu.vector_store %arg10[%swap3A_1106, %swap3A_1107], %swap3A_1110 {strides = array<i32>} : memref<80x128xf32, #tpu.memory_space<vmem>>, vector<1x16xf32>,
        %get3A_1111 = arith.index_cast %add3A_1060 : i32 to index
        %get3A_1112 = arith.constant 80 : index
        %get3A_1113 = tpu.vector_load %arg10[%get3A_1111, %get3A_1112] {strides = array<i32>} : memref<80x128xf32, #tpu.memory_space<vmem>>, vector<1x16xf32>,
        %get3A_1114 = vector.shape_cast %get3A_1113 : vector<1x16xf32> to vector<16xf32>
        %mul3A_1115 = arith.mulf %get3A_1114, %gather3A_1056 : vector<16xf32>
        %swap3A_1116 = arith.index_cast %add3A_1060 : i32 to index
        %swap3A_1117 = arith.constant 80 : index
        %swap3A_1118 = tpu.vector_load %arg10[%swap3A_1116, %swap3A_1117] {strides = array<i32>} : memref<80x128xf32, #tpu.memory_space<vmem>>, vector<1x16xf32>,
        %swap3A_1119 = vector.shape_cast %swap3A_1118 : vector<1x16xf32> to vector<16xf32>
        %swap3A_1120 = vector.shape_cast %mul3A_1115 : vector<16xf32> to vector<1x16xf32>
        tpu.vector_store %arg10[%swap3A_1116, %swap3A_1117], %swap3A_1120 {strides = array<i32>} : memref<80x128xf32, #tpu.memory_space<vmem>>, vector<1x16xf32>,
        %get3A_1121 = arith.index_cast %add3A_1060 : i32 to index
        %get3A_1122 = arith.constant 96 : index
        %get3A_1123 = tpu.vector_load %arg10[%get3A_1121, %get3A_1122] {strides = array<i32>} : memref<80x128xf32, #tpu.memory_space<vmem>>, vector<1x16xf32>,
        %get3A_1124 = vector.shape_cast %get3A_1123 : vector<1x16xf32> to vector<16xf32>
        %mul3A_1125 = arith.mulf %get3A_1124, %gather3A_1056 : vector<16xf32>
        %swap3A_1126 = arith.index_cast %add3A_1060 : i32 to index
        %swap3A_1127 = arith.constant 96 : index
        %swap3A_1128 = tpu.vector_load %arg10[%swap3A_1126, %swap3A_1127] {strides = array<i32>} : memref<80x128xf32, #tpu.memory_space<vmem>>, vector<1x16xf32>,
        %swap3A_1129 = vector.shape_cast %swap3A_1128 : vector<1x16xf32> to vector<16xf32>
        %swap3A_1130 = vector.shape_cast %mul3A_1125 : vector<16xf32> to vector<1x16xf32>
        tpu.vector_store %arg10[%swap3A_1126, %swap3A_1127], %swap3A_1130 {strides = array<i32>} : memref<80x128xf32, #tpu.memory_space<vmem>>, vector<1x16xf32>,
        %get3A_1131 = arith.index_cast %add3A_1060 : i32 to index
        %get3A_1132 = arith.constant 112 : index
        %get3A_1133 = tpu.vector_load %arg10[%get3A_1131, %get3A_1132] {strides = array<i32>} : memref<80x128xf32, #tpu.memory_space<vmem>>, vector<1x16xf32>,
        %get3A_1134 = vector.shape_cast %get3A_1133 : vector<1x16xf32> to vector<16xf32>
        %mul3A_1135 = arith.mulf %get3A_1134, %gather3A_1056 : vector<16xf32>
        %swap3A_1136 = arith.index_cast %add3A_1060 : i32 to index
        %swap3A_1137 = arith.constant 112 : index
        %swap3A_1138 = tpu.vector_load %arg10[%swap3A_1136, %swap3A_1137] {strides = array<i32>} : memref<80x128xf32, #tpu.memory_space<vmem>>, vector<1x16xf32>,
        %swap3A_1139 = vector.shape_cast %swap3A_1138 : vector<1x16xf32> to vector<16xf32>
        %swap3A_1140 = vector.shape_cast %mul3A_1135 : vector<16xf32> to vector<1x16xf32>
        tpu.vector_store %arg10[%swap3A_1136, %swap3A_1137], %swap3A_1140 {strides = array<i32>} : memref<80x128xf32, #tpu.memory_space<vmem>>, vector<1x16xf32>,
        %broadcast_in_dim3A_1141 = arith.constant 12 : i32
        %broadcast_in_dim3A_1142 = vector.broadcast %broadcast_in_dim3A_1141 : i32 to vector<16x1xi32>
        %gather3A_1143 = vector.shape_cast %broadcast_in_dim3A_1142 : vector<16x1xi32> to vector<16xi32>
        %gather3A_1144 = tpu.dynamic_gather %get3A_86[%gather3A_1143] in [0] : vector<16xf32>, vector<16xi32> -> vector<16xf32>
        %mul3A_1145 = arith.constant 16 : i32
        %mul3A_1146 = arith.muli %scan3A_81, %mul3A_1145 : i32
        %add3A_1147 = arith.constant 12 : i32
        %add3A_1148 = arith.addi %mul3A_1146, %add3A_1147 : i32
        %get3A_1149 = arith.index_cast %add3A_1148 : i32 to index
        %get3A_1150 = arith.constant 0 : index
        %get3A_1151 = tpu.vector_load %arg10[%get3A_1149, %get3A_1150] {strides = array<i32>} : memref<80x128xf32, #tpu.memory_space<vmem>>, vector<1x16xf32>,
        %get3A_1152 = vector.shape_cast %get3A_1151 : vector<1x16xf32> to vector<16xf32>
        %mul3A_1153 = arith.mulf %get3A_1152, %gather3A_1144 : vector<16xf32>
        %swap3A_1154 = arith.index_cast %add3A_1148 : i32 to index
        %swap3A_1155 = arith.constant 0 : index
        %swap3A_1156 = tpu.vector_load %arg10[%swap3A_1154, %swap3A_1155] {strides = array<i32>} : memref<80x128xf32, #tpu.memory_space<vmem>>, vector<1x16xf32>,
        %swap3A_1157 = vector.shape_cast %swap3A_1156 : vector<1x16xf32> to vector<16xf32>
        %swap3A_1158 = vector.shape_cast %mul3A_1153 : vector<16xf32> to vector<1x16xf32>
        tpu.vector_store %arg10[%swap3A_1154, %swap3A_1155], %swap3A_1158 {strides = array<i32>} : memref<80x128xf32, #tpu.memory_space<vmem>>, vector<1x16xf32>,
        %get3A_1159 = arith.index_cast %add3A_1148 : i32 to index
        %get3A_1160 = arith.constant 16 : index
        %get3A_1161 = tpu.vector_load %arg10[%get3A_1159, %get3A_1160] {strides = array<i32>} : memref<80x128xf32, #tpu.memory_space<vmem>>, vector<1x16xf32>,
        %get3A_1162 = vector.shape_cast %get3A_1161 : vector<1x16xf32> to vector<16xf32>
        %mul3A_1163 = arith.mulf %get3A_1162, %gather3A_1144 : vector<16xf32>
        %swap3A_1164 = arith.index_cast %add3A_1148 : i32 to index
        %swap3A_1165 = arith.constant 16 : index
        %swap3A_1166 = tpu.vector_load %arg10[%swap3A_1164, %swap3A_1165] {strides = array<i32>} : memref<80x128xf32, #tpu.memory_space<vmem>>, vector<1x16xf32>,
        %swap3A_1167 = vector.shape_cast %swap3A_1166 : vector<1x16xf32> to vector<16xf32>
        %swap3A_1168 = vector.shape_cast %mul3A_1163 : vector<16xf32> to vector<1x16xf32>
        tpu.vector_store %arg10[%swap3A_1164, %swap3A_1165], %swap3A_1168 {strides = array<i32>} : memref<80x128xf32, #tpu.memory_space<vmem>>, vector<1x16xf32>,
        %get3A_1169 = arith.index_cast %add3A_1148 : i32 to index
        %get3A_1170 = arith.constant 32 : index
        %get3A_1171 = tpu.vector_load %arg10[%get3A_1169, %get3A_1170] {strides = array<i32>} : memref<80x128xf32, #tpu.memory_space<vmem>>, vector<1x16xf32>,
        %get3A_1172 = vector.shape_cast %get3A_1171 : vector<1x16xf32> to vector<16xf32>
        %mul3A_1173 = arith.mulf %get3A_1172, %gather3A_1144 : vector<16xf32>
        %swap3A_1174 = arith.index_cast %add3A_1148 : i32 to index
        %swap3A_1175 = arith.constant 32 : index
        %swap3A_1176 = tpu.vector_load %arg10[%swap3A_1174, %swap3A_1175] {strides = array<i32>} : memref<80x128xf32, #tpu.memory_space<vmem>>, vector<1x16xf32>,
        %swap3A_1177 = vector.shape_cast %swap3A_1176 : vector<1x16xf32> to vector<16xf32>
        %swap3A_1178 = vector.shape_cast %mul3A_1173 : vector<16xf32> to vector<1x16xf32>
        tpu.vector_store %arg10[%swap3A_1174, %swap3A_1175], %swap3A_1178 {strides = array<i32>} : memref<80x128xf32, #tpu.memory_space<vmem>>, vector<1x16xf32>,
        %get3A_1179 = arith.index_cast %add3A_1148 : i32 to index
        %get3A_1180 = arith.constant 48 : index
        %get3A_1181 = tpu.vector_load %arg10[%get3A_1179, %get3A_1180] {strides = array<i32>} : memref<80x128xf32, #tpu.memory_space<vmem>>, vector<1x16xf32>,
        %get3A_1182 = vector.shape_cast %get3A_1181 : vector<1x16xf32> to vector<16xf32>
        %mul3A_1183 = arith.mulf %get3A_1182, %gather3A_1144 : vector<16xf32>
        %swap3A_1184 = arith.index_cast %add3A_1148 : i32 to index
        %swap3A_1185 = arith.constant 48 : index
        %swap3A_1186 = tpu.vector_load %arg10[%swap3A_1184, %swap3A_1185] {strides = array<i32>} : memref<80x128xf32, #tpu.memory_space<vmem>>, vector<1x16xf32>,
        %swap3A_1187 = vector.shape_cast %swap3A_1186 : vector<1x16xf32> to vector<16xf32>
        %swap3A_1188 = vector.shape_cast %mul3A_1183 : vector<16xf32> to vector<1x16xf32>
        tpu.vector_store %arg10[%swap3A_1184, %swap3A_1185], %swap3A_1188 {strides = array<i32>} : memref<80x128xf32, #tpu.memory_space<vmem>>, vector<1x16xf32>,
        %get3A_1189 = arith.index_cast %add3A_1148 : i32 to index
        %get3A_1190 = arith.constant 64 : index
        %get3A_1191 = tpu.vector_load %arg10[%get3A_1189, %get3A_1190] {strides = array<i32>} : memref<80x128xf32, #tpu.memory_space<vmem>>, vector<1x16xf32>,
        %get3A_1192 = vector.shape_cast %get3A_1191 : vector<1x16xf32> to vector<16xf32>
        %mul3A_1193 = arith.mulf %get3A_1192, %gather3A_1144 : vector<16xf32>
        %swap3A_1194 = arith.index_cast %add3A_1148 : i32 to index
        %swap3A_1195 = arith.constant 64 : index
        %swap3A_1196 = tpu.vector_load %arg10[%swap3A_1194, %swap3A_1195] {strides = array<i32>} : memref<80x128xf32, #tpu.memory_space<vmem>>, vector<1x16xf32>,
        %swap3A_1197 = vector.shape_cast %swap3A_1196 : vector<1x16xf32> to vector<16xf32>
        %swap3A_1198 = vector.shape_cast %mul3A_1193 : vector<16xf32> to vector<1x16xf32>
        tpu.vector_store %arg10[%swap3A_1194, %swap3A_1195], %swap3A_1198 {strides = array<i32>} : memref<80x128xf32, #tpu.memory_space<vmem>>, vector<1x16xf32>,
        %get3A_1199 = arith.index_cast %add3A_1148 : i32 to index
        %get3A_1200 = arith.constant 80 : index
        %get3A_1201 = tpu.vector_load %arg10[%get3A_1199, %get3A_1200] {strides = array<i32>} : memref<80x128xf32, #tpu.memory_space<vmem>>, vector<1x16xf32>,
        %get3A_1202 = vector.shape_cast %get3A_1201 : vector<1x16xf32> to vector<16xf32>
        %mul3A_1203 = arith.mulf %get3A_1202, %gather3A_1144 : vector<16xf32>
        %swap3A_1204 = arith.index_cast %add3A_1148 : i32 to index
        %swap3A_1205 = arith.constant 80 : index
        %swap3A_1206 = tpu.vector_load %arg10[%swap3A_1204, %swap3A_1205] {strides = array<i32>} : memref<80x128xf32, #tpu.memory_space<vmem>>, vector<1x16xf32>,
        %swap3A_1207 = vector.shape_cast %swap3A_1206 : vector<1x16xf32> to vector<16xf32>
        %swap3A_1208 = vector.shape_cast %mul3A_1203 : vector<16xf32> to vector<1x16xf32>
        tpu.vector_store %arg10[%swap3A_1204, %swap3A_1205], %swap3A_1208 {strides = array<i32>} : memref<80x128xf32, #tpu.memory_space<vmem>>, vector<1x16xf32>,
        %get3A_1209 = arith.index_cast %add3A_1148 : i32 to index
        %get3A_1210 = arith.constant 96 : index
        %get3A_1211 = tpu.vector_load %arg10[%get3A_1209, %get3A_1210] {strides = array<i32>} : memref<80x128xf32, #tpu.memory_space<vmem>>, vector<1x16xf32>,
        %get3A_1212 = vector.shape_cast %get3A_1211 : vector<1x16xf32> to vector<16xf32>
        %mul3A_1213 = arith.mulf %get3A_1212, %gather3A_1144 : vector<16xf32>
        %swap3A_1214 = arith.index_cast %add3A_1148 : i32 to index
        %swap3A_1215 = arith.constant 96 : index
        %swap3A_1216 = tpu.vector_load %arg10[%swap3A_1214, %swap3A_1215] {strides = array<i32>} : memref<80x128xf32, #tpu.memory_space<vmem>>, vector<1x16xf32>,
        %swap3A_1217 = vector.shape_cast %swap3A_1216 : vector<1x16xf32> to vector<16xf32>
        %swap3A_1218 = vector.shape_cast %mul3A_1213 : vector<16xf32> to vector<1x16xf32>
        tpu.vector_store %arg10[%swap3A_1214, %swap3A_1215], %swap3A_1218 {strides = array<i32>} : memref<80x128xf32, #tpu.memory_space<vmem>>, vector<1x16xf32>,
        %get3A_1219 = arith.index_cast %add3A_1148 : i32 to index
        %get3A_1220 = arith.constant 112 : index
        %get3A_1221 = tpu.vector_load %arg10[%get3A_1219, %get3A_1220] {strides = array<i32>} : memref<80x128xf32, #tpu.memory_space<vmem>>, vector<1x16xf32>,
        %get3A_1222 = vector.shape_cast %get3A_1221 : vector<1x16xf32> to vector<16xf32>
        %mul3A_1223 = arith.mulf %get3A_1222, %gather3A_1144 : vector<16xf32>
        %swap3A_1224 = arith.index_cast %add3A_1148 : i32 to index
        %swap3A_1225 = arith.constant 112 : index
        %swap3A_1226 = tpu.vector_load %arg10[%swap3A_1224, %swap3A_1225] {strides = array<i32>} : memref<80x128xf32, #tpu.memory_space<vmem>>, vector<1x16xf32>,
        %swap3A_1227 = vector.shape_cast %swap3A_1226 : vector<1x16xf32> to vector<16xf32>
        %swap3A_1228 = vector.shape_cast %mul3A_1223 : vector<16xf32> to vector<1x16xf32>
        tpu.vector_store %arg10[%swap3A_1224, %swap3A_1225], %swap3A_1228 {strides = array<i32>} : memref<80x128xf32, #tpu.memory_space<vmem>>, vector<1x16xf32>,
        %broadcast_in_dim3A_1229 = arith.constant 13 : i32
        %broadcast_in_dim3A_1230 = vector.broadcast %broadcast_in_dim3A_1229 : i32 to vector<16x1xi32>
        %gather3A_1231 = vector.shape_cast %broadcast_in_dim3A_1230 : vector<16x1xi32> to vector<16xi32>
        %gather3A_1232 = tpu.dynamic_gather %get3A_86[%gather3A_1231] in [0] : vector<16xf32>, vector<16xi32> -> vector<16xf32>
        %mul3A_1233 = arith.constant 16 : i32
        %mul3A_1234 = arith.muli %scan3A_81, %mul3A_1233 : i32
        %add3A_1235 = arith.constant 13 : i32
        %add3A_1236 = arith.addi %mul3A_1234, %add3A_1235 : i32
        %get3A_1237 = arith.index_cast %add3A_1236 : i32 to index
        %get3A_1238 = arith.constant 0 : index
        %get3A_1239 = tpu.vector_load %arg10[%get3A_1237, %get3A_1238] {strides = array<i32>} : memref<80x128xf32, #tpu.memory_space<vmem>>, vector<1x16xf32>,
        %get3A_1240 = vector.shape_cast %get3A_1239 : vector<1x16xf32> to vector<16xf32>
        %mul3A_1241 = arith.mulf %get3A_1240, %gather3A_1232 : vector<16xf32>
        %swap3A_1242 = arith.index_cast %add3A_1236 : i32 to index
        %swap3A_1243 = arith.constant 0 : index
        %swap3A_1244 = tpu.vector_load %arg10[%swap3A_1242, %swap3A_1243] {strides = array<i32>} : memref<80x128xf32, #tpu.memory_space<vmem>>, vector<1x16xf32>,
        %swap3A_1245 = vector.shape_cast %swap3A_1244 : vector<1x16xf32> to vector<16xf32>
        %swap3A_1246 = vector.shape_cast %mul3A_1241 : vector<16xf32> to vector<1x16xf32>
        tpu.vector_store %arg10[%swap3A_1242, %swap3A_1243], %swap3A_1246 {strides = array<i32>} : memref<80x128xf32, #tpu.memory_space<vmem>>, vector<1x16xf32>,
        %get3A_1247 = arith.index_cast %add3A_1236 : i32 to index
        %get3A_1248 = arith.constant 16 : index
        %get3A_1249 = tpu.vector_load %arg10[%get3A_1247, %get3A_1248] {strides = array<i32>} : memref<80x128xf32, #tpu.memory_space<vmem>>, vector<1x16xf32>,
        %get3A_1250 = vector.shape_cast %get3A_1249 : vector<1x16xf32> to vector<16xf32>
        %mul3A_1251 = arith.mulf %get3A_1250, %gather3A_1232 : vector<16xf32>
        %swap3A_1252 = arith.index_cast %add3A_1236 : i32 to index
        %swap3A_1253 = arith.constant 16 : index
        %swap3A_1254 = tpu.vector_load %arg10[%swap3A_1252, %swap3A_1253] {strides = array<i32>} : memref<80x128xf32, #tpu.memory_space<vmem>>, vector<1x16xf32>,
        %swap3A_1255 = vector.shape_cast %swap3A_1254 : vector<1x16xf32> to vector<16xf32>
        %swap3A_1256 = vector.shape_cast %mul3A_1251 : vector<16xf32> to vector<1x16xf32>
        tpu.vector_store %arg10[%swap3A_1252, %swap3A_1253], %swap3A_1256 {strides = array<i32>} : memref<80x128xf32, #tpu.memory_space<vmem>>, vector<1x16xf32>,
        %get3A_1257 = arith.index_cast %add3A_1236 : i32 to index
        %get3A_1258 = arith.constant 32 : index
        %get3A_1259 = tpu.vector_load %arg10[%get3A_1257, %get3A_1258] {strides = array<i32>} : memref<80x128xf32, #tpu.memory_space<vmem>>, vector<1x16xf32>,
        %get3A_1260 = vector.shape_cast %get3A_1259 : vector<1x16xf32> to vector<16xf32>
        %mul3A_1261 = arith.mulf %get3A_1260, %gather3A_1232 : vector<16xf32>
        %swap3A_1262 = arith.index_cast %add3A_1236 : i32 to index
        %swap3A_1263 = arith.constant 32 : index
        %swap3A_1264 = tpu.vector_load %arg10[%swap3A_1262, %swap3A_1263] {strides = array<i32>} : memref<80x128xf32, #tpu.memory_space<vmem>>, vector<1x16xf32>,
        %swap3A_1265 = vector.shape_cast %swap3A_1264 : vector<1x16xf32> to vector<16xf32>
        %swap3A_1266 = vector.shape_cast %mul3A_1261 : vector<16xf32> to vector<1x16xf32>
        tpu.vector_store %arg10[%swap3A_1262, %swap3A_1263], %swap3A_1266 {strides = array<i32>} : memref<80x128xf32, #tpu.memory_space<vmem>>, vector<1x16xf32>,
        %get3A_1267 = arith.index_cast %add3A_1236 : i32 to index
        %get3A_1268 = arith.constant 48 : index
        %get3A_1269 = tpu.vector_load %arg10[%get3A_1267, %get3A_1268] {strides = array<i32>} : memref<80x128xf32, #tpu.memory_space<vmem>>, vector<1x16xf32>,
        %get3A_1270 = vector.shape_cast %get3A_1269 : vector<1x16xf32> to vector<16xf32>
        %mul3A_1271 = arith.mulf %get3A_1270, %gather3A_1232 : vector<16xf32>
        %swap3A_1272 = arith.index_cast %add3A_1236 : i32 to index
        %swap3A_1273 = arith.constant 48 : index
        %swap3A_1274 = tpu.vector_load %arg10[%swap3A_1272, %swap3A_1273] {strides = array<i32>} : memref<80x128xf32, #tpu.memory_space<vmem>>, vector<1x16xf32>,
        %swap3A_1275 = vector.shape_cast %swap3A_1274 : vector<1x16xf32> to vector<16xf32>
        %swap3A_1276 = vector.shape_cast %mul3A_1271 : vector<16xf32> to vector<1x16xf32>
        tpu.vector_store %arg10[%swap3A_1272, %swap3A_1273], %swap3A_1276 {strides = array<i32>} : memref<80x128xf32, #tpu.memory_space<vmem>>, vector<1x16xf32>,
        %get3A_1277 = arith.index_cast %add3A_1236 : i32 to index
        %get3A_1278 = arith.constant 64 : index
        %get3A_1279 = tpu.vector_load %arg10[%get3A_1277, %get3A_1278] {strides = array<i32>} : memref<80x128xf32, #tpu.memory_space<vmem>>, vector<1x16xf32>,
        %get3A_1280 = vector.shape_cast %get3A_1279 : vector<1x16xf32> to vector<16xf32>
        %mul3A_1281 = arith.mulf %get3A_1280, %gather3A_1232 : vector<16xf32>
        %swap3A_1282 = arith.index_cast %add3A_1236 : i32 to index
        %swap3A_1283 = arith.constant 64 : index
        %swap3A_1284 = tpu.vector_load %arg10[%swap3A_1282, %swap3A_1283] {strides = array<i32>} : memref<80x128xf32, #tpu.memory_space<vmem>>, vector<1x16xf32>,
        %swap3A_1285 = vector.shape_cast %swap3A_1284 : vector<1x16xf32> to vector<16xf32>
        %swap3A_1286 = vector.shape_cast %mul3A_1281 : vector<16xf32> to vector<1x16xf32>
        tpu.vector_store %arg10[%swap3A_1282, %swap3A_1283], %swap3A_1286 {strides = array<i32>} : memref<80x128xf32, #tpu.memory_space<vmem>>, vector<1x16xf32>,
        %get3A_1287 = arith.index_cast %add3A_1236 : i32 to index
        %get3A_1288 = arith.constant 80 : index
        %get3A_1289 = tpu.vector_load %arg10[%get3A_1287, %get3A_1288] {strides = array<i32>} : memref<80x128xf32, #tpu.memory_space<vmem>>, vector<1x16xf32>,
        %get3A_1290 = vector.shape_cast %get3A_1289 : vector<1x16xf32> to vector<16xf32>
        %mul3A_1291 = arith.mulf %get3A_1290, %gather3A_1232 : vector<16xf32>
        %swap3A_1292 = arith.index_cast %add3A_1236 : i32 to index
        %swap3A_1293 = arith.constant 80 : index
        %swap3A_1294 = tpu.vector_load %arg10[%swap3A_1292, %swap3A_1293] {strides = array<i32>} : memref<80x128xf32, #tpu.memory_space<vmem>>, vector<1x16xf32>,
        %swap3A_1295 = vector.shape_cast %swap3A_1294 : vector<1x16xf32> to vector<16xf32>
        %swap3A_1296 = vector.shape_cast %mul3A_1291 : vector<16xf32> to vector<1x16xf32>
        tpu.vector_store %arg10[%swap3A_1292, %swap3A_1293], %swap3A_1296 {strides = array<i32>} : memref<80x128xf32, #tpu.memory_space<vmem>>, vector<1x16xf32>,
        %get3A_1297 = arith.index_cast %add3A_1236 : i32 to index
        %get3A_1298 = arith.constant 96 : index
        %get3A_1299 = tpu.vector_load %arg10[%get3A_1297, %get3A_1298] {strides = array<i32>} : memref<80x128xf32, #tpu.memory_space<vmem>>, vector<1x16xf32>,
        %get3A_1300 = vector.shape_cast %get3A_1299 : vector<1x16xf32> to vector<16xf32>
        %mul3A_1301 = arith.mulf %get3A_1300, %gather3A_1232 : vector<16xf32>
        %swap3A_1302 = arith.index_cast %add3A_1236 : i32 to index
        %swap3A_1303 = arith.constant 96 : index
        %swap3A_1304 = tpu.vector_load %arg10[%swap3A_1302, %swap3A_1303] {strides = array<i32>} : memref<80x128xf32, #tpu.memory_space<vmem>>, vector<1x16xf32>,
        %swap3A_1305 = vector.shape_cast %swap3A_1304 : vector<1x16xf32> to vector<16xf32>
        %swap3A_1306 = vector.shape_cast %mul3A_1301 : vector<16xf32> to vector<1x16xf32>
        tpu.vector_store %arg10[%swap3A_1302, %swap3A_1303], %swap3A_1306 {strides = array<i32>} : memref<80x128xf32, #tpu.memory_space<vmem>>, vector<1x16xf32>,
        %get3A_1307 = arith.index_cast %add3A_1236 : i32 to index
        %get3A_1308 = arith.constant 112 : index
        %get3A_1309 = tpu.vector_load %arg10[%get3A_1307, %get3A_1308] {strides = array<i32>} : memref<80x128xf32, #tpu.memory_space<vmem>>, vector<1x16xf32>,
        %get3A_1310 = vector.shape_cast %get3A_1309 : vector<1x16xf32> to vector<16xf32>
        %mul3A_1311 = arith.mulf %get3A_1310, %gather3A_1232 : vector<16xf32>
        %swap3A_1312 = arith.index_cast %add3A_1236 : i32 to index
        %swap3A_1313 = arith.constant 112 : index
        %swap3A_1314 = tpu.vector_load %arg10[%swap3A_1312, %swap3A_1313] {strides = array<i32>} : memref<80x128xf32, #tpu.memory_space<vmem>>, vector<1x16xf32>,
        %swap3A_1315 = vector.shape_cast %swap3A_1314 : vector<1x16xf32> to vector<16xf32>
        %swap3A_1316 = vector.shape_cast %mul3A_1311 : vector<16xf32> to vector<1x16xf32>
        tpu.vector_store %arg10[%swap3A_1312, %swap3A_1313], %swap3A_1316 {strides = array<i32>} : memref<80x128xf32, #tpu.memory_space<vmem>>, vector<1x16xf32>,
        %broadcast_in_dim3A_1317 = arith.constant 14 : i32
        %broadcast_in_dim3A_1318 = vector.broadcast %broadcast_in_dim3A_1317 : i32 to vector<16x1xi32>
        %gather3A_1319 = vector.shape_cast %broadcast_in_dim3A_1318 : vector<16x1xi32> to vector<16xi32>
        %gather3A_1320 = tpu.dynamic_gather %get3A_86[%gather3A_1319] in [0] : vector<16xf32>, vector<16xi32> -> vector<16xf32>
        %mul3A_1321 = arith.constant 16 : i32
        %mul3A_1322 = arith.muli %scan3A_81, %mul3A_1321 : i32
        %add3A_1323 = arith.constant 14 : i32
        %add3A_1324 = arith.addi %mul3A_1322, %add3A_1323 : i32
        %get3A_1325 = arith.index_cast %add3A_1324 : i32 to index
        %get3A_1326 = arith.constant 0 : index
        %get3A_1327 = tpu.vector_load %arg10[%get3A_1325, %get3A_1326] {strides = array<i32>} : memref<80x128xf32, #tpu.memory_space<vmem>>, vector<1x16xf32>,
        %get3A_1328 = vector.shape_cast %get3A_1327 : vector<1x16xf32> to vector<16xf32>
        %mul3A_1329 = arith.mulf %get3A_1328, %gather3A_1320 : vector<16xf32>
        %swap3A_1330 = arith.index_cast %add3A_1324 : i32 to index
        %swap3A_1331 = arith.constant 0 : index
        %swap3A_1332 = tpu.vector_load %arg10[%swap3A_1330, %swap3A_1331] {strides = array<i32>} : memref<80x128xf32, #tpu.memory_space<vmem>>, vector<1x16xf32>,
        %swap3A_1333 = vector.shape_cast %swap3A_1332 : vector<1x16xf32> to vector<16xf32>
        %swap3A_1334 = vector.shape_cast %mul3A_1329 : vector<16xf32> to vector<1x16xf32>
        tpu.vector_store %arg10[%swap3A_1330, %swap3A_1331], %swap3A_1334 {strides = array<i32>} : memref<80x128xf32, #tpu.memory_space<vmem>>, vector<1x16xf32>,
        %get3A_1335 = arith.index_cast %add3A_1324 : i32 to index
        %get3A_1336 = arith.constant 16 : index
        %get3A_1337 = tpu.vector_load %arg10[%get3A_1335, %get3A_1336] {strides = array<i32>} : memref<80x128xf32, #tpu.memory_space<vmem>>, vector<1x16xf32>,
        %get3A_1338 = vector.shape_cast %get3A_1337 : vector<1x16xf32> to vector<16xf32>
        %mul3A_1339 = arith.mulf %get3A_1338, %gather3A_1320 : vector<16xf32>
        %swap3A_1340 = arith.index_cast %add3A_1324 : i32 to index
        %swap3A_1341 = arith.constant 16 : index
        %swap3A_1342 = tpu.vector_load %arg10[%swap3A_1340, %swap3A_1341] {strides = array<i32>} : memref<80x128xf32, #tpu.memory_space<vmem>>, vector<1x16xf32>,
        %swap3A_1343 = vector.shape_cast %swap3A_1342 : vector<1x16xf32> to vector<16xf32>
        %swap3A_1344 = vector.shape_cast %mul3A_1339 : vector<16xf32> to vector<1x16xf32>
        tpu.vector_store %arg10[%swap3A_1340, %swap3A_1341], %swap3A_1344 {strides = array<i32>} : memref<80x128xf32, #tpu.memory_space<vmem>>, vector<1x16xf32>,
        %get3A_1345 = arith.index_cast %add3A_1324 : i32 to index
        %get3A_1346 = arith.constant 32 : index
        %get3A_1347 = tpu.vector_load %arg10[%get3A_1345, %get3A_1346] {strides = array<i32>} : memref<80x128xf32, #tpu.memory_space<vmem>>, vector<1x16xf32>,
        %get3A_1348 = vector.shape_cast %get3A_1347 : vector<1x16xf32> to vector<16xf32>
        %mul3A_1349 = arith.mulf %get3A_1348, %gather3A_1320 : vector<16xf32>
        %swap3A_1350 = arith.index_cast %add3A_1324 : i32 to index
        %swap3A_1351 = arith.constant 32 : index
        %swap3A_1352 = tpu.vector_load %arg10[%swap3A_1350, %swap3A_1351] {strides = array<i32>} : memref<80x128xf32, #tpu.memory_space<vmem>>, vector<1x16xf32>,
        %swap3A_1353 = vector.shape_cast %swap3A_1352 : vector<1x16xf32> to vector<16xf32>
        %swap3A_1354 = vector.shape_cast %mul3A_1349 : vector<16xf32> to vector<1x16xf32>
        tpu.vector_store %arg10[%swap3A_1350, %swap3A_1351], %swap3A_1354 {strides = array<i32>} : memref<80x128xf32, #tpu.memory_space<vmem>>, vector<1x16xf32>,
        %get3A_1355 = arith.index_cast %add3A_1324 : i32 to index
        %get3A_1356 = arith.constant 48 : index
        %get3A_1357 = tpu.vector_load %arg10[%get3A_1355, %get3A_1356] {strides = array<i32>} : memref<80x128xf32, #tpu.memory_space<vmem>>, vector<1x16xf32>,
        %get3A_1358 = vector.shape_cast %get3A_1357 : vector<1x16xf32> to vector<16xf32>
        %mul3A_1359 = arith.mulf %get3A_1358, %gather3A_1320 : vector<16xf32>
        %swap3A_1360 = arith.index_cast %add3A_1324 : i32 to index
        %swap3A_1361 = arith.constant 48 : index
        %swap3A_1362 = tpu.vector_load %arg10[%swap3A_1360, %swap3A_1361] {strides = array<i32>} : memref<80x128xf32, #tpu.memory_space<vmem>>, vector<1x16xf32>,
        %swap3A_1363 = vector.shape_cast %swap3A_1362 : vector<1x16xf32> to vector<16xf32>
        %swap3A_1364 = vector.shape_cast %mul3A_1359 : vector<16xf32> to vector<1x16xf32>
        tpu.vector_store %arg10[%swap3A_1360, %swap3A_1361], %swap3A_1364 {strides = array<i32>} : memref<80x128xf32, #tpu.memory_space<vmem>>, vector<1x16xf32>,
        %get3A_1365 = arith.index_cast %add3A_1324 : i32 to index
        %get3A_1366 = arith.constant 64 : index
        %get3A_1367 = tpu.vector_load %arg10[%get3A_1365, %get3A_1366] {strides = array<i32>} : memref<80x128xf32, #tpu.memory_space<vmem>>, vector<1x16xf32>,
        %get3A_1368 = vector.shape_cast %get3A_1367 : vector<1x16xf32> to vector<16xf32>
        %mul3A_1369 = arith.mulf %get3A_1368, %gather3A_1320 : vector<16xf32>
        %swap3A_1370 = arith.index_cast %add3A_1324 : i32 to index
        %swap3A_1371 = arith.constant 64 : index
        %swap3A_1372 = tpu.vector_load %arg10[%swap3A_1370, %swap3A_1371] {strides = array<i32>} : memref<80x128xf32, #tpu.memory_space<vmem>>, vector<1x16xf32>,
        %swap3A_1373 = vector.shape_cast %swap3A_1372 : vector<1x16xf32> to vector<16xf32>
        %swap3A_1374 = vector.shape_cast %mul3A_1369 : vector<16xf32> to vector<1x16xf32>
        tpu.vector_store %arg10[%swap3A_1370, %swap3A_1371], %swap3A_1374 {strides = array<i32>} : memref<80x128xf32, #tpu.memory_space<vmem>>, vector<1x16xf32>,
        %get3A_1375 = arith.index_cast %add3A_1324 : i32 to index
        %get3A_1376 = arith.constant 80 : index
        %get3A_1377 = tpu.vector_load %arg10[%get3A_1375, %get3A_1376] {strides = array<i32>} : memref<80x128xf32, #tpu.memory_space<vmem>>, vector<1x16xf32>,
        %get3A_1378 = vector.shape_cast %get3A_1377 : vector<1x16xf32> to vector<16xf32>
        %mul3A_1379 = arith.mulf %get3A_1378, %gather3A_1320 : vector<16xf32>
        %swap3A_1380 = arith.index_cast %add3A_1324 : i32 to index
        %swap3A_1381 = arith.constant 80 : index
        %swap3A_1382 = tpu.vector_load %arg10[%swap3A_1380, %swap3A_1381] {strides = array<i32>} : memref<80x128xf32, #tpu.memory_space<vmem>>, vector<1x16xf32>,
        %swap3A_1383 = vector.shape_cast %swap3A_1382 : vector<1x16xf32> to vector<16xf32>
        %swap3A_1384 = vector.shape_cast %mul3A_1379 : vector<16xf32> to vector<1x16xf32>
        tpu.vector_store %arg10[%swap3A_1380, %swap3A_1381], %swap3A_1384 {strides = array<i32>} : memref<80x128xf32, #tpu.memory_space<vmem>>, vector<1x16xf32>,
        %get3A_1385 = arith.index_cast %add3A_1324 : i32 to index
        %get3A_1386 = arith.constant 96 : index
        %get3A_1387 = tpu.vector_load %arg10[%get3A_1385, %get3A_1386] {strides = array<i32>} : memref<80x128xf32, #tpu.memory_space<vmem>>, vector<1x16xf32>,
        %get3A_1388 = vector.shape_cast %get3A_1387 : vector<1x16xf32> to vector<16xf32>
        %mul3A_1389 = arith.mulf %get3A_1388, %gather3A_1320 : vector<16xf32>
        %swap3A_1390 = arith.index_cast %add3A_1324 : i32 to index
        %swap3A_1391 = arith.constant 96 : index
        %swap3A_1392 = tpu.vector_load %arg10[%swap3A_1390, %swap3A_1391] {strides = array<i32>} : memref<80x128xf32, #tpu.memory_space<vmem>>, vector<1x16xf32>,
        %swap3A_1393 = vector.shape_cast %swap3A_1392 : vector<1x16xf32> to vector<16xf32>
        %swap3A_1394 = vector.shape_cast %mul3A_1389 : vector<16xf32> to vector<1x16xf32>
        tpu.vector_store %arg10[%swap3A_1390, %swap3A_1391], %swap3A_1394 {strides = array<i32>} : memref<80x128xf32, #tpu.memory_space<vmem>>, vector<1x16xf32>,
        %get3A_1395 = arith.index_cast %add3A_1324 : i32 to index
        %get3A_1396 = arith.constant 112 : index
        %get3A_1397 = tpu.vector_load %arg10[%get3A_1395, %get3A_1396] {strides = array<i32>} : memref<80x128xf32, #tpu.memory_space<vmem>>, vector<1x16xf32>,
        %get3A_1398 = vector.shape_cast %get3A_1397 : vector<1x16xf32> to vector<16xf32>
        %mul3A_1399 = arith.mulf %get3A_1398, %gather3A_1320 : vector<16xf32>
        %swap3A_1400 = arith.index_cast %add3A_1324 : i32 to index
        %swap3A_1401 = arith.constant 112 : index
        %swap3A_1402 = tpu.vector_load %arg10[%swap3A_1400, %swap3A_1401] {strides = array<i32>} : memref<80x128xf32, #tpu.memory_space<vmem>>, vector<1x16xf32>,
        %swap3A_1403 = vector.shape_cast %swap3A_1402 : vector<1x16xf32> to vector<16xf32>
        %swap3A_1404 = vector.shape_cast %mul3A_1399 : vector<16xf32> to vector<1x16xf32>
        tpu.vector_store %arg10[%swap3A_1400, %swap3A_1401], %swap3A_1404 {strides = array<i32>} : memref<80x128xf32, #tpu.memory_space<vmem>>, vector<1x16xf32>,
        %broadcast_in_dim3A_1405 = arith.constant 15 : i32
        %broadcast_in_dim3A_1406 = vector.broadcast %broadcast_in_dim3A_1405 : i32 to vector<16x1xi32>
        %gather3A_1407 = vector.shape_cast %broadcast_in_dim3A_1406 : vector<16x1xi32> to vector<16xi32>
        %gather3A_1408 = tpu.dynamic_gather %get3A_86[%gather3A_1407] in [0] : vector<16xf32>, vector<16xi32> -> vector<16xf32>
        %mul3A_1409 = arith.constant 16 : i32
        %mul3A_1410 = arith.muli %scan3A_81, %mul3A_1409 : i32
        %add3A_1411 = arith.constant 15 : i32
        %add3A_1412 = arith.addi %mul3A_1410, %add3A_1411 : i32
        %get3A_1413 = arith.index_cast %add3A_1412 : i32 to index
        %get3A_1414 = arith.constant 0 : index
        %get3A_1415 = tpu.vector_load %arg10[%get3A_1413, %get3A_1414] {strides = array<i32>} : memref<80x128xf32, #tpu.memory_space<vmem>>, vector<1x16xf32>,
        %get3A_1416 = vector.shape_cast %get3A_1415 : vector<1x16xf32> to vector<16xf32>
        %mul3A_1417 = arith.mulf %get3A_1416, %gather3A_1408 : vector<16xf32>
        %swap3A_1418 = arith.index_cast %add3A_1412 : i32 to index
        %swap3A_1419 = arith.constant 0 : index
        %swap3A_1420 = tpu.vector_load %arg10[%swap3A_1418, %swap3A_1419] {strides = array<i32>} : memref<80x128xf32, #tpu.memory_space<vmem>>, vector<1x16xf32>,
        %swap3A_1421 = vector.shape_cast %swap3A_1420 : vector<1x16xf32> to vector<16xf32>
        %swap3A_1422 = vector.shape_cast %mul3A_1417 : vector<16xf32> to vector<1x16xf32>
        tpu.vector_store %arg10[%swap3A_1418, %swap3A_1419], %swap3A_1422 {strides = array<i32>} : memref<80x128xf32, #tpu.memory_space<vmem>>, vector<1x16xf32>,
        %get3A_1423 = arith.index_cast %add3A_1412 : i32 to index
        %get3A_1424 = arith.constant 16 : index
        %get3A_1425 = tpu.vector_load %arg10[%get3A_1423, %get3A_1424] {strides = array<i32>} : memref<80x128xf32, #tpu.memory_space<vmem>>, vector<1x16xf32>,
        %get3A_1426 = vector.shape_cast %get3A_1425 : vector<1x16xf32> to vector<16xf32>
        %mul3A_1427 = arith.mulf %get3A_1426, %gather3A_1408 : vector<16xf32>
        %swap3A_1428 = arith.index_cast %add3A_1412 : i32 to index
        %swap3A_1429 = arith.constant 16 : index
        %swap3A_1430 = tpu.vector_load %arg10[%swap3A_1428, %swap3A_1429] {strides = array<i32>} : memref<80x128xf32, #tpu.memory_space<vmem>>, vector<1x16xf32>,
        %swap3A_1431 = vector.shape_cast %swap3A_1430 : vector<1x16xf32> to vector<16xf32>
        %swap3A_1432 = vector.shape_cast %mul3A_1427 : vector<16xf32> to vector<1x16xf32>
        tpu.vector_store %arg10[%swap3A_1428, %swap3A_1429], %swap3A_1432 {strides = array<i32>} : memref<80x128xf32, #tpu.memory_space<vmem>>, vector<1x16xf32>,
        %get3A_1433 = arith.index_cast %add3A_1412 : i32 to index
        %get3A_1434 = arith.constant 32 : index
        %get3A_1435 = tpu.vector_load %arg10[%get3A_1433, %get3A_1434] {strides = array<i32>} : memref<80x128xf32, #tpu.memory_space<vmem>>, vector<1x16xf32>,
        %get3A_1436 = vector.shape_cast %get3A_1435 : vector<1x16xf32> to vector<16xf32>
        %mul3A_1437 = arith.mulf %get3A_1436, %gather3A_1408 : vector<16xf32>
        %swap3A_1438 = arith.index_cast %add3A_1412 : i32 to index
        %swap3A_1439 = arith.constant 32 : index
        %swap3A_1440 = tpu.vector_load %arg10[%swap3A_1438, %swap3A_1439] {strides = array<i32>} : memref<80x128xf32, #tpu.memory_space<vmem>>, vector<1x16xf32>,
        %swap3A_1441 = vector.shape_cast %swap3A_1440 : vector<1x16xf32> to vector<16xf32>
        %swap3A_1442 = vector.shape_cast %mul3A_1437 : vector<16xf32> to vector<1x16xf32>
        tpu.vector_store %arg10[%swap3A_1438, %swap3A_1439], %swap3A_1442 {strides = array<i32>} : memref<80x128xf32, #tpu.memory_space<vmem>>, vector<1x16xf32>,
        %get3A_1443 = arith.index_cast %add3A_1412 : i32 to index
        %get3A_1444 = arith.constant 48 : index
        %get3A_1445 = tpu.vector_load %arg10[%get3A_1443, %get3A_1444] {strides = array<i32>} : memref<80x128xf32, #tpu.memory_space<vmem>>, vector<1x16xf32>,
        %get3A_1446 = vector.shape_cast %get3A_1445 : vector<1x16xf32> to vector<16xf32>
        %mul3A_1447 = arith.mulf %get3A_1446, %gather3A_1408 : vector<16xf32>
        %swap3A_1448 = arith.index_cast %add3A_1412 : i32 to index
        %swap3A_1449 = arith.constant 48 : index
        %swap3A_1450 = tpu.vector_load %arg10[%swap3A_1448, %swap3A_1449] {strides = array<i32>} : memref<80x128xf32, #tpu.memory_space<vmem>>, vector<1x16xf32>,
        %swap3A_1451 = vector.shape_cast %swap3A_1450 : vector<1x16xf32> to vector<16xf32>
        %swap3A_1452 = vector.shape_cast %mul3A_1447 : vector<16xf32> to vector<1x16xf32>
        tpu.vector_store %arg10[%swap3A_1448, %swap3A_1449], %swap3A_1452 {strides = array<i32>} : memref<80x128xf32, #tpu.memory_space<vmem>>, vector<1x16xf32>,
        %get3A_1453 = arith.index_cast %add3A_1412 : i32 to index
        %get3A_1454 = arith.constant 64 : index
        %get3A_1455 = tpu.vector_load %arg10[%get3A_1453, %get3A_1454] {strides = array<i32>} : memref<80x128xf32, #tpu.memory_space<vmem>>, vector<1x16xf32>,
        %get3A_1456 = vector.shape_cast %get3A_1455 : vector<1x16xf32> to vector<16xf32>
        %mul3A_1457 = arith.mulf %get3A_1456, %gather3A_1408 : vector<16xf32>
        %swap3A_1458 = arith.index_cast %add3A_1412 : i32 to index
        %swap3A_1459 = arith.constant 64 : index
        %swap3A_1460 = tpu.vector_load %arg10[%swap3A_1458, %swap3A_1459] {strides = array<i32>} : memref<80x128xf32, #tpu.memory_space<vmem>>, vector<1x16xf32>,
        %swap3A_1461 = vector.shape_cast %swap3A_1460 : vector<1x16xf32> to vector<16xf32>
        %swap3A_1462 = vector.shape_cast %mul3A_1457 : vector<16xf32> to vector<1x16xf32>
        tpu.vector_store %arg10[%swap3A_1458, %swap3A_1459], %swap3A_1462 {strides = array<i32>} : memref<80x128xf32, #tpu.memory_space<vmem>>, vector<1x16xf32>,
        %get3A_1463 = arith.index_cast %add3A_1412 : i32 to index
        %get3A_1464 = arith.constant 80 : index
        %get3A_1465 = tpu.vector_load %arg10[%get3A_1463, %get3A_1464] {strides = array<i32>} : memref<80x128xf32, #tpu.memory_space<vmem>>, vector<1x16xf32>,
        %get3A_1466 = vector.shape_cast %get3A_1465 : vector<1x16xf32> to vector<16xf32>
        %mul3A_1467 = arith.mulf %get3A_1466, %gather3A_1408 : vector<16xf32>
        %swap3A_1468 = arith.index_cast %add3A_1412 : i32 to index
        %swap3A_1469 = arith.constant 80 : index
        %swap3A_1470 = tpu.vector_load %arg10[%swap3A_1468, %swap3A_1469] {strides = array<i32>} : memref<80x128xf32, #tpu.memory_space<vmem>>, vector<1x16xf32>,
        %swap3A_1471 = vector.shape_cast %swap3A_1470 : vector<1x16xf32> to vector<16xf32>
        %swap3A_1472 = vector.shape_cast %mul3A_1467 : vector<16xf32> to vector<1x16xf32>
        tpu.vector_store %arg10[%swap3A_1468, %swap3A_1469], %swap3A_1472 {strides = array<i32>} : memref<80x128xf32, #tpu.memory_space<vmem>>, vector<1x16xf32>,
        %get3A_1473 = arith.index_cast %add3A_1412 : i32 to index
        %get3A_1474 = arith.constant 96 : index
        %get3A_1475 = tpu.vector_load %arg10[%get3A_1473, %get3A_1474] {strides = array<i32>} : memref<80x128xf32, #tpu.memory_space<vmem>>, vector<1x16xf32>,
        %get3A_1476 = vector.shape_cast %get3A_1475 : vector<1x16xf32> to vector<16xf32>
        %mul3A_1477 = arith.mulf %get3A_1476, %gather3A_1408 : vector<16xf32>
        %swap3A_1478 = arith.index_cast %add3A_1412 : i32 to index
        %swap3A_1479 = arith.constant 96 : index
        %swap3A_1480 = tpu.vector_load %arg10[%swap3A_1478, %swap3A_1479] {strides = array<i32>} : memref<80x128xf32, #tpu.memory_space<vmem>>, vector<1x16xf32>,
        %swap3A_1481 = vector.shape_cast %swap3A_1480 : vector<1x16xf32> to vector<16xf32>
        %swap3A_1482 = vector.shape_cast %mul3A_1477 : vector<16xf32> to vector<1x16xf32>
        tpu.vector_store %arg10[%swap3A_1478, %swap3A_1479], %swap3A_1482 {strides = array<i32>} : memref<80x128xf32, #tpu.memory_space<vmem>>, vector<1x16xf32>,
        %get3A_1483 = arith.index_cast %add3A_1412 : i32 to index
        %get3A_1484 = arith.constant 112 : index
        %get3A_1485 = tpu.vector_load %arg10[%get3A_1483, %get3A_1484] {strides = array<i32>} : memref<80x128xf32, #tpu.memory_space<vmem>>, vector<1x16xf32>,
        %get3A_1486 = vector.shape_cast %get3A_1485 : vector<1x16xf32> to vector<16xf32>
        %mul3A_1487 = arith.mulf %get3A_1486, %gather3A_1408 : vector<16xf32>
        %swap3A_1488 = arith.index_cast %add3A_1412 : i32 to index
        %swap3A_1489 = arith.constant 112 : index
        %swap3A_1490 = tpu.vector_load %arg10[%swap3A_1488, %swap3A_1489] {strides = array<i32>} : memref<80x128xf32, #tpu.memory_space<vmem>>, vector<1x16xf32>,
        %swap3A_1491 = vector.shape_cast %swap3A_1490 : vector<1x16xf32> to vector<16xf32>
        %swap3A_1492 = vector.shape_cast %mul3A_1487 : vector<16xf32> to vector<1x16xf32>
        tpu.vector_store %arg10[%swap3A_1488, %swap3A_1489], %swap3A_1492 {strides = array<i32>} : memref<80x128xf32, #tpu.memory_space<vmem>>, vector<1x16xf32>,
        %scan3A_1493 = arith.constant 0 : i32
        scf.yield %scan3A_1493 : i32
      }
      %scan3A_79 = arith.constant 5 : i32
      "tpu.region"() ({
        %run_scoped3A = tpu.sem_alloc : memref<!tpu.dma_semaphore, #tpu.memory_space<semaphore_mem>>
        %dma_start3A = arith.constant 0 : i32
        %dma_start3A_81 = tpu.memref_slice %arg8[%scan3A_65, %dma_start3A] : memref<125x80xi32, #tpu.memory_space<vmem>> -> memref<1x80xi32, #tpu.memory_space<vmem>>
        %dma_start3A_82 = tpu.memref_squeeze %dma_start3A_81 : memref<1x80xi32, #tpu.memory_space<vmem>> -> memref<80xi32, #tpu.memory_space<vmem>>
        %dma_start3A_83 = arith.constant 0 : i32
        %dma_start3A_84 = arith.constant 0 : i32
        %dma_start3A_85 = tpu.memref_slice %arg11[%dma_start3A_83, %dma_start3A_84] : memref<10000x128xf32, #tpu.memory_space<vmem_shared>> -> memref<10000x128xf32, #tpu.memory_space<vmem_shared>>
        tpu.enqueue_indirect_dma source(%arg10 : memref<80x128xf32, #tpu.memory_space<vmem>>) target(%dma_start3A_85 : memref<10000x128xf32, #tpu.memory_space<vmem_shared>>) offsets(%dma_start3A_82 : memref<80xi32, #tpu.memory_space<vmem>>) semaphore(%run_scoped3A : memref<!tpu.dma_semaphore, #tpu.memory_space<semaphore_mem>>) {add = true}
        %dma_wait3A = arith.constant 0 : i32
        %dma_wait3A_86 = tpu.memref_slice %arg8[%scan3A_65, %dma_wait3A] : memref<125x80xi32, #tpu.memory_space<vmem>> -> memref<1x80xi32, #tpu.memory_space<vmem>>
        %dma_wait3A_87 = tpu.memref_squeeze %dma_wait3A_86 : memref<1x80xi32, #tpu.memory_space<vmem>> -> memref<80xi32, #tpu.memory_space<vmem>>
        %dma_wait3A_88 = arith.constant 0 : i32
        %dma_wait3A_89 = arith.constant 0 : i32
        %dma_wait3A_90 = tpu.memref_slice %arg11[%dma_wait3A_88, %dma_wait3A_89] : memref<10000x128xf32, #tpu.memory_space<vmem_shared>> -> memref<10000x128xf32, #tpu.memory_space<vmem_shared>>
        tpu.wait_indirect_dma semaphore(%run_scoped3A : memref<!tpu.dma_semaphore, #tpu.memory_space<semaphore_mem>>) src(%arg10 : memref<80x128xf32, #tpu.memory_space<vmem>>) dst(%dma_wait3A_90 : memref<10000x128xf32, #tpu.memory_space<vmem_shared>>)
        tpu.yield
      }) : () -> ()
      %scan3A_80 = arith.constant 0 : i32
      scf.yield %scan3A_80 : i32
    }
    %scan3A_46 = arith.constant 125 : i32
    %barrier3A_47 = arith.constant 0 : index
    tpu.barrier barrier_id(%barrier3A_47)
    %add3A_48 = arith.constant 0 : i32
    %add3A_49 = arith.addi %multiple_of3A, %add3A_48 : i32
    %add3A_50 = arith.constant 0 : i32
    %add3A_51 = arith.addi %multiple_of3A, %add3A_50 : i32
    "tpu.region"() ({
      %run_scoped3A = tpu.sem_alloc : memref<!tpu.dma_semaphore, #tpu.memory_space<semaphore_mem>>
      %dma_start3A = arith.constant 0 : i32
      %dma_start3A_65 = tpu.memref_slice %arg6[%arg0, %add3A_51, %dma_start3A] : memref<2x10000x128xf32, #tpu.memory_space<hbm>> -> memref<1x208x128xf32, #tpu.memory_space<hbm>>
      %dma_start3A_66 = tpu.memref_squeeze %dma_start3A_65 : memref<1x208x128xf32, #tpu.memory_space<hbm>> -> memref<208x128xf32, #tpu.memory_space<hbm>>
      %dma_start3A_67 = arith.constant 0 : i32
      %dma_start3A_68 = tpu.memref_slice %arg11[%add3A_49, %dma_start3A_67] : memref<10000x128xf32, #tpu.memory_space<vmem_shared>> -> memref<208x128xf32, #tpu.memory_space<vmem_shared>>
      tpu.enqueue_dma source(%dma_start3A_68 : memref<208x128xf32, #tpu.memory_space<vmem_shared>>) target(%dma_start3A_66 : memref<208x128xf32, #tpu.memory_space<hbm>>) target_semaphore(%run_scoped3A : memref<!tpu.dma_semaphore, #tpu.memory_space<semaphore_mem>>)
      %dma_wait3A = arith.constant 0 : i32
      %dma_wait3A_69 = tpu.memref_slice %arg6[%arg0, %add3A_51, %dma_wait3A] : memref<2x10000x128xf32, #tpu.memory_space<hbm>> -> memref<1x208x128xf32, #tpu.memory_space<hbm>>
      %dma_wait3A_70 = tpu.memref_squeeze %dma_wait3A_69 : memref<1x208x128xf32, #tpu.memory_space<hbm>> -> memref<208x128xf32, #tpu.memory_space<hbm>>
      %dma_wait3A_71 = arith.constant 0 : i32
      %dma_wait3A_72 = tpu.memref_slice %arg11[%add3A_49, %dma_wait3A_71] : memref<10000x128xf32, #tpu.memory_space<vmem_shared>> -> memref<208x128xf32, #tpu.memory_space<vmem_shared>>
      tpu.wait_dma2 semaphore(%run_scoped3A : memref<!tpu.dma_semaphore, #tpu.memory_space<semaphore_mem>>) src(%dma_wait3A_72 : memref<208x128xf32, #tpu.memory_space<vmem_shared>>) dst(%dma_wait3A_70 : memref<208x128xf32, #tpu.memory_space<hbm>>)
      tpu.yield
    }) : () -> ()
    %add3A_52 = arith.constant 208 : i32
    %add3A_53 = arith.addi %multiple_of3A, %add3A_52 : i32
    %add3A_54 = arith.constant 208 : i32
    %add3A_55 = arith.addi %multiple_of3A, %add3A_54 : i32
    "tpu.region"() ({
      %run_scoped3A = tpu.sem_alloc : memref<!tpu.dma_semaphore, #tpu.memory_space<semaphore_mem>>
      %dma_start3A = arith.constant 0 : i32
      %dma_start3A_65 = tpu.memref_slice %arg6[%arg0, %add3A_55, %dma_start3A] : memref<2x10000x128xf32, #tpu.memory_space<hbm>> -> memref<1x208x128xf32, #tpu.memory_space<hbm>>
      %dma_start3A_66 = tpu.memref_squeeze %dma_start3A_65 : memref<1x208x128xf32, #tpu.memory_space<hbm>> -> memref<208x128xf32, #tpu.memory_space<hbm>>
      %dma_start3A_67 = arith.constant 0 : i32
      %dma_start3A_68 = tpu.memref_slice %arg11[%add3A_53, %dma_start3A_67] : memref<10000x128xf32, #tpu.memory_space<vmem_shared>> -> memref<208x128xf32, #tpu.memory_space<vmem_shared>>
      tpu.enqueue_dma source(%dma_start3A_68 : memref<208x128xf32, #tpu.memory_space<vmem_shared>>) target(%dma_start3A_66 : memref<208x128xf32, #tpu.memory_space<hbm>>) target_semaphore(%run_scoped3A : memref<!tpu.dma_semaphore, #tpu.memory_space<semaphore_mem>>)
      %dma_wait3A = arith.constant 0 : i32
      %dma_wait3A_69 = tpu.memref_slice %arg6[%arg0, %add3A_55, %dma_wait3A] : memref<2x10000x128xf32, #tpu.memory_space<hbm>> -> memref<1x208x128xf32, #tpu.memory_space<hbm>>
      %dma_wait3A_70 = tpu.memref_squeeze %dma_wait3A_69 : memref<1x208x128xf32, #tpu.memory_space<hbm>> -> memref<208x128xf32, #tpu.memory_space<hbm>>
      %dma_wait3A_71 = arith.constant 0 : i32
      %dma_wait3A_72 = tpu.memref_slice %arg11[%add3A_53, %dma_wait3A_71] : memref<10000x128xf32, #tpu.memory_space<vmem_shared>> -> memref<208x128xf32, #tpu.memory_space<vmem_shared>>
      tpu.wait_dma2 semaphore(%run_scoped3A : memref<!tpu.dma_semaphore, #tpu.memory_space<semaphore_mem>>) src(%dma_wait3A_72 : memref<208x128xf32, #tpu.memory_space<vmem_shared>>) dst(%dma_wait3A_70 : memref<208x128xf32, #tpu.memory_space<hbm>>)
      tpu.yield
    }) : () -> ()
    %add3A_56 = arith.constant 416 : i32
    %add3A_57 = arith.addi %multiple_of3A, %add3A_56 : i32
    %add3A_58 = arith.constant 416 : i32
    %add3A_59 = arith.addi %multiple_of3A, %add3A_58 : i32
    "tpu.region"() ({
      %run_scoped3A = tpu.sem_alloc : memref<!tpu.dma_semaphore, #tpu.memory_space<semaphore_mem>>
      %dma_start3A = arith.constant 0 : i32
      %dma_start3A_65 = tpu.memref_slice %arg6[%arg0, %add3A_59, %dma_start3A] : memref<2x10000x128xf32, #tpu.memory_space<hbm>> -> memref<1x208x128xf32, #tpu.memory_space<hbm>>
      %dma_start3A_66 = tpu.memref_squeeze %dma_start3A_65 : memref<1x208x128xf32, #tpu.memory_space<hbm>> -> memref<208x128xf32, #tpu.memory_space<hbm>>
      %dma_start3A_67 = arith.constant 0 : i32
      %dma_start3A_68 = tpu.memref_slice %arg11[%add3A_57, %dma_start3A_67] : memref<10000x128xf32, #tpu.memory_space<vmem_shared>> -> memref<208x128xf32, #tpu.memory_space<vmem_shared>>
      tpu.enqueue_dma source(%dma_start3A_68 : memref<208x128xf32, #tpu.memory_space<vmem_shared>>) target(%dma_start3A_66 : memref<208x128xf32, #tpu.memory_space<hbm>>) target_semaphore(%run_scoped3A : memref<!tpu.dma_semaphore, #tpu.memory_space<semaphore_mem>>)
      %dma_wait3A = arith.constant 0 : i32
      %dma_wait3A_69 = tpu.memref_slice %arg6[%arg0, %add3A_59, %dma_wait3A] : memref<2x10000x128xf32, #tpu.memory_space<hbm>> -> memref<1x208x128xf32, #tpu.memory_space<hbm>>
      %dma_wait3A_70 = tpu.memref_squeeze %dma_wait3A_69 : memref<1x208x128xf32, #tpu.memory_space<hbm>> -> memref<208x128xf32, #tpu.memory_space<hbm>>
      %dma_wait3A_71 = arith.constant 0 : i32
      %dma_wait3A_72 = tpu.memref_slice %arg11[%add3A_57, %dma_wait3A_71] : memref<10000x128xf32, #tpu.memory_space<vmem_shared>> -> memref<208x128xf32, #tpu.memory_space<vmem_shared>>
      tpu.wait_dma2 semaphore(%run_scoped3A : memref<!tpu.dma_semaphore, #tpu.memory_space<semaphore_mem>>) src(%dma_wait3A_72 : memref<208x128xf32, #tpu.memory_space<vmem_shared>>) dst(%dma_wait3A_70 : memref<208x128xf32, #tpu.memory_space<hbm>>)
      tpu.yield
    }) : () -> ()
    %eq3A_60 = arith.constant 15 : i32
    %eq3A_61 = arith.cmpi eq, %arg1, %eq3A_60 : i32
    %convert_element_type3A_62 = arith.extui %eq3A_61 : i1 to i32
    %cond3A_63 = arith.constant 0 : i32
    %cond3A_64 = arith.cmpi ne, %convert_element_type3A_62, %cond3A_63 : i32
    scf.if %cond3A_64 {
      "tpu.region"() ({
        %run_scoped3A = tpu.sem_alloc : memref<!tpu.dma_semaphore, #tpu.memory_space<semaphore_mem>>
        %dma_start3A = arith.constant 9984 : i32
        %dma_start3A_65 = arith.constant 0 : i32
        %dma_start3A_66 = tpu.memref_slice %arg6[%arg0, %dma_start3A, %dma_start3A_65] : memref<2x10000x128xf32, #tpu.memory_space<hbm>> -> memref<1x16x128xf32, #tpu.memory_space<hbm>>
        %dma_start3A_67 = tpu.memref_squeeze %dma_start3A_66 : memref<1x16x128xf32, #tpu.memory_space<hbm>> -> memref<16x128xf32, #tpu.memory_space<hbm>>
        %dma_start3A_68 = arith.constant 9984 : i32
        %dma_start3A_69 = arith.constant 0 : i32
        %dma_start3A_70 = tpu.memref_slice %arg11[%dma_start3A_68, %dma_start3A_69] : memref<10000x128xf32, #tpu.memory_space<vmem_shared>> -> memref<16x128xf32, #tpu.memory_space<vmem_shared>>
        tpu.enqueue_dma source(%dma_start3A_70 : memref<16x128xf32, #tpu.memory_space<vmem_shared>>) target(%dma_start3A_67 : memref<16x128xf32, #tpu.memory_space<hbm>>) target_semaphore(%run_scoped3A : memref<!tpu.dma_semaphore, #tpu.memory_space<semaphore_mem>>)
        %dma_wait3A = arith.constant 9984 : i32
        %dma_wait3A_71 = arith.constant 0 : i32
        %dma_wait3A_72 = tpu.memref_slice %arg6[%arg0, %dma_wait3A, %dma_wait3A_71] : memref<2x10000x128xf32, #tpu.memory_space<hbm>> -> memref<1x16x128xf32, #tpu.memory_space<hbm>>
        %dma_wait3A_73 = tpu.memref_squeeze %dma_wait3A_72 : memref<1x16x128xf32, #tpu.memory_space<hbm>> -> memref<16x128xf32, #tpu.memory_space<hbm>>
        %dma_wait3A_74 = arith.constant 9984 : i32
        %dma_wait3A_75 = arith.constant 0 : i32
        %dma_wait3A_76 = tpu.memref_slice %arg11[%dma_wait3A_74, %dma_wait3A_75] : memref<10000x128xf32, #tpu.memory_space<vmem_shared>> -> memref<16x128xf32, #tpu.memory_space<vmem_shared>>
        tpu.wait_dma2 semaphore(%run_scoped3A : memref<!tpu.dma_semaphore, #tpu.memory_space<semaphore_mem>>) src(%dma_wait3A_76 : memref<16x128xf32, #tpu.memory_space<vmem_shared>>) dst(%dma_wait3A_73 : memref<16x128xf32, #tpu.memory_space<hbm>>)
        tpu.yield
      }) : () -> ()
    } else {
    }
    return
  }
}

module attributes {stable_mosaic.version = 14 : i64} {
  func.func @_finalize_body(%arg0: i32, %arg1: memref<2x1000x128xf32, #tpu.memory_space<vmem>>, %arg2: memref<1000x128xf32, #tpu.memory_space<vmem>>) attributes {dimension_semantics = [#tpu.dimension_semantics<arbitrary>], iteration_bounds = array<i64: 10>, scalar_prefetch = 0 : i64, scratch_operands = 0 : i64, tpu.core_type = #tpu.core_type<tc>, window_params = [{transform_indices = @transform_0, window_bounds = array<i64: 2, 1000, 128>}, {transform_indices = @transform_1, window_bounds = array<i64: 1000, 128>}]} {
    %get3A = arith.constant 0 : index
    %get3A_0 = arith.constant 0 : index
    %get3A_1 = arith.constant 0 : index
    %get3A_2 = vector.load %arg1[%get3A, %get3A_0, %get3A_1] : memref<2x1000x128xf32, #tpu.memory_space<vmem>>, vector<1x1000x128xf32>
    %get3A_3 = vector.shape_cast %get3A_2 : vector<1x1000x128xf32> to vector<1000x128xf32>
    %get3A_4 = arith.constant 1 : index
    %get3A_5 = arith.constant 0 : index
    %get3A_6 = arith.constant 0 : index
    %get3A_7 = vector.load %arg1[%get3A_4, %get3A_5, %get3A_6] : memref<2x1000x128xf32, #tpu.memory_space<vmem>>, vector<1x1000x128xf32>
    %get3A_8 = vector.shape_cast %get3A_7 : vector<1x1000x128xf32> to vector<1000x128xf32>
    %add3A = arith.addf %get3A_3, %get3A_8 : vector<1000x128xf32>
    %mul3A = arith.mulf %add3A, %add3A : vector<1000x128xf32>
    %reduce_sum3A = arith.constant dense<0.000000e+00> : vector<1000xf32>
    %reduce_sum3A_9 = vector.multi_reduction <add>, %mul3A, %reduce_sum3A [1] : vector<1000x128xf32> to vector<1000xf32>
    %broadcast_in_dim3A = vector.shape_cast %reduce_sum3A_9 : vector<1000xf32> to vector<1000x1xf32>
    %sqrt3A = math.sqrt %broadcast_in_dim3A : vector<1000x1xf32>
    %max3A = arith.constant 9.99999996E-13 : f32
    %max3A_10 = vector.broadcast %max3A : f32 to vector<1000x1xf32>
    %max3A_11 = arith.maximumf %sqrt3A, %max3A_10 : vector<1000x1xf32>
    %div3A = vector.broadcast %max3A_11 : vector<1000x1xf32> to vector<1000x128xf32>
    %div3A_12 = arith.divf %add3A, %div3A : vector<1000x128xf32>
    %swap3A = arith.constant 0 : index
    %swap3A_13 = arith.constant 0 : index
    %swap3A_14 = vector.load %arg2[%swap3A, %swap3A_13] : memref<1000x128xf32, #tpu.memory_space<vmem>>, vector<1000x128xf32>
    tpu.vector_store %arg2[%swap3A, %swap3A_13], %div3A_12 {strides = array<i32>} : memref<1000x128xf32, #tpu.memory_space<vmem>>, vector<1000x128xf32>,
    return
  }
  func.func @transform_0(%arg0: i32) -> (i32, i32, i32) {
    %c0_i32 = arith.constant 0 : i32
    %c0_i32_0 = arith.constant 0 : i32
    %c0_i32_1 = arith.constant 0 : i32
    return %c0_i32, %arg0, %c0_i32_0 : i32, i32, i32
  }
  func.func @transform_1(%arg0: i32) -> (i32, i32) {
    %c0_i32 = arith.constant 0 : i32
    %c0_i32_0 = arith.constant 0 : i32
    return %arg0, %c0_i32 : i32, i32
  }
}

</mosaic_0001>

<sc_bundles>
// kernel: kernel.4.cloned.1.call-start
scs
__scs_entry_jumppad:
0x0: {  	(pc) =	sbr.rel $0x88, $3  }
0x1: {  	(tag) =	ssettag $0x0;
	lr =	simm.s32 $0x1  }
0x2: {  	[smem:$0x3F9E] =	sst lr;
	_ =	strace $0xD0000000  }
0x3: {  	_ = 	snop  }
0x4: {  	_ = 	snop  }
0x5: {  	_ = 	snop  }
0x6: {  	_ = 	snop  }
0x7: {  	_ = 	snop  }
__scs_overlays_trampoline_lowered:
0x8: {  	[smem:$0x3FAD] =	sst s0  }
0x9: {  	[smem:$0x3FAE] =	sst s1  }
0xa: {  	[smem:$0x3FAF] =	sst s2  }
0xb: {  	[smem:$0x3FB0] =	sst s3  }
0xc: {  	[smem:$0x3FB1] =	sst s4  }
0xd: {  	[smem:$0x3FB2] =	sst s5  }
0xe: {  	[smem:$0x3FB3] =	sst s6  }
0xf: {  	[smem:$0x3FB4] =	sst s7  }
0x10: {  	[smem:$0x3FB5] =	sst s8  }
0x11: {  	[smem:$0x3FB6] =	sst s9;
	s0 =	simm.s32 @!p0 $0x0  }
0x12: {  	s1 =	sld [smem:$0x3F9C];
	s0 =	simm.s32 @p0 $0x1  }
0x13: {  	[smem:$0x3FB7] =	sst s0;
	s0 =	simm.s32 @!p1 $0x0  }
0x14: {  	s2 =	sld [smem:$0x3F9B];
	s0 =	simm.s32 @p1 $0x1  }
0x15: {  	[smem:$0x3FB8] =	sst s0;
	s0 =	simm.s32 @!p2 $0x0  }
0x16: {  	s3 =	sld [smem:$0x3FDB];
	s0 =	simm.s32 @p2 $0x1  }
0x17: {  	s4 =	simm.s32 $0x1BF5;
	[smem:$0x3FBA] =	sst s0  }
0x18: {  	s0 =	sld [smem:$0x3F9D];
	_ =	swait.ge [sflag:s4], $0x0  }
0x19: {  	s7 =	sld [smem:$0x3F9E]  }
0x1a: {  	s8 =	sadd.s32 $0xFFFFE003, lr  }
0x1b: {  	s9 =	sadd.s32 $0xFFFFFEF7, lr;
	s5 =	simm.s32 $0xFFFFFFFF;
	p2 =	slt.u32 s8, $0xFFFFF086  }
0x1c: {  	p1 =	slt.u32 s9, $0xF7A;
	s5 =	simm.s32 @!p2 $0x0  }
0x1d: {  	s5 =	simm.s32 @p1 $0x1;
	p0 =	seq.s32 s7, s2  }
0x1e: {  	s7 =	smul.u32 @!p0 $0xF7A, s2;
	p2 =	seq.s32 @!p0 s5, $0x0  }
0x1f: {  	s9 =	smul.u32 $0xF7A, s1;
	s8 =	simm.s32 @!p0 $0x1BF5;
	p2 =	por !p2, p0  }
0x20: {  	[sflag:s8] =	ssyncset.s32 @!p0 $0xFFFFF086;
	s6 =	sadd.s32 @!p0 s3, s7;
	s7 =	simm.s32 @!p0 $0x108  }
0x21: {  	s3 =	sadd.s32 s3, s9;
	s6 =	sadd.s32 @!p0 $0x88, s6;
	s7 =	simm.s32 @p2 $0x1082  }
0x22: {  	[simem:s7], [sflag:s8] =	dma.local @!p0 [hbm:s6], $0xF7A  }
0x23: {  	s9 =	sor.u32 $0xD0000000, s2;
	s6 =	simm.s32 $0x108;
	_ =	swait.ge @!p0 [sflag:s8], $0x0  }
0x24: {  	s3 =	sadd.s32 $0x88, s3;
	s6 =	simm.s32 @!p1 $0x1082;
	[sflag:s4] =	ssyncset.s32 $0xFFFFF086  }
0x25: {  	[simem:s6], [sflag:s4] =	dma.local [hbm:s3], $0xF7A  }
0x26: {  	[smem:$0x3F9E] =	sst s1;
	(tag) =	ssettag s2;
	_ =	strace s9  }
0x27: {  	s1 =	sld [smem:$0x3FAE]  }
0x28: {  	s2 =	sld [smem:$0x3FAF]  }
0x29: {  	s4 =	sld [smem:$0x3FB1]  }
0x2a: {  	p0 =	seq.s32 s5, $0x0;
	s5 =	sld [smem:$0x3FB2]  }
0x2b: {  	s6 =	sld [smem:$0x3FB3]  }
0x2c: {  	s7 =	sld [smem:$0x3FB4]  }
0x2d: {  	s3 =	simm.s32 $0x108;
	s8 =	sld [smem:$0x3FB5]  }
0x2e: {  	s3 =	simm.s32 @!p0 $0x1082;
	s9 =	sld [smem:$0x3FB6]  }
0x2f: {  	lr =	sadd.s32 s0, s3;
	s0 =	sld [smem:$0x3FAD]  }
0x30: {  	s3 =	sld [smem:$0x3FB0]  }
0x31: {  	[smem:$0x3FB9] =	sst s10  }
0x32: {  	s10 =	sld [smem:$0x3FB7];
	_ =	sdelay $0x3  }
0x33: {  	p0 =	seq.s32 s10, $0x1;
	s10 =	sld [smem:$0x3FB9];
	_ =	sdelay $0x3  }
0x34: {  	[smem:$0x3FB9] =	sst s10  }
0x35: {  	s10 =	sld [smem:$0x3FB8];
	_ =	sdelay $0x3  }
0x36: {  	p1 =	seq.s32 s10, $0x1;
	s10 =	sld [smem:$0x3FB9];
	_ =	sdelay $0x3  }
0x37: {  	[smem:$0x3FB9] =	sst s10  }
0x38: {  	s10 =	sld [smem:$0x3FBA]  }
0x39: {  	_ = 	snop;
	(pc) =	sbr.ind lr, $3  }
0x3a: {  	_ = 	snop  }
0x3b: {  	_ = 	snop  }
0x3c: {  	p2 =	seq.s32 s10, $0x1;
	s10 =	sld [smem:$0x3FB9]  }
0x3d: {  	_ =	shalt  }
0x3e: {  	_ =	shalt  }
0x3f: {  	_ =	shalt  }
0x40: {  	_ =	shalt  }
0x41: {  	_ =	shalt  }
0x42: {  	_ =	shalt  }
0x43: {  	_ =	shalt  }
0x44: {  	_ =	shalt  }
0x45: {  	_ =	shalt  }
0x46: {  	_ =	shalt  }
0x47: {  	_ =	shalt  }
0x48: {  	_ =	shalt  }
0x49: {  	_ =	shalt  }
0x4a: {  	_ =	shalt  }
0x4b: {  	_ =	shalt  }
0x4c: {  	_ =	shalt  }
0x4d: {  	_ =	shalt  }
0x4e: {  	_ =	shalt  }
0x4f: {  	_ =	shalt  }
0x50: {  	_ =	shalt  }
0x51: {  	_ =	shalt  }
0x52: {  	_ =	shalt  }
0x53: {  	_ =	shalt  }
0x54: {  	_ =	shalt  }
0x55: {  	_ =	shalt  }
0x56: {  	_ =	shalt  }
0x57: {  	_ =	shalt  }
0x58: {  	_ =	shalt  }
0x59: {  	_ =	shalt  }
0x5a: {  	_ =	shalt  }
0x5b: {  	_ =	shalt  }
0x5c: {  	_ =	shalt  }
0x5d: {  	_ =	shalt  }
0x5e: {  	_ =	shalt  }
0x5f: {  	_ =	shalt  }
0x60: {  	_ =	shalt  }
0x61: {  	_ =	shalt  }
0x62: {  	_ =	shalt  }
0x63: {  	_ =	shalt  }
0x64: {  	_ =	shalt  }
0x65: {  	_ =	shalt  }
0x66: {  	_ =	shalt  }
0x67: {  	_ =	shalt  }
0x68: {  	_ =	shalt  }
0x69: {  	_ =	shalt  }
0x6a: {  	_ =	shalt  }
0x6b: {  	_ =	shalt  }
0x6c: {  	_ =	shalt  }
0x6d: {  	_ =	shalt  }
0x6e: {  	_ =	shalt  }
0x6f: {  	_ =	shalt  }
0x70: {  	_ =	shalt  }
0x71: {  	_ =	shalt  }
0x72: {  	_ =	shalt  }
0x73: {  	_ =	shalt  }
0x74: {  	_ =	shalt  }
0x75: {  	_ =	shalt  }
0x76: {  	_ =	shalt  }
0x77: {  	_ =	shalt  }
0x78: {  	_ =	shalt  }
0x79: {  	_ =	shalt  }
0x7a: {  	_ =	shalt  }
0x7b: {  	_ =	shalt  }
0x7c: {  	_ =	shalt  }
0x7d: {  	_ =	shalt  }
0x7e: {  	_ =	shalt  }
0x7f: {  	_ =	shalt  }
0x80: {  	_ =	shalt  }
0x81: {  	_ =	shalt  }
0x82: {  	_ =	shalt  }
0x83: {  	_ =	shalt  }
0x84: {  	_ =	shalt  }
0x85: {  	_ =	shalt  }
0x86: {  	_ =	shalt  }
0x87: {  	_ =	shalt  }
.Lfunc_end0:
.L_simem_size_0:
called_computation_lowered:
.L_overlay_start_0:
0x88: {  	s2 =	sld [smem:$0x3FD9]  }
0x89: {  	s3 =	sld [smem:$0x3FFE];
	_ =	sdelay $0x1  }
0x8a: {  	s1 =	srdreg.scid  }
0x8b: {  	s0 =	sand.u32 $0x1, s1  }
0x8c: {  	s17 =	sshll.u32 s0, $0xA;
	s2 =	sadd.s32 s3, s2  }
0x8d: {  	s2 =	sadd.s32 s2, s17  }
0x8e: {  	[smem:$0x3FC5] =	sst s2  }
0x8f: {  	_ = 	snop  }
0x90: {  	s2 =	sld [smem:$0x3FC9]  }
0x91: {  	s18 =	sld [smem:$0x3FD0];
	(tm) =	ssettm $0x1  }
0x92: {  	s4 =	sld [smem:$0x3FFB];
	_ =	sdelay $0x3  }
0x93: {  	_ =	strace s4  }
0x94: {  	s4 =	sld [smem:$0x3FFC];
	_ =	sdelay $0x3  }
0x95: {  	_ =	strace s4  }
0x96: {  	s4 =	sld [smem:$0x3FFD];
	_ =	sdelay $0x3  }
0x97: {  	_ =	strace s4  }
0x98: {  	_ =	strace $0x8FFFFFFF  }
0x99: {  	s19 =	sld [smem:$0x3FDB];
	_ =	sdelay $0x1  }
0x9a: {  	s5 =	simm.s32 $_scs_section_size  }
0x9b: {  	s6 =	simm.s32 $_size__tile_overlayer_lowered;
	s7 =	simm.s32 $_tile_overlayer_lowered  }
0x9c: {  	s22 =	simm.s32 $0x1BFF;
	s21 =	sshll.u32 s7, $0x1;
	s4 =	sadd.s32 s5, s19  }
0x9d: {  	s8 =	simm.s32 $0x0;
	s20 =	sshll.u32 s6, $0x1;
	s6 =	sadd.s32 s21, s4  }
0x9e: {  	[timem:s8], [sflag:s22] =	dma.local [hbm:s6], s20  }
0x9f: {  	_ =	swait.ge [sflag:s22], s20  }
0xa0: {  	s5 =	ssub.s32 $0x0, s20;
	[sflag:s22] =	ssyncset.done $0x0  }
0xa1: {  	[sflag:s22] =	ssyncadd.s32 s5;
	_ =	sdelay $0x1  }
0xa2: {  	s23 =	simm.s32 $0x1B8B  }
0xa3: {  	_ =	swait.ge [sflag:s23], $0x1  }
0xa4: {  	[sflag:s23] =	ssyncset.done $0x0  }
0xa5: {  	s25 =	simm.s32 $0x1B8E;
	s24 =	sld [smem:$0x3FFE];
	[sflag:s23] =	ssyncadd.s32 $0xFFFFFFFF  }
0xa6: {  	s26 =	simm.s32 $execute0_lowered;
	[smem:$0x3FD2] =	sst s25  }
0xa7: {  	s6 =	sshll.u32 s26, $0x1;
	_ =	strace $0x80000046;
	[dreg:$0x1] =	wrdreg $0xFFFFFFFF  }
0xa8: {  	s28 =	simm.s32 $_size_execute0_lowered;
	s4 =	sadd.s32 s4, s6;
	[dreg:$0x0] =	wrdreg $0x0  }
0xa9: {  	s6 =	sshll.u32 s28, $0x1;
	[dreg:$0x2] =	wrdreg s4  }
0xaa: {  	[dreg:$0x3] =	wrdreg s6  }
0xab: {  	[dreg:$0x4] =	wrdreg $0xC0  }
0xac: {  	_ =	task [dreg:s8], $0x5FFFF  }
0xad: {  	[dreg:$0x1] =	wrdreg $0xFFFFFFFF  }
0xae: {  	[dreg:$0x0] =	wrdreg $0x60  }
0xaf: {  	[dreg:$0x2] =	wrdreg s24  }
0xb0: {  	[dreg:$0x3] =	wrdreg s18  }
0xb1: {  	[dreg:$0x4] =	wrdreg s2  }
0xb2: {  	[dreg:$0x5] =	wrdreg $0x69000  }
0xb3: {  	[dreg:$0x6] =	wrdreg $0x9  }
0xb4: {  	_ =	task.clear_ibuf [dreg:s8], $0x7FFFF;
	_ =	strace $0x90000046  }
0xb5: {  	s29 =	simm.s32 $0x9;
	_ =	strace $0x80000048  }
0xb6: {  	_ =	swait.ge [sflag:s29], $0x1  }
0xb7: {  	[sflag:s29] =	ssyncadd.s32 $0xFFFFFFFF  }
0xb8: {  	_ =	strace $0x90000048  }
0xb9: {  	_ =	sfence  }
0xba: {  	s30 =	sld [smem:$0x0];
	_ =	sdelay $0x2  }
0xbb: {  	s31 =	sshll.u32 s1, $0xD;
	s1 =	sshrl.u32 s1, $0x2  }
0xbc: {  	s3 =	sand.u32 $0x4000, s31;
	s1 =	sadd.s32 s1, s30  }
0xbd: {  	s0 =	sor.u32 s3, s0;
	s1 =	sshll.u32 s1, $0x11  }
0xbe: {  	s0 =	sor.u32 s1, s0  }
0xbf: {  	s0 =	sadd.s32 $0x8F2B, s0  }
0xc0: {  	[sflag:s0] =	ssyncadd.remote.s32 $0x1  }
0xc1: {  	_ =	sfence.sel $0xFFFF  }
0xc2: {  	[dreg:$0x0] =	wrdreg $0xFFFFFFFF;
	(pc) =	sbr.abs _section_cstart, $3  }
0xc3: {  	[dreg:$0x1] =	wrdreg $0xFFFFFFFF  }
0xc4: {  	_ =	task.clear_ibuf [dreg:s8], $0x2FFFF;
	_ =	strace $0x9FFFFFFF  }
0xc5: {  	(tm) =	ssettm $0x7FFFFFFF  }
tec
execute0_lowered:
.L_overlay_start_1:
0x0: {  	(tag) =	ssettag $0x1  }
0x1: {  	s1 =	rddreg [dreg:$0x0]  }
0x2: {  	s0 =	rddreg [dreg:$0x1]  }
0x3: {  	s2 =	rddreg [dreg:$0x2]  }
0x4: {  	s3 =	rddreg [dreg:$0x3];
	s4 =	simm.s32 $0x0  }
0x5: {  	s17 =	srdreg.scid;
	s24 =	stileid.u32;
	s31 =	simm.s32 $0x4080  }
0x6: {  	[smem:$0x7FF] =	sst s4;
	s6 =	sadd.s32 $0x9E00, s1;
	s4 =	sand.u32 $0x1, s17  }
0x7: {  	s5 =	sshll.u32 s24, $0x1;
	s7 =	smul.u32 $0x4E000, s24;
	s9 =	sadd.s32 $0x13C00, s1  }
0x8: {  	s23 =	smul.u32 $0x13800, s24;
	p0 =	sne.s32 s24, $0xF;
	s30 =	sadd.s32 $0x138000, s3  }
0x9: {  	_ =	strace $0x80000047;
	s8 =	ssub.s32 $0x2, s4;
	s5 =	sor.u32 s4, s5  }
0xa: {  	s20 =	smul.u32 $0x138800, s4;
	s10 =	sshrl.u32 s8, $0x1;
	s11 =	sshll.u32 s5, $0xB  }
0xb: {  	s7 =	sshrl.u32 s7, $0x2;
	s26 =	sadd.s32 $0x6800, s23;
	s4 =	sadd.s32 $0xD000, s23  }
0xc: {  	s10 =	ssub.s32 s8, s10;
	s0 =	sadd.s32 s0, s11;
	s8 =	sadd.s32 s7, s3  }
0xd: {  	s25 =	sadd.s32 s23, s20;
	s12 =	sadd.s32 s20, s26;
	s23 =	sadd.s32 s20, s4  }
0xe: {  	s26 =	sadd.s32 s26, s3;
	s4 =	sadd.s32 s4, s3;
	[dreg:$0x5] =	wrdreg s0  }
0xf: {  	s18 =	sadd.s32 $0x1800, s8;
	s19 =	sadd.s32 $0x3000, s8;
	s21 =	sadd.s32 $0x4800, s8  }
0x10: {  	s22 =	sadd.s32 $0x6000, s8;
	s13 =	sadd.s32 $0x7800, s8;
	s14 =	sadd.s32 $0x9000, s8  }
0x11: {  	s15 =	sadd.s32 $0xA800, s8;
	s16 =	sadd.s32 $0xC000, s8;
	s7 =	sshrl.u32 s25, $0x3  }
0x12: {  	s25 =	sshrl.u32 s23, $0x3;
	s0 =	sshrl.u32 s20, $0x3;
	[dreg:$0x6] =	wrdreg s18  }
0x13: {  	s20 =	sadd.s32 $0xD800, s8;
	s23 =	smax.u32 s10, $0x1;
	[dreg:$0x7] =	wrdreg s19  }
0x14: {  	v0 =	vimm.f32 $0.0e+00;
	v1 =	vimm.s32 $0x0;
	s24 =	sshrl.u32 s26, $0x3;
	s26 =	sadd.s32 $0xF000, s8;
	[dreg:$0x8] =	wrdreg s21  }
0x15: {  	v2 =	vimm.s32 $0x1;
	v3 =	vimm.s32 $0x2;
	v4 =	vimm.s32 $0x3;
	s28 =	sadd.s32 $0x10800, s8;
	s29 =	sadd.s32 $0x12000, s8;
	[dreg:$0x9] =	wrdreg s22  }
0x16: {  	v5 =	vimm.s32 $0x4;
	v6 =	vimm.s32 $0x5;
	v7 =	vimm.s32 $0x6;
	s17 =	sadd.s32 s9, s7;
	s22 =	sshrl.u32 s12, $0x3;
	s19 =	sadd.s32 s9, s25  }
0x17: {  	v8 =	vimm.s32 $0x7;
	v9 =	vimm.s32 $0x8;
	v10 =	vimm.s32 $0x9;
	s0 =	sadd.s32 s9, s0;
	s21 =	smul.u32 $0x2710, s5;
	s25 =	sshrl.u32 s4, $0x3  }
0x18: {  	v11 =	vimm.s32 $0xA;
	v12 =	vimm.s32 $0xB;
	v13 =	vimm.s32 $0xC;
	s4 =	simm.s32 $0x4100;
	s5 =	simm.s32 $0x50;
	s7 =	simm.s32 $0x0  }
0x19: {  	v14 =	vimm.s32 $0xD;
	v15 =	vimm.s32 $0xE;
	v16 =	vimm.s32 $0xF;
	s18 =	sadd.s32 s9, s22;
	s22 =	sadd.s32 $0x27000, s0;
	s0 =	simm.s32 $0x1  }
.LBB2_1:
0x1a: {  	s9 =	simm.s32 $0x0;
	s10 =	rddreg [dreg:$0x5];
	s11 =	simm.s32 $0x80  }
0x1b: {  	[tilespmem:s11], [sflag:$0x1] =	stream.linear.gather [hbm4b:s10+s9], $0x3E80, $0x38;
	[tilespmem:$0x1A180] =	vst v63  }
0x1c: {  	_ =	swait.ge [sflag:s0], $0x3E80  }
0x1d: {  	[sflag:s0] =	ssyncset.done $0x0  }
0x1e: {  	s9 =	simm.s32 $0x0;
	s10 =	simm.s32 $0x200;
	[sflag:s0] =	ssyncadd.s32 $0xFFFFC180  }
.LBB2_2:
0x1f: {  	p1 =	sne.s32 s10, $0x5E00;
	[tilespmem:s9+$0x4170] =	vst v0  }
0x20: {  	[tilespmem:s9+$0x4100] =	vst v0  }
0x21: {  	[tilespmem:s9+$0x4110] =	vst v0  }
.Ltmp0:
0x22: {  	[tilespmem:s9+$0x4120] =	vst v0;
	(pc) =	sbr.rel @p1 .LBB2_2-.Ltmp0, $4  }
0x23: {  	[tilespmem:s9+$0x4130] =	vst v0  }
0x24: {  	[tilespmem:s9+$0x4140] =	vst v0  }
0x25: {  	[tilespmem:s9+$0x4150] =	vst v0  }
0x26: {  	[tilespmem:s9+$0x4160] =	vst v0;
	s9 =	sshra.s32 s10, $0x2;
	s10 =	sadd.s32 $0x200, s10  }
0x27: {  	[tilespmem:s9+$0x4170] =	vst v0  }
0x28: {  	[tilespmem:s9+$0x4100] =	vst v0  }
0x29: {  	[tilespmem:s9+$0x4110] =	vst v0  }
0x2a: {  	[tilespmem:s9+$0x4120] =	vst v0  }
0x2b: {  	[tilespmem:s9+$0x4130] =	vst v0  }
0x2c: {  	[tilespmem:s9+$0x4140] =	vst v0  }
0x2d: {  	[tilespmem:s9+$0x4150] =	vst v0  }
0x2e: {  	[tilespmem:s9+$0x4160] =	vst v0  }
0x2f: {  	[spmem:s8] =	stream.linear.scatter [tilespmem:s4], [sflag:$0x1], $0x1800, $0x38;
	[tilespmem:$0x1A180] =	vst v63  }
0x30: {  	_ =	swait.ge [sflag:s0], $0x1800  }
0x31: {  	[sflag:s0] =	ssyncset.done $0x0  }
0x32: {  	s12 =	rddreg [dreg:$0x6];
	[sflag:s0] =	ssyncadd.s32 $0xFFFFE800  }
0x33: {  	[spmem:s12] =	stream.linear.scatter [tilespmem:s4], [sflag:$0x1], $0x1800, $0x38;
	[tilespmem:$0x1A180] =	vst v63  }
0x34: {  	_ =	swait.ge [sflag:s0], $0x1800  }
0x35: {  	[sflag:s0] =	ssyncset.done $0x0  }
0x36: {  	s10 =	rddreg [dreg:$0x7];
	[sflag:s0] =	ssyncadd.s32 $0xFFFFE800  }
0x37: {  	[spmem:s10] =	stream.linear.scatter [tilespmem:s4], [sflag:$0x1], $0x1800, $0x38;
	[tilespmem:$0x1A180] =	vst v63  }
0x38: {  	_ =	swait.ge [sflag:s0], $0x1800  }
0x39: {  	[sflag:s0] =	ssyncset.done $0x0  }
0x3a: {  	s11 =	rddreg [dreg:$0x8];
	[sflag:s0] =	ssyncadd.s32 $0xFFFFE800  }
0x3b: {  	[spmem:s11] =	stream.linear.scatter [tilespmem:s4], [sflag:$0x1], $0x1800, $0x38;
	[tilespmem:$0x1A180] =	vst v63  }
0x3c: {  	_ =	swait.ge [sflag:s0], $0x1800  }
0x3d: {  	[sflag:s0] =	ssyncset.done $0x0  }
0x3e: {  	s12 =	rddreg [dreg:$0x9];
	[sflag:s0] =	ssyncadd.s32 $0xFFFFE800  }
0x3f: {  	[spmem:s12] =	stream.linear.scatter [tilespmem:s4], [sflag:$0x1], $0x1800, $0x38;
	[tilespmem:$0x1A180] =	vst v63  }
0x40: {  	_ =	swait.ge [sflag:s0], $0x1800  }
0x41: {  	[sflag:s0] =	ssyncset.done $0x0  }
0x42: {  	[sflag:s0] =	ssyncadd.s32 $0xFFFFE800  }
0x43: {  	[spmem:s13] =	stream.linear.scatter [tilespmem:s4], [sflag:$0x1], $0x1800, $0x38;
	[tilespmem:$0x1A180] =	vst v63  }
0x44: {  	_ =	swait.ge [sflag:s0], $0x1800  }
0x45: {  	[sflag:s0] =	ssyncset.done $0x0  }
0x46: {  	[sflag:s0] =	ssyncadd.s32 $0xFFFFE800  }
0x47: {  	[spmem:s14] =	stream.linear.scatter [tilespmem:s4], [sflag:$0x1], $0x1800, $0x38;
	[tilespmem:$0x1A180] =	vst v63  }
0x48: {  	_ =	swait.ge [sflag:s0], $0x1800  }
0x49: {  	[sflag:s0] =	ssyncset.done $0x0  }
0x4a: {  	[sflag:s0] =	ssyncadd.s32 $0xFFFFE800  }
0x4b: {  	[spmem:s15] =	stream.linear.scatter [tilespmem:s4], [sflag:$0x1], $0x1800, $0x38;
	[tilespmem:$0x1A180] =	vst v63  }
0x4c: {  	_ =	swait.ge [sflag:s0], $0x1800  }
0x4d: {  	[sflag:s0] =	ssyncset.done $0x0  }
0x4e: {  	[sflag:s0] =	ssyncadd.s32 $0xFFFFE800  }
0x4f: {  	[spmem:s16] =	stream.linear.scatter [tilespmem:s4], [sflag:$0x1], $0x1800, $0x38;
	[tilespmem:$0x1A180] =	vst v63  }
0x50: {  	_ =	swait.ge [sflag:s0], $0x1800  }
0x51: {  	[sflag:s0] =	ssyncset.done $0x0  }
0x52: {  	[sflag:s0] =	ssyncadd.s32 $0xFFFFE800  }
0x53: {  	[spmem:s20] =	stream.linear.scatter [tilespmem:s4], [sflag:$0x1], $0x1800, $0x38;
	[tilespmem:$0x1A180] =	vst v63  }
0x54: {  	_ =	swait.ge [sflag:s0], $0x1800  }
0x55: {  	[sflag:s0] =	ssyncset.done $0x0  }
0x56: {  	[sflag:s0] =	ssyncadd.s32 $0xFFFFE800  }
0x57: {  	[spmem:s26] =	stream.linear.scatter [tilespmem:s4], [sflag:$0x1], $0x1800, $0x38;
	[tilespmem:$0x1A180] =	vst v63  }
0x58: {  	_ =	swait.ge [sflag:s0], $0x1800  }
0x59: {  	[sflag:s0] =	ssyncset.done $0x0  }
0x5a: {  	[sflag:s0] =	ssyncadd.s32 $0xFFFFE800  }
0x5b: {  	[spmem:s28] =	stream.linear.scatter [tilespmem:s4], [sflag:$0x1], $0x1800, $0x38;
	[tilespmem:$0x1A180] =	vst v63  }
0x5c: {  	_ =	swait.ge [sflag:s0], $0x1800  }
0x5d: {  	[sflag:s0] =	ssyncset.done $0x0  }
0x5e: {  	[sflag:s0] =	ssyncadd.s32 $0xFFFFE800  }
0x5f: {  	[spmem:s29] =	stream.linear.scatter [tilespmem:s4], [sflag:$0x1], $0x1800, $0x38;
	[tilespmem:$0x1A180] =	vst v63  }
0x60: {  	_ =	swait.ge [sflag:s0], $0x1800  }
0x61: {  	[sflag:s0] =	ssyncset.done $0x0  }
0x62: {  	s9 =	simm.s32 @!p0 $0x4100;
	[sflag:s0] =	ssyncadd.s32 $0xFFFFE800  }
0x63: {  	[spmem:s30] =	stream.linear.scatter @!p0 [tilespmem:s9], [sflag:$0x1], $0x800, $0x38;
	[tilespmem:$0x1A180] =	vst v63  }
0x64: {  	s9 =	simm.s32 @!p0 $0x1  }
0x65: {  	_ =	swait.ge @!p0 [sflag:s9], $0x800  }
0x66: {  	[sflag:s9] =	ssyncset.done @!p0 $0x0  }
0x67: {  	[sflag:s9] =	ssyncadd.s32 @!p0 $0xFFFFF800  }
0x68: {  	s10 =	simm.s32 $0x0;
	s9 =	simm.s32 $0x0;
	[bflag:$0x0] =	sbarrier.arrive $0xFFFF  }
.LBB2_4:
0x69: {  	s11 =	smul.u32 $0x50, s10;
	_ =	sdelay $0x1  }
0x6a: {  	s11 =	sadd.s32 s21, s11  }
0x6b: {  	s11 =	sshrl.u32 s11, $0x3  }
0x6c: {  	s12 =	sadd.s32 s1, s11  }
0x6d: {  	[tilespmem:s9], [sflag:$0x1] =	stream.linear.gather [hbm4b:s12+s9], $0x50, $0x38;
	[tilespmem:$0x1A180] =	vst v63  }
0x6e: {  	_ =	swait.ge [sflag:s0], $0x50  }
0x6f: {  	[sflag:s0] =	ssyncset.done $0x0  }
0x70: {  	s11 =	sadd.s32 s6, s11;
	[sflag:s0] =	ssyncadd.s32 $0xFFFFFFB0  }
0x71: {  	[tilespmem:s31], [sflag:$0x1] =	stream.linear.gather [hbm4b:s11+s9], $0x50, $0x38;
	[tilespmem:$0x1A180] =	vst v63  }
0x72: {  	_ =	swait.ge [sflag:s0], $0x50  }
0x73: {  	[sflag:s0] =	ssyncset.done $0x0  }
0x74: {  	[sflag:s0] =	ssyncadd.s32 $0xFFFFFFB0  }
0x75: {  	[tilespmem:s4], [sflag:$0x1] =	stream.indirect.gather [hbm4b:s2+s5], $0x80, s9, s5, $0xb8;
	[tilespmem:$0x1A180] =	vst v63  }
0x76: {  	_ =	swait.ge [sflag:s0], $0x2800  }
0x77: {  	[sflag:s0] =	ssyncset.done $0x0  }
0x78: {  	s11 =	simm.s32 $0x0;
	[sflag:s0] =	ssyncadd.s32 $0xFFFFD800  }
.LBB2_5:
0x79: {  	s12 =	sshll.u32 s11, $0x4  }
0x7a: {  	s12 =	sand.u32 $0x3FFFFFF0, s12  }
0x7b: {  	v17 =	vld [tilespmem:s12+$0x4080];
	s12 =	sshll.u32 s11, $0xB  }
0x7c: {  	s12 =	sand.u32 $0x3FFFF800, s12  }
0x7d: {  	v18 =	vld [tilespmem:s12+$0x4100]  }
0x7e: {  	v19 =	vld [tilespmem:s12+$0x4110]  }
0x7f: {  	v20 =	vld [tilespmem:s12+$0x4120]  }
0x80: {  	v22 =	vld [tilespmem:s12+$0x4130];
	v21 =	vperm.xlane v17, v1  }
0x81: {  	v23 =	vld [tilespmem:s12+$0x4140]  }
0x82: {  	v24 =	vld [tilespmem:s12+$0x4150];
	v18 =	vmul.f32 v18, v21  }
0x83: {  	v25 =	vld [tilespmem:s12+$0x4160];
	v19 =	vmul.f32 v19, v21  }
0x84: {  	v38 =	vld [tilespmem:s12+$0x4170];
	[tilespmem:s12+$0x4100] =	vst v18;
	v18 =	vmul.f32 v20, v21  }
0x85: {  	v39 =	vld [tilespmem:s12+$0x4180];
	[tilespmem:s12+$0x4110] =	vst v19;
	v19 =	vmul.f32 v22, v21  }
0x86: {  	v40 =	vld [tilespmem:s12+$0x4190];
	[tilespmem:s12+$0x4120] =	vst v18;
	v18 =	vmul.f32 v23, v21  }
0x87: {  	v41 =	vld [tilespmem:s12+$0x41A0];
	[tilespmem:s12+$0x4130] =	vst v19;
	v19 =	vmul.f32 v24, v21  }
0x88: {  	v26 =	vld [tilespmem:s12+$0x41B0];
	v42 =	vperm.xlane v17, v2;
	[tilespmem:s12+$0x4140] =	vst v18;
	v18 =	vmul.f32 v25, v21  }
0x89: {  	v43 =	vld [tilespmem:s12+$0x41C0];
	[tilespmem:s12+$0x4150] =	vst v19;
	v19 =	vmul.f32 v38, v21  }
0x8a: {  	v44 =	vld [tilespmem:s12+$0x41D0];
	[tilespmem:s12+$0x4160] =	vst v18;
	v18 =	vmul.f32 v39, v42  }
0x8b: {  	v45 =	vld [tilespmem:s12+$0x41E0];
	[tilespmem:s12+$0x4170] =	vst v19;
	v19 =	vmul.f32 v40, v42  }
0x8c: {  	v46 =	vld [tilespmem:s12+$0x41F0];
	[tilespmem:s12+$0x4180] =	vst v18;
	v18 =	vmul.f32 v41, v42  }
0x8d: {  	v47 =	vld [tilespmem:s12+$0x4200];
	[tilespmem:s12+$0x4190] =	vst v19;
	v19 =	vmul.f32 v26, v42  }
0x8e: {  	v48 =	vld [tilespmem:s12+$0x4210];
	[tilespmem:s12+$0x41A0] =	vst v18;
	v18 =	vmul.f32 v43, v42  }
0x8f: {  	v49 =	vld [tilespmem:s12+$0x4220];
	[tilespmem:s12+$0x41B0] =	vst v19;
	v19 =	vmul.f32 v44, v42  }
0x90: {  	v51 =	vld [tilespmem:s12+$0x4230];
	v50 =	vperm.xlane v17, v3;
	[tilespmem:s12+$0x41C0] =	vst v18;
	v18 =	vmul.f32 v45, v42  }
0x91: {  	v52 =	vld [tilespmem:s12+$0x4240];
	[tilespmem:s12+$0x41D0] =	vst v19;
	v19 =	vmul.f32 v46, v42  }
0x92: {  	v53 =	vld [tilespmem:s12+$0x4250];
	[tilespmem:s12+$0x41E0] =	vst v18;
	v18 =	vmul.f32 v47, v50  }
0x93: {  	v54 =	vld [tilespmem:s12+$0x4260];
	[tilespmem:s12+$0x41F0] =	vst v19;
	v19 =	vmul.f32 v48, v50  }
0x94: {  	v55 =	vld [tilespmem:s12+$0x4270];
	[tilespmem:s12+$0x4200] =	vst v18;
	v18 =	vmul.f32 v49, v50  }
0x95: {  	v56 =	vld [tilespmem:s12+$0x4280];
	[tilespmem:s12+$0x4210] =	vst v19;
	v19 =	vmul.f32 v51, v50  }
0x96: {  	v57 =	vld [tilespmem:s12+$0x4290];
	[tilespmem:s12+$0x4220] =	vst v18;
	v18 =	vmul.f32 v52, v50  }
0x97: {  	v58 =	vld [tilespmem:s12+$0x42A0];
	[tilespmem:s12+$0x4230] =	vst v19;
	v19 =	vmul.f32 v53, v50  }
0x98: {  	v60 =	vld [tilespmem:s12+$0x42B0];
	v59 =	vperm.xlane v17, v4;
	[tilespmem:s12+$0x4240] =	vst v18;
	v18 =	vmul.f32 v54, v50  }
0x99: {  	v61 =	vld [tilespmem:s12+$0x42C0];
	[tilespmem:s12+$0x4250] =	vst v19;
	v19 =	vmul.f32 v55, v50  }
0x9a: {  	v62 =	vld [tilespmem:s12+$0x42D0];
	[tilespmem:s12+$0x4260] =	vst v18;
	v18 =	vmul.f32 v56, v59  }
0x9b: {  	v63 =	vld [tilespmem:s12+$0x42E0];
	[tilespmem:s12+$0x4270] =	vst v19;
	v19 =	vmul.f32 v57, v59  }
0x9c: {  	v28 =	vld [tilespmem:s12+$0x42F0];
	[tilespmem:s12+$0x4280] =	vst v18;
	v18 =	vmul.f32 v58, v59  }
0x9d: {  	v29 =	vld [tilespmem:s12+$0x4300];
	[tilespmem:s12+$0x4290] =	vst v19;
	v19 =	vmul.f32 v60, v59  }
0x9e: {  	v30 =	vld [tilespmem:s12+$0x4310];
	[tilespmem:s12+$0x42A0] =	vst v18;
	v18 =	vmul.f32 v61, v59  }
0x9f: {  	v31 =	vld [tilespmem:s12+$0x4320];
	[tilespmem:s12+$0x42B0] =	vst v19;
	v19 =	vmul.f32 v62, v59  }
0xa0: {  	v33 =	vld [tilespmem:s12+$0x4330];
	v32 =	vperm.xlane v17, v5;
	[tilespmem:s12+$0x42C0] =	vst v18;
	v18 =	vmul.f32 v63, v59  }
0xa1: {  	v34 =	vld [tilespmem:s12+$0x4340];
	[tilespmem:s12+$0x42D0] =	vst v19;
	v19 =	vmul.f32 v28, v59  }
0xa2: {  	v35 =	vld [tilespmem:s12+$0x4350];
	[tilespmem:s12+$0x42E0] =	vst v18;
	v18 =	vmul.f32 v29, v32  }
0xa3: {  	v36 =	vld [tilespmem:s12+$0x4360];
	[tilespmem:s12+$0x42F0] =	vst v19;
	v19 =	vmul.f32 v30, v32  }
0xa4: {  	v37 =	vld [tilespmem:s12+$0x4370];
	[tilespmem:s12+$0x4300] =	vst v18;
	v18 =	vmul.f32 v31, v32  }
0xa5: {  	v38 =	vld [tilespmem:s12+$0x4380];
	[tilespmem:s12+$0x4310] =	vst v19;
	v19 =	vmul.f32 v33, v32  }
0xa6: {  	v39 =	vld [tilespmem:s12+$0x4390];
	[tilespmem:s12+$0x4320] =	vst v18;
	v18 =	vmul.f32 v34, v32  }
0xa7: {  	v40 =	vld [tilespmem:s12+$0x43A0];
	[tilespmem:s12+$0x4330] =	vst v19;
	v19 =	vmul.f32 v35, v32  }
0xa8: {  	v41 =	vperm.xlane v17, v6;
	v42 =	vld [tilespmem:s12+$0x43B0];
	[tilespmem:s12+$0x4340] =	vst v18;
	v18 =	vmul.f32 v36, v32  }
0xa9: {  	v43 =	vld [tilespmem:s12+$0x43C0];
	[tilespmem:s12+$0x4350] =	vst v19;
	v19 =	vmul.f32 v37, v32  }
0xaa: {  	v44 =	vld [tilespmem:s12+$0x43D0];
	[tilespmem:s12+$0x4360] =	vst v18;
	v18 =	vmul.f32 v38, v41  }
0xab: {  	v45 =	vld [tilespmem:s12+$0x43E0];
	[tilespmem:s12+$0x4370] =	vst v19;
	v19 =	vmul.f32 v39, v41  }
0xac: {  	v46 =	vld [tilespmem:s12+$0x43F0];
	[tilespmem:s12+$0x4380] =	vst v18;
	v18 =	vmul.f32 v40, v41  }
0xad: {  	v47 =	vld [tilespmem:s12+$0x4400];
	[tilespmem:s12+$0x4390] =	vst v19;
	v19 =	vmul.f32 v42, v41  }
0xae: {  	v48 =	vld [tilespmem:s12+$0x4410];
	[tilespmem:s12+$0x43A0] =	vst v18;
	v18 =	vmul.f32 v43, v41  }
0xaf: {  	v49 =	vld [tilespmem:s12+$0x4420];
	[tilespmem:s12+$0x43B0] =	vst v19;
	v19 =	vmul.f32 v44, v41  }
0xb0: {  	v51 =	vld [tilespmem:s12+$0x4430];
	v50 =	vperm.xlane v17, v7;
	[tilespmem:s12+$0x43C0] =	vst v18;
	v18 =	vmul.f32 v45, v41  }
0xb1: {  	v52 =	vld [tilespmem:s12+$0x4440];
	[tilespmem:s12+$0x43D0] =	vst v19;
	v19 =	vmul.f32 v46, v41  }
0xb2: {  	v53 =	vld [tilespmem:s12+$0x4450];
	[tilespmem:s12+$0x43E0] =	vst v18;
	v18 =	vmul.f32 v47, v50  }
0xb3: {  	v54 =	vld [tilespmem:s12+$0x4460];
	[tilespmem:s12+$0x43F0] =	vst v19;
	v19 =	vmul.f32 v48, v50  }
0xb4: {  	v55 =	vld [tilespmem:s12+$0x4470];
	[tilespmem:s12+$0x4400] =	vst v18;
	v18 =	vmul.f32 v49, v50  }
0xb5: {  	v56 =	vld [tilespmem:s12+$0x4480];
	[tilespmem:s12+$0x4410] =	vst v19;
	v19 =	vmul.f32 v51, v50  }
0xb6: {  	v57 =	vld [tilespmem:s12+$0x4490];
	[tilespmem:s12+$0x4420] =	vst v18;
	v18 =	vmul.f32 v52, v50  }
0xb7: {  	v58 =	vld [tilespmem:s12+$0x44A0];
	[tilespmem:s12+$0x4430] =	vst v19;
	v19 =	vmul.f32 v53, v50  }
0xb8: {  	v60 =	vld [tilespmem:s12+$0x44B0];
	v59 =	vperm.xlane v17, v8;
	[tilespmem:s12+$0x4440] =	vst v18;
	v18 =	vmul.f32 v54, v50  }
0xb9: {  	v61 =	vld [tilespmem:s12+$0x44C0];
	[tilespmem:s12+$0x4450] =	vst v19;
	v19 =	vmul.f32 v55, v50  }
0xba: {  	v62 =	vld [tilespmem:s12+$0x44D0];
	[tilespmem:s12+$0x4460] =	vst v18;
	v18 =	vmul.f32 v56, v59  }
0xbb: {  	v63 =	vld [tilespmem:s12+$0x44E0];
	[tilespmem:s12+$0x4470] =	vst v19;
	v19 =	vmul.f32 v57, v59  }
0xbc: {  	v28 =	vld [tilespmem:s12+$0x44F0];
	[tilespmem:s12+$0x4480] =	vst v18;
	v18 =	vmul.f32 v58, v59  }
0xbd: {  	v29 =	vld [tilespmem:s12+$0x4500];
	[tilespmem:s12+$0x4490] =	vst v19;
	v19 =	vmul.f32 v60, v59  }
0xbe: {  	v30 =	vld [tilespmem:s12+$0x4510];
	[tilespmem:s12+$0x44A0] =	vst v18;
	v18 =	vmul.f32 v61, v59  }
0xbf: {  	v31 =	vld [tilespmem:s12+$0x4520];
	[tilespmem:s12+$0x44B0] =	vst v19;
	v19 =	vmul.f32 v62, v59  }
0xc0: {  	v33 =	vld [tilespmem:s12+$0x4530];
	v32 =	vperm.xlane v17, v9;
	[tilespmem:s12+$0x44C0] =	vst v18;
	v18 =	vmul.f32 v63, v59  }
0xc1: {  	v34 =	vld [tilespmem:s12+$0x4540];
	[tilespmem:s12+$0x44D0] =	vst v19;
	v19 =	vmul.f32 v28, v59  }
0xc2: {  	v35 =	vld [tilespmem:s12+$0x4550];
	[tilespmem:s12+$0x44E0] =	vst v18;
	v18 =	vmul.f32 v29, v32  }
0xc3: {  	v36 =	vld [tilespmem:s12+$0x4560];
	[tilespmem:s12+$0x44F0] =	vst v19;
	v19 =	vmul.f32 v30, v32  }
0xc4: {  	v37 =	vld [tilespmem:s12+$0x4570];
	[tilespmem:s12+$0x4500] =	vst v18;
	v18 =	vmul.f32 v31, v32  }
0xc5: {  	v38 =	vld [tilespmem:s12+$0x4580];
	[tilespmem:s12+$0x4510] =	vst v19;
	v19 =	vmul.f32 v33, v32  }
0xc6: {  	v39 =	vld [tilespmem:s12+$0x4590];
	[tilespmem:s12+$0x4520] =	vst v18;
	v18 =	vmul.f32 v34, v32  }
0xc7: {  	v40 =	vld [tilespmem:s12+$0x45A0];
	[tilespmem:s12+$0x4530] =	vst v19;
	v19 =	vmul.f32 v35, v32  }
0xc8: {  	v42 =	vld [tilespmem:s12+$0x45B0];
	v41 =	vperm.xlane v17, v10;
	[tilespmem:s12+$0x4540] =	vst v18;
	v18 =	vmul.f32 v36, v32  }
0xc9: {  	v43 =	vld [tilespmem:s12+$0x45C0];
	[tilespmem:s12+$0x4550] =	vst v19;
	v19 =	vmul.f32 v37, v32  }
0xca: {  	v44 =	vld [tilespmem:s12+$0x45D0];
	[tilespmem:s12+$0x4560] =	vst v18;
	v18 =	vmul.f32 v38, v41  }
0xcb: {  	v45 =	vld [tilespmem:s12+$0x45E0];
	[tilespmem:s12+$0x4570] =	vst v19;
	v19 =	vmul.f32 v39, v41  }
0xcc: {  	v46 =	vld [tilespmem:s12+$0x45F0];
	[tilespmem:s12+$0x4580] =	vst v18;
	v18 =	vmul.f32 v40, v41  }
0xcd: {  	v47 =	vld [tilespmem:s12+$0x4600];
	[tilespmem:s12+$0x4590] =	vst v19;
	v19 =	vmul.f32 v42, v41  }
0xce: {  	v48 =	vld [tilespmem:s12+$0x4610];
	[tilespmem:s12+$0x45A0] =	vst v18;
	v18 =	vmul.f32 v43, v41  }
0xcf: {  	v49 =	vld [tilespmem:s12+$0x4620];
	[tilespmem:s12+$0x45B0] =	vst v19;
	v19 =	vmul.f32 v44, v41  }
0xd0: {  	v51 =	vld [tilespmem:s12+$0x4630];
	v50 =	vperm.xlane v17, v11;
	[tilespmem:s12+$0x45C0] =	vst v18;
	v18 =	vmul.f32 v45, v41  }
0xd1: {  	v52 =	vld [tilespmem:s12+$0x4640];
	[tilespmem:s12+$0x45D0] =	vst v19;
	v19 =	vmul.f32 v46, v41  }
0xd2: {  	v53 =	vld [tilespmem:s12+$0x4650];
	[tilespmem:s12+$0x45E0] =	vst v18;
	v18 =	vmul.f32 v47, v50  }
0xd3: {  	v54 =	vld [tilespmem:s12+$0x4660];
	[tilespmem:s12+$0x45F0] =	vst v19;
	v19 =	vmul.f32 v48, v50  }
0xd4: {  	v55 =	vld [tilespmem:s12+$0x4670];
	[tilespmem:s12+$0x4600] =	vst v18;
	v18 =	vmul.f32 v49, v50  }
0xd5: {  	v56 =	vld [tilespmem:s12+$0x4680];
	[tilespmem:s12+$0x4610] =	vst v19;
	v19 =	vmul.f32 v51, v50  }
0xd6: {  	v57 =	vld [tilespmem:s12+$0x4690];
	[tilespmem:s12+$0x4620] =	vst v18;
	v18 =	vmul.f32 v52, v50  }
0xd7: {  	v58 =	vld [tilespmem:s12+$0x46A0];
	[tilespmem:s12+$0x4630] =	vst v19;
	v19 =	vmul.f32 v53, v50  }
0xd8: {  	v60 =	vld [tilespmem:s12+$0x46B0];
	v59 =	vperm.xlane v17, v12;
	[tilespmem:s12+$0x4640] =	vst v18;
	v18 =	vmul.f32 v54, v50  }
0xd9: {  	v61 =	vld [tilespmem:s12+$0x46C0];
	[tilespmem:s12+$0x4650] =	vst v19;
	v19 =	vmul.f32 v55, v50  }
0xda: {  	v62 =	vld [tilespmem:s12+$0x46D0];
	[tilespmem:s12+$0x4660] =	vst v18;
	v18 =	vmul.f32 v56, v59  }
0xdb: {  	v63 =	vld [tilespmem:s12+$0x46E0];
	[tilespmem:s12+$0x4670] =	vst v19;
	v19 =	vmul.f32 v57, v59  }
0xdc: {  	v28 =	vld [tilespmem:s12+$0x46F0];
	[tilespmem:s12+$0x4680] =	vst v18;
	v18 =	vmul.f32 v58, v59  }
0xdd: {  	v29 =	vld [tilespmem:s12+$0x4700];
	[tilespmem:s12+$0x4690] =	vst v19;
	v19 =	vmul.f32 v60, v59  }
0xde: {  	v30 =	vld [tilespmem:s12+$0x4710];
	[tilespmem:s12+$0x46A0] =	vst v18;
	v18 =	vmul.f32 v61, v59  }
0xdf: {  	v31 =	vld [tilespmem:s12+$0x4720];
	[tilespmem:s12+$0x46B0] =	vst v19;
	v19 =	vmul.f32 v62, v59  }
0xe0: {  	v33 =	vld [tilespmem:s12+$0x4730];
	v32 =	vperm.xlane v17, v13;
	[tilespmem:s12+$0x46C0] =	vst v18;
	v18 =	vmul.f32 v63, v59  }
0xe1: {  	v34 =	vld [tilespmem:s12+$0x4740];
	[tilespmem:s12+$0x46D0] =	vst v19;
	v19 =	vmul.f32 v28, v59  }
0xe2: {  	v35 =	vld [tilespmem:s12+$0x4750];
	[tilespmem:s12+$0x46E0] =	vst v18;
	v18 =	vmul.f32 v29, v32  }
0xe3: {  	v36 =	vld [tilespmem:s12+$0x4760];
	[tilespmem:s12+$0x46F0] =	vst v19;
	v19 =	vmul.f32 v30, v32  }
0xe4: {  	v37 =	vld [tilespmem:s12+$0x4770];
	[tilespmem:s12+$0x4700] =	vst v18;
	v18 =	vmul.f32 v31, v32  }
0xe5: {  	v38 =	vld [tilespmem:s12+$0x4780];
	[tilespmem:s12+$0x4710] =	vst v19;
	v19 =	vmul.f32 v33, v32  }
0xe6: {  	v39 =	vld [tilespmem:s12+$0x4790];
	[tilespmem:s12+$0x4720] =	vst v18;
	v18 =	vmul.f32 v34, v32  }
0xe7: {  	v40 =	vld [tilespmem:s12+$0x47A0];
	[tilespmem:s12+$0x4730] =	vst v19;
	v19 =	vmul.f32 v35, v32  }
0xe8: {  	v42 =	vld [tilespmem:s12+$0x47B0];
	v41 =	vperm.xlane v17, v14;
	[tilespmem:s12+$0x4740] =	vst v18;
	v18 =	vmul.f32 v36, v32  }
0xe9: {  	v43 =	vld [tilespmem:s12+$0x47C0];
	[tilespmem:s12+$0x4750] =	vst v19;
	v19 =	vmul.f32 v37, v32  }
0xea: {  	v44 =	vld [tilespmem:s12+$0x47D0];
	[tilespmem:s12+$0x4760] =	vst v18;
	v18 =	vmul.f32 v38, v41  }
0xeb: {  	v45 =	vld [tilespmem:s12+$0x47E0];
	[tilespmem:s12+$0x4770] =	vst v19;
	v19 =	vmul.f32 v39, v41  }
0xec: {  	v46 =	vld [tilespmem:s12+$0x47F0];
	[tilespmem:s12+$0x4780] =	vst v18;
	v18 =	vmul.f32 v40, v41  }
0xed: {  	v47 =	vld [tilespmem:s12+$0x4800];
	[tilespmem:s12+$0x4790] =	vst v19;
	v19 =	vmul.f32 v42, v41  }
0xee: {  	v48 =	vld [tilespmem:s12+$0x4810];
	[tilespmem:s12+$0x47A0] =	vst v18;
	v18 =	vmul.f32 v43, v41  }
0xef: {  	v49 =	vld [tilespmem:s12+$0x4820];
	[tilespmem:s12+$0x47B0] =	vst v19;
	v19 =	vmul.f32 v44, v41  }
0xf0: {  	v51 =	vld [tilespmem:s12+$0x4830];
	v50 =	vperm.xlane v17, v15;
	[tilespmem:s12+$0x47C0] =	vst v18;
	v18 =	vmul.f32 v45, v41  }
0xf1: {  	v52 =	vld [tilespmem:s12+$0x4840];
	[tilespmem:s12+$0x47D0] =	vst v19;
	v19 =	vmul.f32 v46, v41  }
0xf2: {  	v53 =	vld [tilespmem:s12+$0x4850];
	[tilespmem:s12+$0x47E0] =	vst v18;
	v18 =	vmul.f32 v47, v50  }
0xf3: {  	v54 =	vld [tilespmem:s12+$0x4860];
	[tilespmem:s12+$0x47F0] =	vst v19;
	v19 =	vmul.f32 v48, v50  }
0xf4: {  	v55 =	vld [tilespmem:s12+$0x4870];
	[tilespmem:s12+$0x4800] =	vst v18;
	v18 =	vmul.f32 v49, v50  }
0xf5: {  	v56 =	vld [tilespmem:s12+$0x4880];
	[tilespmem:s12+$0x4810] =	vst v19;
	v19 =	vmul.f32 v51, v50  }
0xf6: {  	v57 =	vld [tilespmem:s12+$0x4890];
	[tilespmem:s12+$0x4820] =	vst v18;
	v18 =	vmul.f32 v52, v50  }
0xf7: {  	v58 =	vld [tilespmem:s12+$0x48A0];
	[tilespmem:s12+$0x4830] =	vst v19;
	v19 =	vmul.f32 v53, v50  }
0xf8: {  	v17 =	vperm.xlane v17, v16;
	v59 =	vld [tilespmem:s12+$0x48B0];
	[tilespmem:s12+$0x4840] =	vst v18;
	v18 =	vmul.f32 v54, v50  }
0xf9: {  	v60 =	vld [tilespmem:s12+$0x48C0];
	[tilespmem:s12+$0x4850] =	vst v19;
	v19 =	vmul.f32 v55, v50  }
0xfa: {  	v61 =	vld [tilespmem:s12+$0x48D0];
	[tilespmem:s12+$0x4860] =	vst v18;
	v18 =	vmul.f32 v56, v17  }
0xfb: {  	v62 =	vld [tilespmem:s12+$0x48E0];
	[tilespmem:s12+$0x4870] =	vst v19;
	v19 =	vmul.f32 v57, v17  }
0xfc: {  	v63 =	vld [tilespmem:s12+$0x48F0];
	[tilespmem:s12+$0x4880] =	vst v18;
	v18 =	vmul.f32 v58, v17  }
0xfd: {  	[tilespmem:s12+$0x4890] =	vst v19;
	v19 =	vmul.f32 v59, v17  }
0xfe: {  	p1 =	sne.s32 s11, $0x4;
	[tilespmem:s12+$0x48A0] =	vst v18;
	v18 =	vmul.f32 v60, v17  }
.Ltmp1:
0xff: {  	[tilespmem:s12+$0x48B0] =	vst v19;
	v19 =	vmul.f32 v61, v17;
	(pc) =	sbr.rel @p1 .LBB2_5-.Ltmp1, $4  }
0x100: {  	[tilespmem:s12+$0x48C0] =	vst v18;
	v18 =	vmul.f32 v62, v17  }
0x101: {  	[tilespmem:s12+$0x48D0] =	vst v19;
	v17 =	vmul.f32 v63, v17  }
0x102: {  	[tilespmem:s12+$0x48E0] =	vst v18  }
0x103: {  	s11 =	sadd.s32 $0x1, s11;
	[tilespmem:s12+$0x48F0] =	vst v17  }
0x104: {  	s11 =	sshll.u32 s10, $0x7;
	s10 =	sadd.s32 $0x1, s10  }
0x105: {  	s11 =	sand.u32 $0x3FFFFF80, s11;
	p1 =	sne.s32 s10, $0x7D  }
.Ltmp2:
0x106: {  	s11 =	sadd.s32 $0x80, s11;
	(pc) =	sbr.rel @p1 .LBB2_4-.Ltmp2, $4  }
0x107: {  	[spmem:s3] =	stream.indirect.scatter.add.f32 [tilespmem:s4], [sflag:$0x1], $0x80, s11, s5, $0xb8;
	[tilespmem:$0x1A180] =	vst v63  }
0x108: {  	_ =	swait.ge [sflag:s0], $0x2800  }
0x109: {  	[sflag:s0] =	ssyncset.done $0x0  }
0x10a: {  	[sflag:s0] =	ssyncadd.s32 $0xFFFFD800  }
0x10b: {  	s9 =	stileid.u32  }
0x10c: {  	s9 =	sshll.u32 s9, $0x6  }
0x10d: {  	[bflag:$0x0] =	sbarrier.arrive $0xFFFF;
	s10 =	sshrl.u32 s8, $0x3;
	s9 =	sor.u32 $0x1C01, s9  }
0x10e: {  	[hbm:s17], [sflag:s9] =	dma.local [spmem:s10], $0xD00  }
0x10f: {  	_ =	swait.ge [sflag:s0], $0xD00  }
0x110: {  	[sflag:s0] =	ssyncset.done $0x0  }
0x111: {  	[sflag:s0] =	ssyncadd.s32 $0xFFFFF300  }
0x112: {  	[hbm:s18], [sflag:s9] =	dma.local [spmem:s24], $0xD00  }
0x113: {  	_ =	swait.ge [sflag:s0], $0xD00  }
0x114: {  	[sflag:s0] =	ssyncset.done $0x0  }
0x115: {  	[sflag:s0] =	ssyncadd.s32 $0xFFFFF300  }
0x116: {  	[hbm:s19], [sflag:s9] =	dma.local [spmem:s25], $0xD00  }
0x117: {  	_ =	swait.ge [sflag:s0], $0xD00  }
0x118: {  	s7 =	sadd.s32 $0x1, s7;
	[sflag:s0] =	ssyncset.done $0x0  }
0x119: {  	p1 =	sne.s32 s7, s23;
	s10 =	sshrl.u32 @!p0 s30, $0x3;
	[sflag:s0] =	ssyncadd.s32 $0xFFFFF300  }
0x11a: {  	[hbm:s22], [sflag:s9] =	dma.local @!p0 [spmem:s10], $0x100  }
.Ltmp3:
0x11b: {  	_ = 	snop;
	(pc) =	sbr.rel @p1 .LBB2_1-.Ltmp3, $4  }
0x11c: {  	s9 =	simm.s32 @!p0 $0x1  }
0x11d: {  	_ =	swait.ge @!p0 [sflag:s9], $0x100  }
0x11e: {  	[sflag:s9] =	ssyncset.done @!p0 $0x0  }
0x11f: {  	[sflag:s9] =	ssyncadd.s32 @!p0 $0xFFFFFF00  }
0x120: {  	_ =	sfence.sel $0x180000  }
0x121: {  	[bflag:$0x0] =	sbarrier.arrive $0xFFFF  }
0x122: {  	_ =	strace $0x90000047  }
0x123: {  	s0 =	stileid.u32;
	[bflag:$0x2] =	sbarrier.arrive $0xFFFF  }
0x124: {  	p0 =	sne.s32 s0, $0x0;
	s0 =	rddreg [dreg:$0x4]  }
0x125: {  	s0 =	sadd.s32 @!p0 $0x100000, s0  }
0x126: {  	[sflag:s0] =	ssyncadd.tile.s32 @!p0 $0x1;
	_ =	shalt  }
.Lfunc_end2:
_tile_overlayer_lowered:
.L_overlay_start_2:
0x127: {  	(tag) =	ssettag $0x2  }
0x128: {  	s0 =	rddreg [dreg:$0x0];
	s2 =	stileid.u32  }
0x129: {  	s1 =	rddreg [dreg:$0x1];
	p0 =	sne.s32 s2, $0x0  }
0x12a: {  	s3 =	rddreg [dreg:$0x2];
	[bflag:$0x3] =	sbarrier.arrive $0xFFFF;
	s2 =	simm.s32 @!p0 $0x1C01  }
0x12b: {  	[timem:s3], [sflag:s2] =	dma.local @!p0 [hbm:s0], s1  }
0x12c: {  	s0 =	simm.s32 @!p0 $0x1  }
0x12d: {  	_ =	swait.ge @!p0 [sflag:s0], s1  }
0x12e: {  	s1 =	ssub.s32 @!p0 $0x0, s1;
	[sflag:s0] =	ssyncset.done @!p0 $0x0  }
0x12f: {  	[sflag:s0] =	ssyncadd.s32 @!p0 s1  }
0x130: {  	[bflag:$0x3] =	sbarrier.arrive $0xFFFF  }
0x131: {  	_ =	shalt  }

</sc_bundles>
